<compile_context>
chip_gen: v7x
topology: tpu7x:2x2x1
jax: 0.10.2.dev20260603
libtpu: 0.0.44.dev20260713+nightly
codegen_flags: <defaults>
</compile_context>

<pallas_src>
import functools

import jax
import jax.numpy as jnp
from jax import lax
from jax.experimental import pallas as pl
from jax.experimental.pallas import tpu as pltpu
from jax.experimental.pallas import tpu_sc as plsc

_N = 10000
_NP = 10240
_H = 32
_D = 128
_E = 320000
_NC = 2
_NS = 16
_NW = _NC * _NS
_CB = 128
_CH = 80
_EPAD = _NW * _CH * _CB
_RPT = _NP // _NS

_KB = 10240
_NK = -(-(_N * _H) // _KB)


def _sc_gather_scatter_add(table, srcw, dstw):
    mesh = plsc.VectorSubcoreMesh(core_axis_name="c", subcore_axis_name="s")

    @functools.partial(
        pl.kernel,
        out_type=jax.ShapeDtypeStruct((_NC, _NP, _H), jnp.float32),
        mesh=mesh,
        scratch_types=[
            pltpu.VMEM((_CH, _CB), jnp.int32),
            pltpu.VMEM((_CH, _CB), jnp.int32),
            pltpu.VMEM((_CB, _H), jnp.float32),
            pltpu.VMEM((_CB, _H), jnp.float32),
            pltpu.VMEM((_RPT, _H), jnp.float32),
            pltpu.VMEM_SHARED((_NP, _H), jnp.float32),
            pltpu.SemaphoreType.DMA,
            pltpu.SemaphoreType.DMA,
        ],
        compiler_params=pltpu.CompilerParams(use_tc_tiling_on_sc=False),
    )
    def run(table_hbm, srcw_hbm, dstw_hbm, out_hbm, src_v, dst_v, buf_a, buf_b,
            zero_v, acc_sh, sem_a, sem_b):
        c = lax.axis_index("c")
        s = lax.axis_index("s")
        w = c * _NS + s

        zvec = jnp.zeros((16,), jnp.float32)

        def zrow(r, carry):
            zero_v[r, pl.ds(0, 16)] = zvec
            zero_v[r, pl.ds(16, 16)] = zvec
            return carry

        lax.fori_loop(0, _RPT, zrow, 0)
        pltpu.sync_copy(zero_v, acc_sh.at[pl.ds(s * _RPT, _RPT)])

        pltpu.sync_copy(srcw_hbm.at[w], src_v)
        pltpu.sync_copy(dstw_hbm.at[w], dst_v)
        plsc.subcore_barrier()

        def step(i, carry):
            j0 = 2 * i
            j1 = 2 * i + 1
            da = pltpu.async_copy(table_hbm.at[src_v.at[j0]], buf_a, sem_a)
            db = pltpu.async_copy(table_hbm.at[src_v.at[j1]], buf_b, sem_b)
            da.wait()
            pltpu.sync_copy(buf_a, acc_sh.at[dst_v.at[j0]], add=True)
            db.wait()
            pltpu.sync_copy(buf_b, acc_sh.at[dst_v.at[j1]], add=True)
            return carry

        lax.fori_loop(0, _CH // 2, step, 0)

        plsc.subcore_barrier()
        pltpu.sync_copy(acc_sh.at[pl.ds(s * _RPT, _RPT)],
                        out_hbm.at[c, pl.ds(s * _RPT, _RPT)])

    return run(table, srcw, dstw)


def _tc_first(deg_pair, x, W1):

    def body(degp_ref, x_ref, w_ref, dinv_ref, u_ref):
        deg = degp_ref[0, pl.ds(0, _N), :] + degp_ref[1, pl.ds(0, _N), :]
        dinv = lax.rsqrt(deg + 1.0)
        t = jnp.dot(x_ref[...], w_ref[...], preferred_element_type=jnp.float32, precision=lax.Precision.DEFAULT)
        dinv_ref[pl.ds(0, _N), :] = dinv
        u_ref[pl.ds(0, _N), :] = dinv * t

    return pl.pallas_call(
        body,
        out_shape=(jax.ShapeDtypeStruct((_NP, _H), jnp.float32),
                   jax.ShapeDtypeStruct((_NP, _H), jnp.float32)),
    )(deg_pair, x, W1)


def _tc_mid(agg_pair, u_prev, dinv, b, W):

    def body(agg_ref, u_ref, dinv_ref, b_ref, w_ref, out_ref):
        dinv = dinv_ref[pl.ds(0, _N), :]
        tot = (agg_ref[0, pl.ds(0, _N), :] + agg_ref[1, pl.ds(0, _N), :]
               + u_ref[pl.ds(0, _N), :])
        h = jax.nn.relu(dinv * tot + b_ref[...])
        out_ref[pl.ds(0, _N), :] = dinv * jnp.dot(
            h, w_ref[...], preferred_element_type=jnp.float32, precision=lax.Precision.DEFAULT)

    return pl.pallas_call(
        body,
        out_shape=jax.ShapeDtypeStruct((_NP, _H), jnp.float32),
    )(agg_pair, u_prev, dinv, b, W)


def _tc_last(agg_pair, u_prev, dinv, b):

    def body(agg_ref, u_ref, dinv_ref, b_ref, out_ref):
        dinv = dinv_ref[pl.ds(0, _N), :]
        tot = (agg_ref[0, pl.ds(0, _N), :] + agg_ref[1, pl.ds(0, _N), :]
               + u_ref[pl.ds(0, _N), :])
        out_ref[...] = jax.nn.relu(dinv * tot + b_ref[...])

    return pl.pallas_call(
        body,
        out_shape=jax.ShapeDtypeStruct((_N, _H), jnp.float32),
    )(agg_pair, u_prev, dinv, b)


def _tc_readout(flat, Wp1, bp1, Wp2, bp2, Wv1, bv1, Wv2, bv2):

    def body(f_ref, wp1_ref, wv1_ref, bp1_ref, bv1_ref, wp2_ref, bp2_ref,
             wv2_ref, bv2_ref, x_ref, v_ref, accp, accv):
        k = pl.program_id(0)
        valid = _N * _H - k * _KB
        fmask = lax.broadcasted_iota(jnp.int32, (1, _KB), 1) < valid
        wmask = lax.broadcasted_iota(jnp.int32, (_KB, 256), 0) < valid
        f = jnp.where(fmask, f_ref[...], 0.0)
        wp = jnp.where(wmask, wp1_ref[...], 0.0)
        wv = jnp.where(wmask, wv1_ref[...], 0.0)
        sp = jnp.dot(f, wp, preferred_element_type=jnp.float32,
                     precision=lax.Precision.DEFAULT)
        sv = jnp.dot(f, wv, preferred_element_type=jnp.float32,
                     precision=lax.Precision.DEFAULT)

        @pl.when(k == 0)
        def _():
            accp[...] = sp
            accv[...] = sv

        @pl.when(k > 0)
        def _():
            accp[...] += sp
            accv[...] += sv

        @pl.when(k == _NK - 1)
        def _():
            p = jax.nn.relu(accp[...] + bp1_ref[...])
            v = jax.nn.relu(accv[...] + bv1_ref[...])
            x_ref[...] = jnp.dot(p, wp2_ref[...],
                                 preferred_element_type=jnp.float32,
                                 precision=lax.Precision.DEFAULT) + bp2_ref[...]
            v_ref[...] = (jnp.sum(v * wv2_ref[...], axis=1, keepdims=True)
                          + bv2_ref[...])

    return pl.pallas_call(
        body,
        grid=(_NK,),
        in_specs=[
            pl.BlockSpec((1, _KB), lambda k: (0, k)),
            pl.BlockSpec((_KB, 256), lambda k: (k, 0)),
            pl.BlockSpec((_KB, 256), lambda k: (k, 0)),
            pl.BlockSpec((1, 256), lambda k: (0, 0)),
            pl.BlockSpec((1, 256), lambda k: (0, 0)),
            pl.BlockSpec((256, _N), lambda k: (0, 0)),
            pl.BlockSpec((1, _N), lambda k: (0, 0)),
            pl.BlockSpec((1, 256), lambda k: (0, 0)),
            pl.BlockSpec((1, 1), lambda k: (0, 0)),
        ],
        out_specs=(pl.BlockSpec((1, _N), lambda k: (0, 0)),
                   pl.BlockSpec((1, 1), lambda k: (0, 0))),
        out_shape=(jax.ShapeDtypeStruct((1, _N), jnp.float32),
                   jax.ShapeDtypeStruct((1, 1), jnp.float32)),
        scratch_shapes=[pltpu.VMEM((1, 256), jnp.float32),
                        pltpu.VMEM((1, 256), jnp.float32)],
        compiler_params=pltpu.CompilerParams(
            vmem_limit_bytes=100 * 1024 * 1024),
    )(flat, Wp1, Wv1, bp1, bv1, Wp2, bp2, Wv2, bv2)


def kernel(x, edge_index, W1, b1, W2, b2, W3, b3, W4, b4, W5, b5,
           Wp1, bp1, Wp2, bp2, Wv1, bv1, Wv2, bv2):
    src = edge_index[0]
    dst = edge_index[1]
    npad = _EPAD - _E
    pidx = jnp.arange(npad, dtype=jnp.int32)
    pad_src = (pidx * 13) % _N
    pad_dst = _N + pidx % (_NP - _N)
    srcw = jnp.concatenate([src, pad_src]).reshape(_NW, _CH, _CB)
    dstw = jnp.concatenate([dst, pad_dst]).reshape(_NW, _CH, _CB)

    ones_t = jnp.ones((_NP, _H), jnp.float32)
    deg_pair = _sc_gather_scatter_add(ones_t, dstw, dstw)
    dinv, u = _tc_first(deg_pair, x, W1)

    for b, Wnext in ((b1, W2), (b2, W3), (b3, W4), (b4, W5)):
        agg = _sc_gather_scatter_add(u, srcw, dstw)
        u = _tc_mid(agg, u, dinv, b.reshape(1, _H), Wnext)

    agg = _sc_gather_scatter_add(u, srcw, dstw)
    h5 = _tc_last(agg, u, dinv, b5.reshape(1, _H))

    flat = h5.reshape(1, _N * _H)
    X, V = _tc_readout(flat, Wp1, bp1.reshape(1, 256), Wp2, bp2.reshape(1, _N),
                       Wv1, bv1.reshape(1, 256), Wv2.reshape(1, 256),
                       bv2.reshape(1, 1))
    return (X, V)

# --- scband reference (transcript-rebuilt; emitter-appended) ---
"""Pipeline reference for scband-gcn-1357209665582 (READ-ONLY COPY).

The authoritative reference and input builder live on the scoring server;
editing this copy changes nothing except your own understanding.
"""

import jax, jax.numpy as jnp
import numpy as np

N = 10000
E = 320000
D = 128
H = 32


def setup_inputs(seed: int = 0) -> dict:
    key = jax.random.key(seed)
    ks = jax.random.split(key, 20)
    inp = {}
    inp['x'] = jax.random.normal(ks[0], (N, D), dtype=jnp.float32)
    inp['edge_index'] = jax.random.randint(ks[1], (2, E), 0, N, dtype=jnp.int32)
    # GCNConv weights (glorot-ish scale) and biases
    inp['W1'] = jax.random.normal(ks[2], (D, H), dtype=jnp.float32) * 0.05
    inp['b1'] = jnp.zeros((H,), dtype=jnp.float32)
    inp['W2'] = jax.random.normal(ks[3], (H, H), dtype=jnp.float32) * 0.1
    inp['b2'] = jnp.zeros((H,), dtype=jnp.float32)
    inp['W3'] = jax.random.normal(ks[4], (H, H), dtype=jnp.float32) * 0.1
    inp['b3'] = jnp.zeros((H,), dtype=jnp.float32)
    inp['W4'] = jax.random.normal(ks[5], (H, H), dtype=jnp.float32) * 0.1
    inp['b4'] = jnp.zeros((H,), dtype=jnp.float32)
    inp['W5'] = jax.random.normal(ks[6], (H, H), dtype=jnp.float32) * 0.1
    inp['b5'] = jnp.zeros((H,), dtype=jnp.float32)
    # readout heads
    inp['Wp1'] = jax.random.normal(ks[7], (N * H, 256), dtype=jnp.float32) * 0.002
    inp['bp1'] = jnp.zeros((256,), dtype=jnp.float32)
    inp['Wp2'] = jax.random.normal(ks[8], (256, N), dtype=jnp.float32) * 0.06
    inp['bp2'] = jnp.zeros((N,), dtype=jnp.float32)
    inp['Wv1'] = jax.random.normal(ks[9], (N * H, 256), dtype=jnp.float32) * 0.002
    inp['bv1'] = jnp.zeros((256,), dtype=jnp.float32)
    inp['Wv2'] = jax.random.normal(ks[10], (256, 1), dtype=jnp.float32) * 0.06
    inp['bv2'] = jnp.zeros((1,), dtype=jnp.float32)
    return inp


def _gcn_conv(x, src, dst, W, b):
    n = x.shape[0]
    h = x @ W
    deg = jnp.zeros((n,), dtype=x.dtype).at[dst].add(1.0)
    dinv = jnp.where(deg > 0, jax.lax.rsqrt(jnp.maximum(deg, 1e-12)), 0.0)
    norm = dinv[src] * dinv[dst]
    msg = h[src] * norm[:, None]
    out = jnp.zeros_like(h).at[dst].add(msg)
    return out + b


def reference(x, edge_index, W1, b1, W2, b2, W3, b3, W4, b4, W5, b5, Wp1, bp1, Wp2, bp2, Wv1, bv1, Wv2, bv2):
    # add self loops (PyG GCNConv default)
    loop = jnp.arange(N, dtype=edge_index.dtype)
    src = jnp.concatenate([edge_index[0], loop])
    dst = jnp.concatenate([edge_index[1], loop])
    h = jax.nn.relu(_gcn_conv(x, src, dst, W1, b1))
    h = jax.nn.relu(_gcn_conv(h, src, dst, W2, b2))
    h = jax.nn.relu(_gcn_conv(h, src, dst, W3, b3))
    h = jax.nn.relu(_gcn_conv(h, src, dst, W4, b4))
    h = jax.nn.relu(_gcn_conv(h, src, dst, W5, b5))
    flat = h.reshape(-1, N * H)
    X = jax.nn.relu(flat @ Wp1 + bp1) @ Wp2 + bp2
    V = jax.nn.relu(flat @ Wv1 + bv1) @ Wv2 + bv2
    return (X, V)

if __name__ == "__main__":
    import jax
    _d = setup_inputs()
    print(jax.jit(kernel)(*tuple(_d.values())))

</pallas_src>

<mosaic_0001>
#map = affine_map<(d0, d1) -> (0, 0)>
#map1 = affine_map<(d0, d1) -> (0, 0, 0)>
module attributes {stable_mosaic.version = 14 : i64} {
  func.func @run(%arg0: i32, %arg1: i32, %arg2: memref<10240x32xf32, #tpu.memory_space<hbm>>, %arg3: memref<32x80x128xi32, #tpu.memory_space<hbm>>, %arg4: memref<32x80x128xi32, #tpu.memory_space<hbm>>, %arg5: memref<2x10240x32xf32, #tpu.memory_space<hbm>>, %arg6: memref<80x128xi32, #tpu.memory_space<vmem>>, %arg7: memref<80x128xi32, #tpu.memory_space<vmem>>, %arg8: memref<128x32xf32, #tpu.memory_space<vmem>>, %arg9: memref<128x32xf32, #tpu.memory_space<vmem>>, %arg10: memref<640x32xf32, #tpu.memory_space<vmem>>, %arg11: memref<10240x32xf32, #tpu.memory_space<vmem_shared>>, %arg12: memref<!tpu.dma_semaphore, #tpu.memory_space<semaphore_mem>>, %arg13: memref<!tpu.dma_semaphore, #tpu.memory_space<semaphore_mem>>) attributes {dimension_semantics = [#tpu.dimension_semantics<core_parallel>, #tpu.dimension_semantics<subcore_parallel>], iteration_bounds = array<i64: 2, 16>, scalar_prefetch = 0 : i64, scratch_operands = 8 : i64, tpu.core_type = #tpu.core_type<sc_vector_subcore>, window_params = [{transform_indices = #map}, {transform_indices = #map1}, {transform_indices = #map1}, {transform_indices = #map1}]} {
    %mul3A = arith.constant 16 : i32
    %mul3A_0 = arith.muli %arg0, %mul3A : i32
    %add3A = arith.addi %mul3A_0, %arg1 : i32
    %broadcast_in_dim3A = arith.constant 0.000000e+00 : f32
    %broadcast_in_dim3A_1 = vector.broadcast %broadcast_in_dim3A : f32 to vector<16xf32>
    %scan3A = arith.constant 0 : i32
    %scan3A_2 = arith.constant 0 : i32
    %scan3A_3 = arith.constant 640 : i32
    %scan3A_4 = arith.addi %scan3A_2, %scan3A_3 : i32
    %scan3A_5 = arith.constant 1 : i32
    scf.for %scan3A_20 = %scan3A_2 to %scan3A_4 step %scan3A_5  : i32 {
      %swap3A = arith.index_cast %scan3A_20 : i32 to index
      %swap3A_21 = arith.constant 0 : index
      %swap3A_22 = tpu.vector_load %arg10[%swap3A, %swap3A_21] {strides = array<i32>} : memref<640x32xf32, #tpu.memory_space<vmem>>, vector<1x16xf32>,
      %swap3A_23 = vector.shape_cast %swap3A_22 : vector<1x16xf32> to vector<16xf32>
      %swap3A_24 = vector.shape_cast %broadcast_in_dim3A_1 : vector<16xf32> to vector<1x16xf32>
      tpu.vector_store %arg10[%swap3A, %swap3A_21], %swap3A_24 {strides = array<i32>} : memref<640x32xf32, #tpu.memory_space<vmem>>, vector<1x16xf32>,
      %swap3A_25 = arith.index_cast %scan3A_20 : i32 to index
      %swap3A_26 = arith.constant 16 : index
      %swap3A_27 = tpu.vector_load %arg10[%swap3A_25, %swap3A_26] {strides = array<i32>} : memref<640x32xf32, #tpu.memory_space<vmem>>, vector<1x16xf32>,
      %swap3A_28 = vector.shape_cast %swap3A_27 : vector<1x16xf32> to vector<16xf32>
      %swap3A_29 = vector.shape_cast %broadcast_in_dim3A_1 : vector<16xf32> to vector<1x16xf32>
      tpu.vector_store %arg10[%swap3A_25, %swap3A_26], %swap3A_29 {strides = array<i32>} : memref<640x32xf32, #tpu.memory_space<vmem>>, vector<1x16xf32>,
    }
    %scan3A_6 = arith.constant 640 : i32
    %mul3A_7 = arith.constant 640 : i32
    %mul3A_8 = arith.muli %arg1, %mul3A_7 : i32
    "tpu.region"() ({
      %run_scoped3A = tpu.sem_alloc : memref<!tpu.dma_semaphore, #tpu.memory_space<semaphore_mem>>
      %dma_start3A = arith.constant 0 : i32
      %dma_start3A_20 = tpu.memref_slice %arg11[%mul3A_8, %dma_start3A] : memref<10240x32xf32, #tpu.memory_space<vmem_shared>> -> memref<640x32xf32, #tpu.memory_space<vmem_shared>>
      %dma_start3A_21 = arith.constant 0 : i32
      %dma_start3A_22 = tpu.memref_slice %arg11[%mul3A_8, %dma_start3A_21] : memref<10240x32xf32, #tpu.memory_space<vmem_shared>> -> memref<640x32xf32, #tpu.memory_space<vmem_shared>>
      tpu.enqueue_dma source(%arg10 : memref<640x32xf32, #tpu.memory_space<vmem>>) target(%dma_start3A_22 : memref<640x32xf32, #tpu.memory_space<vmem_shared>>) target_semaphore(%run_scoped3A : memref<!tpu.dma_semaphore, #tpu.memory_space<semaphore_mem>>)
      %dma_wait3A = arith.constant 0 : i32
      %dma_wait3A_23 = tpu.memref_slice %arg11[%mul3A_8, %dma_wait3A] : memref<10240x32xf32, #tpu.memory_space<vmem_shared>> -> memref<640x32xf32, #tpu.memory_space<vmem_shared>>
      %dma_wait3A_24 = arith.constant 0 : i32
      %dma_wait3A_25 = tpu.memref_slice %arg11[%mul3A_8, %dma_wait3A_24] : memref<10240x32xf32, #tpu.memory_space<vmem_shared>> -> memref<640x32xf32, #tpu.memory_space<vmem_shared>>
      tpu.wait_dma2 semaphore(%run_scoped3A : memref<!tpu.dma_semaphore, #tpu.memory_space<semaphore_mem>>) src(%arg10 : memref<640x32xf32, #tpu.memory_space<vmem>>) dst(%dma_wait3A_25 : memref<640x32xf32, #tpu.memory_space<vmem_shared>>)
      tpu.yield
    }) : () -> ()
    "tpu.region"() ({
      %run_scoped3A = tpu.sem_alloc : memref<!tpu.dma_semaphore, #tpu.memory_space<semaphore_mem>>
      %dma_start3A = arith.constant 0 : i32
      %dma_start3A_20 = arith.constant 0 : i32
      %dma_start3A_21 = tpu.memref_slice %arg3[%add3A, %dma_start3A, %dma_start3A_20] : memref<32x80x128xi32, #tpu.memory_space<hbm>> -> memref<1x80x128xi32, #tpu.memory_space<hbm>>
      %dma_start3A_22 = tpu.memref_squeeze %dma_start3A_21 : memref<1x80x128xi32, #tpu.memory_space<hbm>> -> memref<80x128xi32, #tpu.memory_space<hbm>>
      %dma_start3A_23 = arith.constant 0 : i32
      %dma_start3A_24 = arith.constant 0 : i32
      %dma_start3A_25 = tpu.memref_slice %arg3[%add3A, %dma_start3A_23, %dma_start3A_24] : memref<32x80x128xi32, #tpu.memory_space<hbm>> -> memref<1x80x128xi32, #tpu.memory_space<hbm>>
      %dma_start3A_26 = tpu.memref_squeeze %dma_start3A_25 : memref<1x80x128xi32, #tpu.memory_space<hbm>> -> memref<80x128xi32, #tpu.memory_space<hbm>>
      tpu.enqueue_dma source(%dma_start3A_26 : memref<80x128xi32, #tpu.memory_space<hbm>>) target(%arg6 : memref<80x128xi32, #tpu.memory_space<vmem>>) target_semaphore(%run_scoped3A : memref<!tpu.dma_semaphore, #tpu.memory_space<semaphore_mem>>)
      %dma_wait3A = arith.constant 0 : i32
      %dma_wait3A_27 = arith.constant 0 : i32
      %dma_wait3A_28 = tpu.memref_slice %arg3[%add3A, %dma_wait3A, %dma_wait3A_27] : memref<32x80x128xi32, #tpu.memory_space<hbm>> -> memref<1x80x128xi32, #tpu.memory_space<hbm>>
      %dma_wait3A_29 = tpu.memref_squeeze %dma_wait3A_28 : memref<1x80x128xi32, #tpu.memory_space<hbm>> -> memref<80x128xi32, #tpu.memory_space<hbm>>
      %dma_wait3A_30 = arith.constant 0 : i32
      %dma_wait3A_31 = arith.constant 0 : i32
      %dma_wait3A_32 = tpu.memref_slice %arg3[%add3A, %dma_wait3A_30, %dma_wait3A_31] : memref<32x80x128xi32, #tpu.memory_space<hbm>> -> memref<1x80x128xi32, #tpu.memory_space<hbm>>
      %dma_wait3A_33 = tpu.memref_squeeze %dma_wait3A_32 : memref<1x80x128xi32, #tpu.memory_space<hbm>> -> memref<80x128xi32, #tpu.memory_space<hbm>>
      tpu.wait_dma2 semaphore(%run_scoped3A : memref<!tpu.dma_semaphore, #tpu.memory_space<semaphore_mem>>) src(%dma_wait3A_33 : memref<80x128xi32, #tpu.memory_space<hbm>>) dst(%arg6 : memref<80x128xi32, #tpu.memory_space<vmem>>)
      tpu.yield
    }) : () -> ()
    "tpu.region"() ({
      %run_scoped3A = tpu.sem_alloc : memref<!tpu.dma_semaphore, #tpu.memory_space<semaphore_mem>>
      %dma_start3A = arith.constant 0 : i32
      %dma_start3A_20 = arith.constant 0 : i32
      %dma_start3A_21 = tpu.memref_slice %arg4[%add3A, %dma_start3A, %dma_start3A_20] : memref<32x80x128xi32, #tpu.memory_space<hbm>> -> memref<1x80x128xi32, #tpu.memory_space<hbm>>
      %dma_start3A_22 = tpu.memref_squeeze %dma_start3A_21 : memref<1x80x128xi32, #tpu.memory_space<hbm>> -> memref<80x128xi32, #tpu.memory_space<hbm>>
      %dma_start3A_23 = arith.constant 0 : i32
      %dma_start3A_24 = arith.constant 0 : i32
      %dma_start3A_25 = tpu.memref_slice %arg4[%add3A, %dma_start3A_23, %dma_start3A_24] : memref<32x80x128xi32, #tpu.memory_space<hbm>> -> memref<1x80x128xi32, #tpu.memory_space<hbm>>
      %dma_start3A_26 = tpu.memref_squeeze %dma_start3A_25 : memref<1x80x128xi32, #tpu.memory_space<hbm>> -> memref<80x128xi32, #tpu.memory_space<hbm>>
      tpu.enqueue_dma source(%dma_start3A_26 : memref<80x128xi32, #tpu.memory_space<hbm>>) target(%arg7 : memref<80x128xi32, #tpu.memory_space<vmem>>) target_semaphore(%run_scoped3A : memref<!tpu.dma_semaphore, #tpu.memory_space<semaphore_mem>>)
      %dma_wait3A = arith.constant 0 : i32
      %dma_wait3A_27 = arith.constant 0 : i32
      %dma_wait3A_28 = tpu.memref_slice %arg4[%add3A, %dma_wait3A, %dma_wait3A_27] : memref<32x80x128xi32, #tpu.memory_space<hbm>> -> memref<1x80x128xi32, #tpu.memory_space<hbm>>
      %dma_wait3A_29 = tpu.memref_squeeze %dma_wait3A_28 : memref<1x80x128xi32, #tpu.memory_space<hbm>> -> memref<80x128xi32, #tpu.memory_space<hbm>>
      %dma_wait3A_30 = arith.constant 0 : i32
      %dma_wait3A_31 = arith.constant 0 : i32
      %dma_wait3A_32 = tpu.memref_slice %arg4[%add3A, %dma_wait3A_30, %dma_wait3A_31] : memref<32x80x128xi32, #tpu.memory_space<hbm>> -> memref<1x80x128xi32, #tpu.memory_space<hbm>>
      %dma_wait3A_33 = tpu.memref_squeeze %dma_wait3A_32 : memref<1x80x128xi32, #tpu.memory_space<hbm>> -> memref<80x128xi32, #tpu.memory_space<hbm>>
      tpu.wait_dma2 semaphore(%run_scoped3A : memref<!tpu.dma_semaphore, #tpu.memory_space<semaphore_mem>>) src(%dma_wait3A_33 : memref<80x128xi32, #tpu.memory_space<hbm>>) dst(%arg7 : memref<80x128xi32, #tpu.memory_space<vmem>>)
      tpu.yield
    }) : () -> ()
    %barrier3A = arith.constant 0 : index
    tpu.barrier barrier_id(%barrier3A)
    %scan3A_9 = arith.constant 0 : i32
    %scan3A_10 = arith.constant 0 : i32
    %scan3A_11 = arith.constant 40 : i32
    %scan3A_12 = arith.addi %scan3A_10, %scan3A_11 : i32
    %scan3A_13 = arith.constant 1 : i32
    scf.for %scan3A_20 = %scan3A_10 to %scan3A_12 step %scan3A_13  : i32 {
      %mul3A_21 = arith.constant 2 : i32
      %mul3A_22 = arith.muli %mul3A_21, %scan3A_20 : i32
      %mul3A_23 = arith.constant 2 : i32
      %mul3A_24 = arith.muli %mul3A_23, %scan3A_20 : i32
      %add3A_25 = arith.constant 1 : i32
      %add3A_26 = arith.addi %mul3A_24, %add3A_25 : i32
      %dma_start3A = arith.constant 0 : i32
      %dma_start3A_27 = tpu.memref_slice %arg6[%mul3A_22, %dma_start3A] : memref<80x128xi32, #tpu.memory_space<vmem>> -> memref<1x128xi32, #tpu.memory_space<vmem>>
      %dma_start3A_28 = tpu.memref_squeeze %dma_start3A_27 : memref<1x128xi32, #tpu.memory_space<vmem>> -> memref<128xi32, #tpu.memory_space<vmem>>
      %dma_start3A_29 = arith.constant 0 : i32
      %dma_start3A_30 = arith.constant 0 : i32
      %dma_start3A_31 = tpu.memref_slice %arg2[%dma_start3A_29, %dma_start3A_30] : memref<10240x32xf32, #tpu.memory_space<hbm>> -> memref<10240x32xf32, #tpu.memory_space<hbm>>
      tpu.enqueue_indirect_dma source(%dma_start3A_31 : memref<10240x32xf32, #tpu.memory_space<hbm>>) target(%arg8 : memref<128x32xf32, #tpu.memory_space<vmem>>) offsets(%dma_start3A_28 : memref<128xi32, #tpu.memory_space<vmem>>) semaphore(%arg12 : memref<!tpu.dma_semaphore, #tpu.memory_space<semaphore_mem>>)
      %dma_start3A_32 = arith.constant 0 : i32
      %dma_start3A_33 = tpu.memref_slice %arg6[%add3A_26, %dma_start3A_32] : memref<80x128xi32, #tpu.memory_space<vmem>> -> memref<1x128xi32, #tpu.memory_space<vmem>>
      %dma_start3A_34 = tpu.memref_squeeze %dma_start3A_33 : memref<1x128xi32, #tpu.memory_space<vmem>> -> memref<128xi32, #tpu.memory_space<vmem>>
      %dma_start3A_35 = arith.constant 0 : i32
      %dma_start3A_36 = arith.constant 0 : i32
      %dma_start3A_37 = tpu.memref_slice %arg2[%dma_start3A_35, %dma_start3A_36] : memref<10240x32xf32, #tpu.memory_space<hbm>> -> memref<10240x32xf32, #tpu.memory_space<hbm>>
      tpu.enqueue_indirect_dma source(%dma_start3A_37 : memref<10240x32xf32, #tpu.memory_space<hbm>>) target(%arg9 : memref<128x32xf32, #tpu.memory_space<vmem>>) offsets(%dma_start3A_34 : memref<128xi32, #tpu.memory_space<vmem>>) semaphore(%arg13 : memref<!tpu.dma_semaphore, #tpu.memory_space<semaphore_mem>>)
      %dma_wait3A = arith.constant 0 : i32
      %dma_wait3A_38 = tpu.memref_slice %arg6[%mul3A_22, %dma_wait3A] : memref<80x128xi32, #tpu.memory_space<vmem>> -> memref<1x128xi32, #tpu.memory_space<vmem>>
      %dma_wait3A_39 = tpu.memref_squeeze %dma_wait3A_38 : memref<1x128xi32, #tpu.memory_space<vmem>> -> memref<128xi32, #tpu.memory_space<vmem>>
      %dma_wait3A_40 = arith.constant 0 : i32
      %dma_wait3A_41 = arith.constant 0 : i32
      %dma_wait3A_42 = tpu.memref_slice %arg2[%dma_wait3A_40, %dma_wait3A_41] : memref<10240x32xf32, #tpu.memory_space<hbm>> -> memref<10240x32xf32, #tpu.memory_space<hbm>>
      tpu.wait_indirect_dma semaphore(%arg12 : memref<!tpu.dma_semaphore, #tpu.memory_space<semaphore_mem>>) src(%dma_wait3A_42 : memref<10240x32xf32, #tpu.memory_space<hbm>>) dst(%arg8 : memref<128x32xf32, #tpu.memory_space<vmem>>)
      "tpu.region"() ({
        %run_scoped3A = tpu.sem_alloc : memref<!tpu.dma_semaphore, #tpu.memory_space<semaphore_mem>>
        %dma_start3A_49 = arith.constant 0 : i32
        %dma_start3A_50 = tpu.memref_slice %arg7[%mul3A_22, %dma_start3A_49] : memref<80x128xi32, #tpu.memory_space<vmem>> -> memref<1x128xi32, #tpu.memory_space<vmem>>
        %dma_start3A_51 = tpu.memref_squeeze %dma_start3A_50 : memref<1x128xi32, #tpu.memory_space<vmem>> -> memref<128xi32, #tpu.memory_space<vmem>>
        %dma_start3A_52 = arith.constant 0 : i32
        %dma_start3A_53 = arith.constant 0 : i32
        %dma_start3A_54 = tpu.memref_slice %arg11[%dma_start3A_52, %dma_start3A_53] : memref<10240x32xf32, #tpu.memory_space<vmem_shared>> -> memref<10240x32xf32, #tpu.memory_space<vmem_shared>>
        tpu.enqueue_indirect_dma source(%arg8 : memref<128x32xf32, #tpu.memory_space<vmem>>) target(%dma_start3A_54 : memref<10240x32xf32, #tpu.memory_space<vmem_shared>>) offsets(%dma_start3A_51 : memref<128xi32, #tpu.memory_space<vmem>>) semaphore(%run_scoped3A : memref<!tpu.dma_semaphore, #tpu.memory_space<semaphore_mem>>) {add = true}
        %dma_wait3A_55 = arith.constant 0 : i32
        %dma_wait3A_56 = tpu.memref_slice %arg7[%mul3A_22, %dma_wait3A_55] : memref<80x128xi32, #tpu.memory_space<vmem>> -> memref<1x128xi32, #tpu.memory_space<vmem>>
        %dma_wait3A_57 = tpu.memref_squeeze %dma_wait3A_56 : memref<1x128xi32, #tpu.memory_space<vmem>> -> memref<128xi32, #tpu.memory_space<vmem>>
        %dma_wait3A_58 = arith.constant 0 : i32
        %dma_wait3A_59 = arith.constant 0 : i32
        %dma_wait3A_60 = tpu.memref_slice %arg11[%dma_wait3A_58, %dma_wait3A_59] : memref<10240x32xf32, #tpu.memory_space<vmem_shared>> -> memref<10240x32xf32, #tpu.memory_space<vmem_shared>>
        tpu.wait_indirect_dma semaphore(%run_scoped3A : memref<!tpu.dma_semaphore, #tpu.memory_space<semaphore_mem>>) src(%arg8 : memref<128x32xf32, #tpu.memory_space<vmem>>) dst(%dma_wait3A_60 : memref<10240x32xf32, #tpu.memory_space<vmem_shared>>)
        tpu.yield
      }) : () -> ()
      %dma_wait3A_43 = arith.constant 0 : i32
      %dma_wait3A_44 = tpu.memref_slice %arg6[%add3A_26, %dma_wait3A_43] : memref<80x128xi32, #tpu.memory_space<vmem>> -> memref<1x128xi32, #tpu.memory_space<vmem>>
      %dma_wait3A_45 = tpu.memref_squeeze %dma_wait3A_44 : memref<1x128xi32, #tpu.memory_space<vmem>> -> memref<128xi32, #tpu.memory_space<vmem>>
      %dma_wait3A_46 = arith.constant 0 : i32
      %dma_wait3A_47 = arith.constant 0 : i32
      %dma_wait3A_48 = tpu.memref_slice %arg2[%dma_wait3A_46, %dma_wait3A_47] : memref<10240x32xf32, #tpu.memory_space<hbm>> -> memref<10240x32xf32, #tpu.memory_space<hbm>>
      tpu.wait_indirect_dma semaphore(%arg13 : memref<!tpu.dma_semaphore, #tpu.memory_space<semaphore_mem>>) src(%dma_wait3A_48 : memref<10240x32xf32, #tpu.memory_space<hbm>>) dst(%arg9 : memref<128x32xf32, #tpu.memory_space<vmem>>)
      "tpu.region"() ({
        %run_scoped3A = tpu.sem_alloc : memref<!tpu.dma_semaphore, #tpu.memory_space<semaphore_mem>>
        %dma_start3A_49 = arith.constant 0 : i32
        %dma_start3A_50 = tpu.memref_slice %arg7[%add3A_26, %dma_start3A_49] : memref<80x128xi32, #tpu.memory_space<vmem>> -> memref<1x128xi32, #tpu.memory_space<vmem>>
        %dma_start3A_51 = tpu.memref_squeeze %dma_start3A_50 : memref<1x128xi32, #tpu.memory_space<vmem>> -> memref<128xi32, #tpu.memory_space<vmem>>
        %dma_start3A_52 = arith.constant 0 : i32
        %dma_start3A_53 = arith.constant 0 : i32
        %dma_start3A_54 = tpu.memref_slice %arg11[%dma_start3A_52, %dma_start3A_53] : memref<10240x32xf32, #tpu.memory_space<vmem_shared>> -> memref<10240x32xf32, #tpu.memory_space<vmem_shared>>
        tpu.enqueue_indirect_dma source(%arg9 : memref<128x32xf32, #tpu.memory_space<vmem>>) target(%dma_start3A_54 : memref<10240x32xf32, #tpu.memory_space<vmem_shared>>) offsets(%dma_start3A_51 : memref<128xi32, #tpu.memory_space<vmem>>) semaphore(%run_scoped3A : memref<!tpu.dma_semaphore, #tpu.memory_space<semaphore_mem>>) {add = true}
        %dma_wait3A_55 = arith.constant 0 : i32
        %dma_wait3A_56 = tpu.memref_slice %arg7[%add3A_26, %dma_wait3A_55] : memref<80x128xi32, #tpu.memory_space<vmem>> -> memref<1x128xi32, #tpu.memory_space<vmem>>
        %dma_wait3A_57 = tpu.memref_squeeze %dma_wait3A_56 : memref<1x128xi32, #tpu.memory_space<vmem>> -> memref<128xi32, #tpu.memory_space<vmem>>
        %dma_wait3A_58 = arith.constant 0 : i32
        %dma_wait3A_59 = arith.constant 0 : i32
        %dma_wait3A_60 = tpu.memref_slice %arg11[%dma_wait3A_58, %dma_wait3A_59] : memref<10240x32xf32, #tpu.memory_space<vmem_shared>> -> memref<10240x32xf32, #tpu.memory_space<vmem_shared>>
        tpu.wait_indirect_dma semaphore(%run_scoped3A : memref<!tpu.dma_semaphore, #tpu.memory_space<semaphore_mem>>) src(%arg9 : memref<128x32xf32, #tpu.memory_space<vmem>>) dst(%dma_wait3A_60 : memref<10240x32xf32, #tpu.memory_space<vmem_shared>>)
        tpu.yield
      }) : () -> ()
    }
    %scan3A_14 = arith.constant 40 : i32
    %barrier3A_15 = arith.constant 0 : index
    tpu.barrier barrier_id(%barrier3A_15)
    %mul3A_16 = arith.constant 640 : i32
    %mul3A_17 = arith.muli %arg1, %mul3A_16 : i32
    %mul3A_18 = arith.constant 640 : i32
    %mul3A_19 = arith.muli %arg1, %mul3A_18 : i32
    "tpu.region"() ({
      %run_scoped3A = tpu.sem_alloc : memref<!tpu.dma_semaphore, #tpu.memory_space<semaphore_mem>>
      %dma_start3A = arith.constant 0 : i32
      %dma_start3A_20 = tpu.memref_slice %arg5[%arg0, %mul3A_19, %dma_start3A] : memref<2x10240x32xf32, #tpu.memory_space<hbm>> -> memref<1x640x32xf32, #tpu.memory_space<hbm>>
      %dma_start3A_21 = tpu.memref_squeeze %dma_start3A_20 : memref<1x640x32xf32, #tpu.memory_space<hbm>> -> memref<640x32xf32, #tpu.memory_space<hbm>>
      %dma_start3A_22 = arith.constant 0 : i32
      %dma_start3A_23 = tpu.memref_slice %arg11[%mul3A_17, %dma_start3A_22] : memref<10240x32xf32, #tpu.memory_space<vmem_shared>> -> memref<640x32xf32, #tpu.memory_space<vmem_shared>>
      tpu.enqueue_dma source(%dma_start3A_23 : memref<640x32xf32, #tpu.memory_space<vmem_shared>>) target(%dma_start3A_21 : memref<640x32xf32, #tpu.memory_space<hbm>>) target_semaphore(%run_scoped3A : memref<!tpu.dma_semaphore, #tpu.memory_space<semaphore_mem>>)
      %dma_wait3A = arith.constant 0 : i32
      %dma_wait3A_24 = tpu.memref_slice %arg5[%arg0, %mul3A_19, %dma_wait3A] : memref<2x10240x32xf32, #tpu.memory_space<hbm>> -> memref<1x640x32xf32, #tpu.memory_space<hbm>>
      %dma_wait3A_25 = tpu.memref_squeeze %dma_wait3A_24 : memref<1x640x32xf32, #tpu.memory_space<hbm>> -> memref<640x32xf32, #tpu.memory_space<hbm>>
      %dma_wait3A_26 = arith.constant 0 : i32
      %dma_wait3A_27 = tpu.memref_slice %arg11[%mul3A_17, %dma_wait3A_26] : memref<10240x32xf32, #tpu.memory_space<vmem_shared>> -> memref<640x32xf32, #tpu.memory_space<vmem_shared>>
      tpu.wait_dma2 semaphore(%run_scoped3A : memref<!tpu.dma_semaphore, #tpu.memory_space<semaphore_mem>>) src(%dma_wait3A_27 : memref<640x32xf32, #tpu.memory_space<vmem_shared>>) dst(%dma_wait3A_25 : memref<640x32xf32, #tpu.memory_space<hbm>>)
      tpu.yield
    }) : () -> ()
    return
  }
}

#map = affine_map<(d0, d1) -> (0, 0)>
#map1 = affine_map<(d0, d1) -> (0, 0, 0)>
module attributes {stable_mosaic.version = 14 : i64} {
  func.func @run(%arg0: i32, %arg1: i32, %arg2: memref<10240x32xf32, #tpu.memory_space<hbm>>, %arg3: memref<32x80x128xi32, #tpu.memory_space<hbm>>, %arg4: memref<32x80x128xi32, #tpu.memory_space<hbm>>, %arg5: memref<2x10240x32xf32, #tpu.memory_space<hbm>>, %arg6: memref<80x128xi32, #tpu.memory_space<vmem>>, %arg7: memref<80x128xi32, #tpu.memory_space<vmem>>, %arg8: memref<128x32xf32, #tpu.memory_space<vmem>>, %arg9: memref<128x32xf32, #tpu.memory_space<vmem>>, %arg10: memref<640x32xf32, #tpu.memory_space<vmem>>, %arg11: memref<10240x32xf32, #tpu.memory_space<vmem_shared>>, %arg12: memref<!tpu.dma_semaphore, #tpu.memory_space<semaphore_mem>>, %arg13: memref<!tpu.dma_semaphore, #tpu.memory_space<semaphore_mem>>) attributes {dimension_semantics = [#tpu.dimension_semantics<core_parallel>, #tpu.dimension_semantics<subcore_parallel>], iteration_bounds = array<i64: 2, 16>, scalar_prefetch = 0 : i64, scratch_operands = 8 : i64, tpu.core_type = #tpu.core_type<sc_vector_subcore>, window_params = [{transform_indices = #map}, {transform_indices = #map1}, {transform_indices = #map1}, {transform_indices = #map1}]} {
    %mul3A = arith.constant 16 : i32
    %mul3A_0 = arith.muli %arg0, %mul3A : i32
    %add3A = arith.addi %mul3A_0, %arg1 : i32
    %broadcast_in_dim3A = arith.constant 0.000000e+00 : f32
    %broadcast_in_dim3A_1 = vector.broadcast %broadcast_in_dim3A : f32 to vector<16xf32>
    %scan3A = arith.constant 0 : i32
    %scan3A_2 = arith.constant 0 : i32
    %scan3A_3 = arith.constant 640 : i32
    %scan3A_4 = arith.addi %scan3A_2, %scan3A_3 : i32
    %scan3A_5 = arith.constant 1 : i32
    scf.for %scan3A_20 = %scan3A_2 to %scan3A_4 step %scan3A_5  : i32 {
      %swap3A = arith.index_cast %scan3A_20 : i32 to index
      %swap3A_21 = arith.constant 0 : index
      %swap3A_22 = tpu.vector_load %arg10[%swap3A, %swap3A_21] {strides = array<i32>} : memref<640x32xf32, #tpu.memory_space<vmem>>, vector<1x16xf32>,
      %swap3A_23 = vector.shape_cast %swap3A_22 : vector<1x16xf32> to vector<16xf32>
      %swap3A_24 = vector.shape_cast %broadcast_in_dim3A_1 : vector<16xf32> to vector<1x16xf32>
      tpu.vector_store %arg10[%swap3A, %swap3A_21], %swap3A_24 {strides = array<i32>} : memref<640x32xf32, #tpu.memory_space<vmem>>, vector<1x16xf32>,
      %swap3A_25 = arith.index_cast %scan3A_20 : i32 to index
      %swap3A_26 = arith.constant 16 : index
      %swap3A_27 = tpu.vector_load %arg10[%swap3A_25, %swap3A_26] {strides = array<i32>} : memref<640x32xf32, #tpu.memory_space<vmem>>, vector<1x16xf32>,
      %swap3A_28 = vector.shape_cast %swap3A_27 : vector<1x16xf32> to vector<16xf32>
      %swap3A_29 = vector.shape_cast %broadcast_in_dim3A_1 : vector<16xf32> to vector<1x16xf32>
      tpu.vector_store %arg10[%swap3A_25, %swap3A_26], %swap3A_29 {strides = array<i32>} : memref<640x32xf32, #tpu.memory_space<vmem>>, vector<1x16xf32>,
    }
    %scan3A_6 = arith.constant 640 : i32
    %mul3A_7 = arith.constant 640 : i32
    %mul3A_8 = arith.muli %arg1, %mul3A_7 : i32
    "tpu.region"() ({
      %run_scoped3A = tpu.sem_alloc : memref<!tpu.dma_semaphore, #tpu.memory_space<semaphore_mem>>
      %dma_start3A = arith.constant 0 : i32
      %dma_start3A_20 = tpu.memref_slice %arg11[%mul3A_8, %dma_start3A] : memref<10240x32xf32, #tpu.memory_space<vmem_shared>> -> memref<640x32xf32, #tpu.memory_space<vmem_shared>>
      %dma_start3A_21 = arith.constant 0 : i32
      %dma_start3A_22 = tpu.memref_slice %arg11[%mul3A_8, %dma_start3A_21] : memref<10240x32xf32, #tpu.memory_space<vmem_shared>> -> memref<640x32xf32, #tpu.memory_space<vmem_shared>>
      tpu.enqueue_dma source(%arg10 : memref<640x32xf32, #tpu.memory_space<vmem>>) target(%dma_start3A_22 : memref<640x32xf32, #tpu.memory_space<vmem_shared>>) target_semaphore(%run_scoped3A : memref<!tpu.dma_semaphore, #tpu.memory_space<semaphore_mem>>)
      %dma_wait3A = arith.constant 0 : i32
      %dma_wait3A_23 = tpu.memref_slice %arg11[%mul3A_8, %dma_wait3A] : memref<10240x32xf32, #tpu.memory_space<vmem_shared>> -> memref<640x32xf32, #tpu.memory_space<vmem_shared>>
      %dma_wait3A_24 = arith.constant 0 : i32
      %dma_wait3A_25 = tpu.memref_slice %arg11[%mul3A_8, %dma_wait3A_24] : memref<10240x32xf32, #tpu.memory_space<vmem_shared>> -> memref<640x32xf32, #tpu.memory_space<vmem_shared>>
      tpu.wait_dma2 semaphore(%run_scoped3A : memref<!tpu.dma_semaphore, #tpu.memory_space<semaphore_mem>>) src(%arg10 : memref<640x32xf32, #tpu.memory_space<vmem>>) dst(%dma_wait3A_25 : memref<640x32xf32, #tpu.memory_space<vmem_shared>>)
      tpu.yield
    }) : () -> ()
    "tpu.region"() ({
      %run_scoped3A = tpu.sem_alloc : memref<!tpu.dma_semaphore, #tpu.memory_space<semaphore_mem>>
      %dma_start3A = arith.constant 0 : i32
      %dma_start3A_20 = arith.constant 0 : i32
      %dma_start3A_21 = tpu.memref_slice %arg3[%add3A, %dma_start3A, %dma_start3A_20] : memref<32x80x128xi32, #tpu.memory_space<hbm>> -> memref<1x80x128xi32, #tpu.memory_space<hbm>>
      %dma_start3A_22 = tpu.memref_squeeze %dma_start3A_21 : memref<1x80x128xi32, #tpu.memory_space<hbm>> -> memref<80x128xi32, #tpu.memory_space<hbm>>
      %dma_start3A_23 = arith.constant 0 : i32
      %dma_start3A_24 = arith.constant 0 : i32
      %dma_start3A_25 = tpu.memref_slice %arg3[%add3A, %dma_start3A_23, %dma_start3A_24] : memref<32x80x128xi32, #tpu.memory_space<hbm>> -> memref<1x80x128xi32, #tpu.memory_space<hbm>>
      %dma_start3A_26 = tpu.memref_squeeze %dma_start3A_25 : memref<1x80x128xi32, #tpu.memory_space<hbm>> -> memref<80x128xi32, #tpu.memory_space<hbm>>
      tpu.enqueue_dma source(%dma_start3A_26 : memref<80x128xi32, #tpu.memory_space<hbm>>) target(%arg6 : memref<80x128xi32, #tpu.memory_space<vmem>>) target_semaphore(%run_scoped3A : memref<!tpu.dma_semaphore, #tpu.memory_space<semaphore_mem>>)
      %dma_wait3A = arith.constant 0 : i32
      %dma_wait3A_27 = arith.constant 0 : i32
      %dma_wait3A_28 = tpu.memref_slice %arg3[%add3A, %dma_wait3A, %dma_wait3A_27] : memref<32x80x128xi32, #tpu.memory_space<hbm>> -> memref<1x80x128xi32, #tpu.memory_space<hbm>>
      %dma_wait3A_29 = tpu.memref_squeeze %dma_wait3A_28 : memref<1x80x128xi32, #tpu.memory_space<hbm>> -> memref<80x128xi32, #tpu.memory_space<hbm>>
      %dma_wait3A_30 = arith.constant 0 : i32
      %dma_wait3A_31 = arith.constant 0 : i32
      %dma_wait3A_32 = tpu.memref_slice %arg3[%add3A, %dma_wait3A_30, %dma_wait3A_31] : memref<32x80x128xi32, #tpu.memory_space<hbm>> -> memref<1x80x128xi32, #tpu.memory_space<hbm>>
      %dma_wait3A_33 = tpu.memref_squeeze %dma_wait3A_32 : memref<1x80x128xi32, #tpu.memory_space<hbm>> -> memref<80x128xi32, #tpu.memory_space<hbm>>
      tpu.wait_dma2 semaphore(%run_scoped3A : memref<!tpu.dma_semaphore, #tpu.memory_space<semaphore_mem>>) src(%dma_wait3A_33 : memref<80x128xi32, #tpu.memory_space<hbm>>) dst(%arg6 : memref<80x128xi32, #tpu.memory_space<vmem>>)
      tpu.yield
    }) : () -> ()
    "tpu.region"() ({
      %run_scoped3A = tpu.sem_alloc : memref<!tpu.dma_semaphore, #tpu.memory_space<semaphore_mem>>
      %dma_start3A = arith.constant 0 : i32
      %dma_start3A_20 = arith.constant 0 : i32
      %dma_start3A_21 = tpu.memref_slice %arg4[%add3A, %dma_start3A, %dma_start3A_20] : memref<32x80x128xi32, #tpu.memory_space<hbm>> -> memref<1x80x128xi32, #tpu.memory_space<hbm>>
      %dma_start3A_22 = tpu.memref_squeeze %dma_start3A_21 : memref<1x80x128xi32, #tpu.memory_space<hbm>> -> memref<80x128xi32, #tpu.memory_space<hbm>>
      %dma_start3A_23 = arith.constant 0 : i32
      %dma_start3A_24 = arith.constant 0 : i32
      %dma_start3A_25 = tpu.memref_slice %arg4[%add3A, %dma_start3A_23, %dma_start3A_24] : memref<32x80x128xi32, #tpu.memory_space<hbm>> -> memref<1x80x128xi32, #tpu.memory_space<hbm>>
      %dma_start3A_26 = tpu.memref_squeeze %dma_start3A_25 : memref<1x80x128xi32, #tpu.memory_space<hbm>> -> memref<80x128xi32, #tpu.memory_space<hbm>>
      tpu.enqueue_dma source(%dma_start3A_26 : memref<80x128xi32, #tpu.memory_space<hbm>>) target(%arg7 : memref<80x128xi32, #tpu.memory_space<vmem>>) target_semaphore(%run_scoped3A : memref<!tpu.dma_semaphore, #tpu.memory_space<semaphore_mem>>)
      %dma_wait3A = arith.constant 0 : i32
      %dma_wait3A_27 = arith.constant 0 : i32
      %dma_wait3A_28 = tpu.memref_slice %arg4[%add3A, %dma_wait3A, %dma_wait3A_27] : memref<32x80x128xi32, #tpu.memory_space<hbm>> -> memref<1x80x128xi32, #tpu.memory_space<hbm>>
      %dma_wait3A_29 = tpu.memref_squeeze %dma_wait3A_28 : memref<1x80x128xi32, #tpu.memory_space<hbm>> -> memref<80x128xi32, #tpu.memory_space<hbm>>
      %dma_wait3A_30 = arith.constant 0 : i32
      %dma_wait3A_31 = arith.constant 0 : i32
      %dma_wait3A_32 = tpu.memref_slice %arg4[%add3A, %dma_wait3A_30, %dma_wait3A_31] : memref<32x80x128xi32, #tpu.memory_space<hbm>> -> memref<1x80x128xi32, #tpu.memory_space<hbm>>
      %dma_wait3A_33 = tpu.memref_squeeze %dma_wait3A_32 : memref<1x80x128xi32, #tpu.memory_space<hbm>> -> memref<80x128xi32, #tpu.memory_space<hbm>>
      tpu.wait_dma2 semaphore(%run_scoped3A : memref<!tpu.dma_semaphore, #tpu.memory_space<semaphore_mem>>) src(%dma_wait3A_33 : memref<80x128xi32, #tpu.memory_space<hbm>>) dst(%arg7 : memref<80x128xi32, #tpu.memory_space<vmem>>)
      tpu.yield
    }) : () -> ()
    %barrier3A = arith.constant 0 : index
    tpu.barrier barrier_id(%barrier3A)
    %scan3A_9 = arith.constant 0 : i32
    %scan3A_10 = arith.constant 0 : i32
    %scan3A_11 = arith.constant 40 : i32
    %scan3A_12 = arith.addi %scan3A_10, %scan3A_11 : i32
    %scan3A_13 = arith.constant 1 : i32
    scf.for %scan3A_20 = %scan3A_10 to %scan3A_12 step %scan3A_13  : i32 {
      %mul3A_21 = arith.constant 2 : i32
      %mul3A_22 = arith.muli %mul3A_21, %scan3A_20 : i32
      %mul3A_23 = arith.constant 2 : i32
      %mul3A_24 = arith.muli %mul3A_23, %scan3A_20 : i32
      %add3A_25 = arith.constant 1 : i32
      %add3A_26 = arith.addi %mul3A_24, %add3A_25 : i32
      %dma_start3A = arith.constant 0 : i32
      %dma_start3A_27 = tpu.memref_slice %arg6[%mul3A_22, %dma_start3A] : memref<80x128xi32, #tpu.memory_space<vmem>> -> memref<1x128xi32, #tpu.memory_space<vmem>>
      %dma_start3A_28 = tpu.memref_squeeze %dma_start3A_27 : memref<1x128xi32, #tpu.memory_space<vmem>> -> memref<128xi32, #tpu.memory_space<vmem>>
      %dma_start3A_29 = arith.constant 0 : i32
      %dma_start3A_30 = arith.constant 0 : i32
      %dma_start3A_31 = tpu.memref_slice %arg2[%dma_start3A_29, %dma_start3A_30] : memref<10240x32xf32, #tpu.memory_space<hbm>> -> memref<10240x32xf32, #tpu.memory_space<hbm>>
      tpu.enqueue_indirect_dma source(%dma_start3A_31 : memref<10240x32xf32, #tpu.memory_space<hbm>>) target(%arg8 : memref<128x32xf32, #tpu.memory_space<vmem>>) offsets(%dma_start3A_28 : memref<128xi32, #tpu.memory_space<vmem>>) semaphore(%arg12 : memref<!tpu.dma_semaphore, #tpu.memory_space<semaphore_mem>>)
      %dma_start3A_32 = arith.constant 0 : i32
      %dma_start3A_33 = tpu.memref_slice %arg6[%add3A_26, %dma_start3A_32] : memref<80x128xi32, #tpu.memory_space<vmem>> -> memref<1x128xi32, #tpu.memory_space<vmem>>
      %dma_start3A_34 = tpu.memref_squeeze %dma_start3A_33 : memref<1x128xi32, #tpu.memory_space<vmem>> -> memref<128xi32, #tpu.memory_space<vmem>>
      %dma_start3A_35 = arith.constant 0 : i32
      %dma_start3A_36 = arith.constant 0 : i32
      %dma_start3A_37 = tpu.memref_slice %arg2[%dma_start3A_35, %dma_start3A_36] : memref<10240x32xf32, #tpu.memory_space<hbm>> -> memref<10240x32xf32, #tpu.memory_space<hbm>>
      tpu.enqueue_indirect_dma source(%dma_start3A_37 : memref<10240x32xf32, #tpu.memory_space<hbm>>) target(%arg9 : memref<128x32xf32, #tpu.memory_space<vmem>>) offsets(%dma_start3A_34 : memref<128xi32, #tpu.memory_space<vmem>>) semaphore(%arg13 : memref<!tpu.dma_semaphore, #tpu.memory_space<semaphore_mem>>)
      %dma_wait3A = arith.constant 0 : i32
      %dma_wait3A_38 = tpu.memref_slice %arg6[%mul3A_22, %dma_wait3A] : memref<80x128xi32, #tpu.memory_space<vmem>> -> memref<1x128xi32, #tpu.memory_space<vmem>>
      %dma_wait3A_39 = tpu.memref_squeeze %dma_wait3A_38 : memref<1x128xi32, #tpu.memory_space<vmem>> -> memref<128xi32, #tpu.memory_space<vmem>>
      %dma_wait3A_40 = arith.constant 0 : i32
      %dma_wait3A_41 = arith.constant 0 : i32
      %dma_wait3A_42 = tpu.memref_slice %arg2[%dma_wait3A_40, %dma_wait3A_41] : memref<10240x32xf32, #tpu.memory_space<hbm>> -> memref<10240x32xf32, #tpu.memory_space<hbm>>
      tpu.wait_indirect_dma semaphore(%arg12 : memref<!tpu.dma_semaphore, #tpu.memory_space<semaphore_mem>>) src(%dma_wait3A_42 : memref<10240x32xf32, #tpu.memory_space<hbm>>) dst(%arg8 : memref<128x32xf32, #tpu.memory_space<vmem>>)
      "tpu.region"() ({
        %run_scoped3A = tpu.sem_alloc : memref<!tpu.dma_semaphore, #tpu.memory_space<semaphore_mem>>
        %dma_start3A_49 = arith.constant 0 : i32
        %dma_start3A_50 = tpu.memref_slice %arg7[%mul3A_22, %dma_start3A_49] : memref<80x128xi32, #tpu.memory_space<vmem>> -> memref<1x128xi32, #tpu.memory_space<vmem>>
        %dma_start3A_51 = tpu.memref_squeeze %dma_start3A_50 : memref<1x128xi32, #tpu.memory_space<vmem>> -> memref<128xi32, #tpu.memory_space<vmem>>
        %dma_start3A_52 = arith.constant 0 : i32
        %dma_start3A_53 = arith.constant 0 : i32
        %dma_start3A_54 = tpu.memref_slice %arg11[%dma_start3A_52, %dma_start3A_53] : memref<10240x32xf32, #tpu.memory_space<vmem_shared>> -> memref<10240x32xf32, #tpu.memory_space<vmem_shared>>
        tpu.enqueue_indirect_dma source(%arg8 : memref<128x32xf32, #tpu.memory_space<vmem>>) target(%dma_start3A_54 : memref<10240x32xf32, #tpu.memory_space<vmem_shared>>) offsets(%dma_start3A_51 : memref<128xi32, #tpu.memory_space<vmem>>) semaphore(%run_scoped3A : memref<!tpu.dma_semaphore, #tpu.memory_space<semaphore_mem>>) {add = true}
        %dma_wait3A_55 = arith.constant 0 : i32
        %dma_wait3A_56 = tpu.memref_slice %arg7[%mul3A_22, %dma_wait3A_55] : memref<80x128xi32, #tpu.memory_space<vmem>> -> memref<1x128xi32, #tpu.memory_space<vmem>>
        %dma_wait3A_57 = tpu.memref_squeeze %dma_wait3A_56 : memref<1x128xi32, #tpu.memory_space<vmem>> -> memref<128xi32, #tpu.memory_space<vmem>>
        %dma_wait3A_58 = arith.constant 0 : i32
        %dma_wait3A_59 = arith.constant 0 : i32
        %dma_wait3A_60 = tpu.memref_slice %arg11[%dma_wait3A_58, %dma_wait3A_59] : memref<10240x32xf32, #tpu.memory_space<vmem_shared>> -> memref<10240x32xf32, #tpu.memory_space<vmem_shared>>
        tpu.wait_indirect_dma semaphore(%run_scoped3A : memref<!tpu.dma_semaphore, #tpu.memory_space<semaphore_mem>>) src(%arg8 : memref<128x32xf32, #tpu.memory_space<vmem>>) dst(%dma_wait3A_60 : memref<10240x32xf32, #tpu.memory_space<vmem_shared>>)
        tpu.yield
      }) : () -> ()
      %dma_wait3A_43 = arith.constant 0 : i32
      %dma_wait3A_44 = tpu.memref_slice %arg6[%add3A_26, %dma_wait3A_43] : memref<80x128xi32, #tpu.memory_space<vmem>> -> memref<1x128xi32, #tpu.memory_space<vmem>>
      %dma_wait3A_45 = tpu.memref_squeeze %dma_wait3A_44 : memref<1x128xi32, #tpu.memory_space<vmem>> -> memref<128xi32, #tpu.memory_space<vmem>>
      %dma_wait3A_46 = arith.constant 0 : i32
      %dma_wait3A_47 = arith.constant 0 : i32
      %dma_wait3A_48 = tpu.memref_slice %arg2[%dma_wait3A_46, %dma_wait3A_47] : memref<10240x32xf32, #tpu.memory_space<hbm>> -> memref<10240x32xf32, #tpu.memory_space<hbm>>
      tpu.wait_indirect_dma semaphore(%arg13 : memref<!tpu.dma_semaphore, #tpu.memory_space<semaphore_mem>>) src(%dma_wait3A_48 : memref<10240x32xf32, #tpu.memory_space<hbm>>) dst(%arg9 : memref<128x32xf32, #tpu.memory_space<vmem>>)
      "tpu.region"() ({
        %run_scoped3A = tpu.sem_alloc : memref<!tpu.dma_semaphore, #tpu.memory_space<semaphore_mem>>
        %dma_start3A_49 = arith.constant 0 : i32
        %dma_start3A_50 = tpu.memref_slice %arg7[%add3A_26, %dma_start3A_49] : memref<80x128xi32, #tpu.memory_space<vmem>> -> memref<1x128xi32, #tpu.memory_space<vmem>>
        %dma_start3A_51 = tpu.memref_squeeze %dma_start3A_50 : memref<1x128xi32, #tpu.memory_space<vmem>> -> memref<128xi32, #tpu.memory_space<vmem>>
        %dma_start3A_52 = arith.constant 0 : i32
        %dma_start3A_53 = arith.constant 0 : i32
        %dma_start3A_54 = tpu.memref_slice %arg11[%dma_start3A_52, %dma_start3A_53] : memref<10240x32xf32, #tpu.memory_space<vmem_shared>> -> memref<10240x32xf32, #tpu.memory_space<vmem_shared>>
        tpu.enqueue_indirect_dma source(%arg9 : memref<128x32xf32, #tpu.memory_space<vmem>>) target(%dma_start3A_54 : memref<10240x32xf32, #tpu.memory_space<vmem_shared>>) offsets(%dma_start3A_51 : memref<128xi32, #tpu.memory_space<vmem>>) semaphore(%run_scoped3A : memref<!tpu.dma_semaphore, #tpu.memory_space<semaphore_mem>>) {add = true}
        %dma_wait3A_55 = arith.constant 0 : i32
        %dma_wait3A_56 = tpu.memref_slice %arg7[%add3A_26, %dma_wait3A_55] : memref<80x128xi32, #tpu.memory_space<vmem>> -> memref<1x128xi32, #tpu.memory_space<vmem>>
        %dma_wait3A_57 = tpu.memref_squeeze %dma_wait3A_56 : memref<1x128xi32, #tpu.memory_space<vmem>> -> memref<128xi32, #tpu.memory_space<vmem>>
        %dma_wait3A_58 = arith.constant 0 : i32
        %dma_wait3A_59 = arith.constant 0 : i32
        %dma_wait3A_60 = tpu.memref_slice %arg11[%dma_wait3A_58, %dma_wait3A_59] : memref<10240x32xf32, #tpu.memory_space<vmem_shared>> -> memref<10240x32xf32, #tpu.memory_space<vmem_shared>>
        tpu.wait_indirect_dma semaphore(%run_scoped3A : memref<!tpu.dma_semaphore, #tpu.memory_space<semaphore_mem>>) src(%arg9 : memref<128x32xf32, #tpu.memory_space<vmem>>) dst(%dma_wait3A_60 : memref<10240x32xf32, #tpu.memory_space<vmem_shared>>)
        tpu.yield
      }) : () -> ()
    }
    %scan3A_14 = arith.constant 40 : i32
    %barrier3A_15 = arith.constant 0 : index
    tpu.barrier barrier_id(%barrier3A_15)
    %mul3A_16 = arith.constant 640 : i32
    %mul3A_17 = arith.muli %arg1, %mul3A_16 : i32
    %mul3A_18 = arith.constant 640 : i32
    %mul3A_19 = arith.muli %arg1, %mul3A_18 : i32
    "tpu.region"() ({
      %run_scoped3A = tpu.sem_alloc : memref<!tpu.dma_semaphore, #tpu.memory_space<semaphore_mem>>
      %dma_start3A = arith.constant 0 : i32
      %dma_start3A_20 = tpu.memref_slice %arg5[%arg0, %mul3A_19, %dma_start3A] : memref<2x10240x32xf32, #tpu.memory_space<hbm>> -> memref<1x640x32xf32, #tpu.memory_space<hbm>>
      %dma_start3A_21 = tpu.memref_squeeze %dma_start3A_20 : memref<1x640x32xf32, #tpu.memory_space<hbm>> -> memref<640x32xf32, #tpu.memory_space<hbm>>
      %dma_start3A_22 = arith.constant 0 : i32
      %dma_start3A_23 = tpu.memref_slice %arg11[%mul3A_17, %dma_start3A_22] : memref<10240x32xf32, #tpu.memory_space<vmem_shared>> -> memref<640x32xf32, #tpu.memory_space<vmem_shared>>
      tpu.enqueue_dma source(%dma_start3A_23 : memref<640x32xf32, #tpu.memory_space<vmem_shared>>) target(%dma_start3A_21 : memref<640x32xf32, #tpu.memory_space<hbm>>) target_semaphore(%run_scoped3A : memref<!tpu.dma_semaphore, #tpu.memory_space<semaphore_mem>>)
      %dma_wait3A = arith.constant 0 : i32
      %dma_wait3A_24 = tpu.memref_slice %arg5[%arg0, %mul3A_19, %dma_wait3A] : memref<2x10240x32xf32, #tpu.memory_space<hbm>> -> memref<1x640x32xf32, #tpu.memory_space<hbm>>
      %dma_wait3A_25 = tpu.memref_squeeze %dma_wait3A_24 : memref<1x640x32xf32, #tpu.memory_space<hbm>> -> memref<640x32xf32, #tpu.memory_space<hbm>>
      %dma_wait3A_26 = arith.constant 0 : i32
      %dma_wait3A_27 = tpu.memref_slice %arg11[%mul3A_17, %dma_wait3A_26] : memref<10240x32xf32, #tpu.memory_space<vmem_shared>> -> memref<640x32xf32, #tpu.memory_space<vmem_shared>>
      tpu.wait_dma2 semaphore(%run_scoped3A : memref<!tpu.dma_semaphore, #tpu.memory_space<semaphore_mem>>) src(%dma_wait3A_27 : memref<640x32xf32, #tpu.memory_space<vmem_shared>>) dst(%dma_wait3A_25 : memref<640x32xf32, #tpu.memory_space<hbm>>)
      tpu.yield
    }) : () -> ()
    return
  }
}

#map = affine_map<(d0, d1) -> (0, 0)>
#map1 = affine_map<(d0, d1) -> (0, 0, 0)>
module attributes {stable_mosaic.version = 14 : i64} {
  func.func @run(%arg0: i32, %arg1: i32, %arg2: memref<10240x32xf32, #tpu.memory_space<hbm>>, %arg3: memref<32x80x128xi32, #tpu.memory_space<hbm>>, %arg4: memref<32x80x128xi32, #tpu.memory_space<hbm>>, %arg5: memref<2x10240x32xf32, #tpu.memory_space<hbm>>, %arg6: memref<80x128xi32, #tpu.memory_space<vmem>>, %arg7: memref<80x128xi32, #tpu.memory_space<vmem>>, %arg8: memref<128x32xf32, #tpu.memory_space<vmem>>, %arg9: memref<128x32xf32, #tpu.memory_space<vmem>>, %arg10: memref<640x32xf32, #tpu.memory_space<vmem>>, %arg11: memref<10240x32xf32, #tpu.memory_space<vmem_shared>>, %arg12: memref<!tpu.dma_semaphore, #tpu.memory_space<semaphore_mem>>, %arg13: memref<!tpu.dma_semaphore, #tpu.memory_space<semaphore_mem>>) attributes {dimension_semantics = [#tpu.dimension_semantics<core_parallel>, #tpu.dimension_semantics<subcore_parallel>], iteration_bounds = array<i64: 2, 16>, scalar_prefetch = 0 : i64, scratch_operands = 8 : i64, tpu.core_type = #tpu.core_type<sc_vector_subcore>, window_params = [{transform_indices = #map}, {transform_indices = #map1}, {transform_indices = #map1}, {transform_indices = #map1}]} {
    %mul3A = arith.constant 16 : i32
    %mul3A_0 = arith.muli %arg0, %mul3A : i32
    %add3A = arith.addi %mul3A_0, %arg1 : i32
    %broadcast_in_dim3A = arith.constant 0.000000e+00 : f32
    %broadcast_in_dim3A_1 = vector.broadcast %broadcast_in_dim3A : f32 to vector<16xf32>
    %scan3A = arith.constant 0 : i32
    %scan3A_2 = arith.constant 0 : i32
    %scan3A_3 = arith.constant 640 : i32
    %scan3A_4 = arith.addi %scan3A_2, %scan3A_3 : i32
    %scan3A_5 = arith.constant 1 : i32
    scf.for %scan3A_20 = %scan3A_2 to %scan3A_4 step %scan3A_5  : i32 {
      %swap3A = arith.index_cast %scan3A_20 : i32 to index
      %swap3A_21 = arith.constant 0 : index
      %swap3A_22 = tpu.vector_load %arg10[%swap3A, %swap3A_21] {strides = array<i32>} : memref<640x32xf32, #tpu.memory_space<vmem>>, vector<1x16xf32>,
      %swap3A_23 = vector.shape_cast %swap3A_22 : vector<1x16xf32> to vector<16xf32>
      %swap3A_24 = vector.shape_cast %broadcast_in_dim3A_1 : vector<16xf32> to vector<1x16xf32>
      tpu.vector_store %arg10[%swap3A, %swap3A_21], %swap3A_24 {strides = array<i32>} : memref<640x32xf32, #tpu.memory_space<vmem>>, vector<1x16xf32>,
      %swap3A_25 = arith.index_cast %scan3A_20 : i32 to index
      %swap3A_26 = arith.constant 16 : index
      %swap3A_27 = tpu.vector_load %arg10[%swap3A_25, %swap3A_26] {strides = array<i32>} : memref<640x32xf32, #tpu.memory_space<vmem>>, vector<1x16xf32>,
      %swap3A_28 = vector.shape_cast %swap3A_27 : vector<1x16xf32> to vector<16xf32>
      %swap3A_29 = vector.shape_cast %broadcast_in_dim3A_1 : vector<16xf32> to vector<1x16xf32>
      tpu.vector_store %arg10[%swap3A_25, %swap3A_26], %swap3A_29 {strides = array<i32>} : memref<640x32xf32, #tpu.memory_space<vmem>>, vector<1x16xf32>,
    }
    %scan3A_6 = arith.constant 640 : i32
    %mul3A_7 = arith.constant 640 : i32
    %mul3A_8 = arith.muli %arg1, %mul3A_7 : i32
    "tpu.region"() ({
      %run_scoped3A = tpu.sem_alloc : memref<!tpu.dma_semaphore, #tpu.memory_space<semaphore_mem>>
      %dma_start3A = arith.constant 0 : i32
      %dma_start3A_20 = tpu.memref_slice %arg11[%mul3A_8, %dma_start3A] : memref<10240x32xf32, #tpu.memory_space<vmem_shared>> -> memref<640x32xf32, #tpu.memory_space<vmem_shared>>
      %dma_start3A_21 = arith.constant 0 : i32
      %dma_start3A_22 = tpu.memref_slice %arg11[%mul3A_8, %dma_start3A_21] : memref<10240x32xf32, #tpu.memory_space<vmem_shared>> -> memref<640x32xf32, #tpu.memory_space<vmem_shared>>
      tpu.enqueue_dma source(%arg10 : memref<640x32xf32, #tpu.memory_space<vmem>>) target(%dma_start3A_22 : memref<640x32xf32, #tpu.memory_space<vmem_shared>>) target_semaphore(%run_scoped3A : memref<!tpu.dma_semaphore, #tpu.memory_space<semaphore_mem>>)
      %dma_wait3A = arith.constant 0 : i32
      %dma_wait3A_23 = tpu.memref_slice %arg11[%mul3A_8, %dma_wait3A] : memref<10240x32xf32, #tpu.memory_space<vmem_shared>> -> memref<640x32xf32, #tpu.memory_space<vmem_shared>>
      %dma_wait3A_24 = arith.constant 0 : i32
      %dma_wait3A_25 = tpu.memref_slice %arg11[%mul3A_8, %dma_wait3A_24] : memref<10240x32xf32, #tpu.memory_space<vmem_shared>> -> memref<640x32xf32, #tpu.memory_space<vmem_shared>>
      tpu.wait_dma2 semaphore(%run_scoped3A : memref<!tpu.dma_semaphore, #tpu.memory_space<semaphore_mem>>) src(%arg10 : memref<640x32xf32, #tpu.memory_space<vmem>>) dst(%dma_wait3A_25 : memref<640x32xf32, #tpu.memory_space<vmem_shared>>)
      tpu.yield
    }) : () -> ()
    "tpu.region"() ({
      %run_scoped3A = tpu.sem_alloc : memref<!tpu.dma_semaphore, #tpu.memory_space<semaphore_mem>>
      %dma_start3A = arith.constant 0 : i32
      %dma_start3A_20 = arith.constant 0 : i32
      %dma_start3A_21 = tpu.memref_slice %arg3[%add3A, %dma_start3A, %dma_start3A_20] : memref<32x80x128xi32, #tpu.memory_space<hbm>> -> memref<1x80x128xi32, #tpu.memory_space<hbm>>
      %dma_start3A_22 = tpu.memref_squeeze %dma_start3A_21 : memref<1x80x128xi32, #tpu.memory_space<hbm>> -> memref<80x128xi32, #tpu.memory_space<hbm>>
      %dma_start3A_23 = arith.constant 0 : i32
      %dma_start3A_24 = arith.constant 0 : i32
      %dma_start3A_25 = tpu.memref_slice %arg3[%add3A, %dma_start3A_23, %dma_start3A_24] : memref<32x80x128xi32, #tpu.memory_space<hbm>> -> memref<1x80x128xi32, #tpu.memory_space<hbm>>
      %dma_start3A_26 = tpu.memref_squeeze %dma_start3A_25 : memref<1x80x128xi32, #tpu.memory_space<hbm>> -> memref<80x128xi32, #tpu.memory_space<hbm>>
      tpu.enqueue_dma source(%dma_start3A_26 : memref<80x128xi32, #tpu.memory_space<hbm>>) target(%arg6 : memref<80x128xi32, #tpu.memory_space<vmem>>) target_semaphore(%run_scoped3A : memref<!tpu.dma_semaphore, #tpu.memory_space<semaphore_mem>>)
      %dma_wait3A = arith.constant 0 : i32
      %dma_wait3A_27 = arith.constant 0 : i32
      %dma_wait3A_28 = tpu.memref_slice %arg3[%add3A, %dma_wait3A, %dma_wait3A_27] : memref<32x80x128xi32, #tpu.memory_space<hbm>> -> memref<1x80x128xi32, #tpu.memory_space<hbm>>
      %dma_wait3A_29 = tpu.memref_squeeze %dma_wait3A_28 : memref<1x80x128xi32, #tpu.memory_space<hbm>> -> memref<80x128xi32, #tpu.memory_space<hbm>>
      %dma_wait3A_30 = arith.constant 0 : i32
      %dma_wait3A_31 = arith.constant 0 : i32
      %dma_wait3A_32 = tpu.memref_slice %arg3[%add3A, %dma_wait3A_30, %dma_wait3A_31] : memref<32x80x128xi32, #tpu.memory_space<hbm>> -> memref<1x80x128xi32, #tpu.memory_space<hbm>>
      %dma_wait3A_33 = tpu.memref_squeeze %dma_wait3A_32 : memref<1x80x128xi32, #tpu.memory_space<hbm>> -> memref<80x128xi32, #tpu.memory_space<hbm>>
      tpu.wait_dma2 semaphore(%run_scoped3A : memref<!tpu.dma_semaphore, #tpu.memory_space<semaphore_mem>>) src(%dma_wait3A_33 : memref<80x128xi32, #tpu.memory_space<hbm>>) dst(%arg6 : memref<80x128xi32, #tpu.memory_space<vmem>>)
      tpu.yield
    }) : () -> ()
    "tpu.region"() ({
      %run_scoped3A = tpu.sem_alloc : memref<!tpu.dma_semaphore, #tpu.memory_space<semaphore_mem>>
      %dma_start3A = arith.constant 0 : i32
      %dma_start3A_20 = arith.constant 0 : i32
      %dma_start3A_21 = tpu.memref_slice %arg4[%add3A, %dma_start3A, %dma_start3A_20] : memref<32x80x128xi32, #tpu.memory_space<hbm>> -> memref<1x80x128xi32, #tpu.memory_space<hbm>>
      %dma_start3A_22 = tpu.memref_squeeze %dma_start3A_21 : memref<1x80x128xi32, #tpu.memory_space<hbm>> -> memref<80x128xi32, #tpu.memory_space<hbm>>
      %dma_start3A_23 = arith.constant 0 : i32
      %dma_start3A_24 = arith.constant 0 : i32
      %dma_start3A_25 = tpu.memref_slice %arg4[%add3A, %dma_start3A_23, %dma_start3A_24] : memref<32x80x128xi32, #tpu.memory_space<hbm>> -> memref<1x80x128xi32, #tpu.memory_space<hbm>>
      %dma_start3A_26 = tpu.memref_squeeze %dma_start3A_25 : memref<1x80x128xi32, #tpu.memory_space<hbm>> -> memref<80x128xi32, #tpu.memory_space<hbm>>
      tpu.enqueue_dma source(%dma_start3A_26 : memref<80x128xi32, #tpu.memory_space<hbm>>) target(%arg7 : memref<80x128xi32, #tpu.memory_space<vmem>>) target_semaphore(%run_scoped3A : memref<!tpu.dma_semaphore, #tpu.memory_space<semaphore_mem>>)
      %dma_wait3A = arith.constant 0 : i32
      %dma_wait3A_27 = arith.constant 0 : i32
      %dma_wait3A_28 = tpu.memref_slice %arg4[%add3A, %dma_wait3A, %dma_wait3A_27] : memref<32x80x128xi32, #tpu.memory_space<hbm>> -> memref<1x80x128xi32, #tpu.memory_space<hbm>>
      %dma_wait3A_29 = tpu.memref_squeeze %dma_wait3A_28 : memref<1x80x128xi32, #tpu.memory_space<hbm>> -> memref<80x128xi32, #tpu.memory_space<hbm>>
      %dma_wait3A_30 = arith.constant 0 : i32
      %dma_wait3A_31 = arith.constant 0 : i32
      %dma_wait3A_32 = tpu.memref_slice %arg4[%add3A, %dma_wait3A_30, %dma_wait3A_31] : memref<32x80x128xi32, #tpu.memory_space<hbm>> -> memref<1x80x128xi32, #tpu.memory_space<hbm>>
      %dma_wait3A_33 = tpu.memref_squeeze %dma_wait3A_32 : memref<1x80x128xi32, #tpu.memory_space<hbm>> -> memref<80x128xi32, #tpu.memory_space<hbm>>
      tpu.wait_dma2 semaphore(%run_scoped3A : memref<!tpu.dma_semaphore, #tpu.memory_space<semaphore_mem>>) src(%dma_wait3A_33 : memref<80x128xi32, #tpu.memory_space<hbm>>) dst(%arg7 : memref<80x128xi32, #tpu.memory_space<vmem>>)
      tpu.yield
    }) : () -> ()
    %barrier3A = arith.constant 0 : index
    tpu.barrier barrier_id(%barrier3A)
    %scan3A_9 = arith.constant 0 : i32
    %scan3A_10 = arith.constant 0 : i32
    %scan3A_11 = arith.constant 40 : i32
    %scan3A_12 = arith.addi %scan3A_10, %scan3A_11 : i32
    %scan3A_13 = arith.constant 1 : i32
    scf.for %scan3A_20 = %scan3A_10 to %scan3A_12 step %scan3A_13  : i32 {
      %mul3A_21 = arith.constant 2 : i32
      %mul3A_22 = arith.muli %mul3A_21, %scan3A_20 : i32
      %mul3A_23 = arith.constant 2 : i32
      %mul3A_24 = arith.muli %mul3A_23, %scan3A_20 : i32
      %add3A_25 = arith.constant 1 : i32
      %add3A_26 = arith.addi %mul3A_24, %add3A_25 : i32
      %dma_start3A = arith.constant 0 : i32
      %dma_start3A_27 = tpu.memref_slice %arg6[%mul3A_22, %dma_start3A] : memref<80x128xi32, #tpu.memory_space<vmem>> -> memref<1x128xi32, #tpu.memory_space<vmem>>
      %dma_start3A_28 = tpu.memref_squeeze %dma_start3A_27 : memref<1x128xi32, #tpu.memory_space<vmem>> -> memref<128xi32, #tpu.memory_space<vmem>>
      %dma_start3A_29 = arith.constant 0 : i32
      %dma_start3A_30 = arith.constant 0 : i32
      %dma_start3A_31 = tpu.memref_slice %arg2[%dma_start3A_29, %dma_start3A_30] : memref<10240x32xf32, #tpu.memory_space<hbm>> -> memref<10240x32xf32, #tpu.memory_space<hbm>>
      tpu.enqueue_indirect_dma source(%dma_start3A_31 : memref<10240x32xf32, #tpu.memory_space<hbm>>) target(%arg8 : memref<128x32xf32, #tpu.memory_space<vmem>>) offsets(%dma_start3A_28 : memref<128xi32, #tpu.memory_space<vmem>>) semaphore(%arg12 : memref<!tpu.dma_semaphore, #tpu.memory_space<semaphore_mem>>)
      %dma_start3A_32 = arith.constant 0 : i32
      %dma_start3A_33 = tpu.memref_slice %arg6[%add3A_26, %dma_start3A_32] : memref<80x128xi32, #tpu.memory_space<vmem>> -> memref<1x128xi32, #tpu.memory_space<vmem>>
      %dma_start3A_34 = tpu.memref_squeeze %dma_start3A_33 : memref<1x128xi32, #tpu.memory_space<vmem>> -> memref<128xi32, #tpu.memory_space<vmem>>
      %dma_start3A_35 = arith.constant 0 : i32
      %dma_start3A_36 = arith.constant 0 : i32
      %dma_start3A_37 = tpu.memref_slice %arg2[%dma_start3A_35, %dma_start3A_36] : memref<10240x32xf32, #tpu.memory_space<hbm>> -> memref<10240x32xf32, #tpu.memory_space<hbm>>
      tpu.enqueue_indirect_dma source(%dma_start3A_37 : memref<10240x32xf32, #tpu.memory_space<hbm>>) target(%arg9 : memref<128x32xf32, #tpu.memory_space<vmem>>) offsets(%dma_start3A_34 : memref<128xi32, #tpu.memory_space<vmem>>) semaphore(%arg13 : memref<!tpu.dma_semaphore, #tpu.memory_space<semaphore_mem>>)
      %dma_wait3A = arith.constant 0 : i32
      %dma_wait3A_38 = tpu.memref_slice %arg6[%mul3A_22, %dma_wait3A] : memref<80x128xi32, #tpu.memory_space<vmem>> -> memref<1x128xi32, #tpu.memory_space<vmem>>
      %dma_wait3A_39 = tpu.memref_squeeze %dma_wait3A_38 : memref<1x128xi32, #tpu.memory_space<vmem>> -> memref<128xi32, #tpu.memory_space<vmem>>
      %dma_wait3A_40 = arith.constant 0 : i32
      %dma_wait3A_41 = arith.constant 0 : i32
      %dma_wait3A_42 = tpu.memref_slice %arg2[%dma_wait3A_40, %dma_wait3A_41] : memref<10240x32xf32, #tpu.memory_space<hbm>> -> memref<10240x32xf32, #tpu.memory_space<hbm>>
      tpu.wait_indirect_dma semaphore(%arg12 : memref<!tpu.dma_semaphore, #tpu.memory_space<semaphore_mem>>) src(%dma_wait3A_42 : memref<10240x32xf32, #tpu.memory_space<hbm>>) dst(%arg8 : memref<128x32xf32, #tpu.memory_space<vmem>>)
      "tpu.region"() ({
        %run_scoped3A = tpu.sem_alloc : memref<!tpu.dma_semaphore, #tpu.memory_space<semaphore_mem>>
        %dma_start3A_49 = arith.constant 0 : i32
        %dma_start3A_50 = tpu.memref_slice %arg7[%mul3A_22, %dma_start3A_49] : memref<80x128xi32, #tpu.memory_space<vmem>> -> memref<1x128xi32, #tpu.memory_space<vmem>>
        %dma_start3A_51 = tpu.memref_squeeze %dma_start3A_50 : memref<1x128xi32, #tpu.memory_space<vmem>> -> memref<128xi32, #tpu.memory_space<vmem>>
        %dma_start3A_52 = arith.constant 0 : i32
        %dma_start3A_53 = arith.constant 0 : i32
        %dma_start3A_54 = tpu.memref_slice %arg11[%dma_start3A_52, %dma_start3A_53] : memref<10240x32xf32, #tpu.memory_space<vmem_shared>> -> memref<10240x32xf32, #tpu.memory_space<vmem_shared>>
        tpu.enqueue_indirect_dma source(%arg8 : memref<128x32xf32, #tpu.memory_space<vmem>>) target(%dma_start3A_54 : memref<10240x32xf32, #tpu.memory_space<vmem_shared>>) offsets(%dma_start3A_51 : memref<128xi32, #tpu.memory_space<vmem>>) semaphore(%run_scoped3A : memref<!tpu.dma_semaphore, #tpu.memory_space<semaphore_mem>>) {add = true}
        %dma_wait3A_55 = arith.constant 0 : i32
        %dma_wait3A_56 = tpu.memref_slice %arg7[%mul3A_22, %dma_wait3A_55] : memref<80x128xi32, #tpu.memory_space<vmem>> -> memref<1x128xi32, #tpu.memory_space<vmem>>
        %dma_wait3A_57 = tpu.memref_squeeze %dma_wait3A_56 : memref<1x128xi32, #tpu.memory_space<vmem>> -> memref<128xi32, #tpu.memory_space<vmem>>
        %dma_wait3A_58 = arith.constant 0 : i32
        %dma_wait3A_59 = arith.constant 0 : i32
        %dma_wait3A_60 = tpu.memref_slice %arg11[%dma_wait3A_58, %dma_wait3A_59] : memref<10240x32xf32, #tpu.memory_space<vmem_shared>> -> memref<10240x32xf32, #tpu.memory_space<vmem_shared>>
        tpu.wait_indirect_dma semaphore(%run_scoped3A : memref<!tpu.dma_semaphore, #tpu.memory_space<semaphore_mem>>) src(%arg8 : memref<128x32xf32, #tpu.memory_space<vmem>>) dst(%dma_wait3A_60 : memref<10240x32xf32, #tpu.memory_space<vmem_shared>>)
        tpu.yield
      }) : () -> ()
      %dma_wait3A_43 = arith.constant 0 : i32
      %dma_wait3A_44 = tpu.memref_slice %arg6[%add3A_26, %dma_wait3A_43] : memref<80x128xi32, #tpu.memory_space<vmem>> -> memref<1x128xi32, #tpu.memory_space<vmem>>
      %dma_wait3A_45 = tpu.memref_squeeze %dma_wait3A_44 : memref<1x128xi32, #tpu.memory_space<vmem>> -> memref<128xi32, #tpu.memory_space<vmem>>
      %dma_wait3A_46 = arith.constant 0 : i32
      %dma_wait3A_47 = arith.constant 0 : i32
      %dma_wait3A_48 = tpu.memref_slice %arg2[%dma_wait3A_46, %dma_wait3A_47] : memref<10240x32xf32, #tpu.memory_space<hbm>> -> memref<10240x32xf32, #tpu.memory_space<hbm>>
      tpu.wait_indirect_dma semaphore(%arg13 : memref<!tpu.dma_semaphore, #tpu.memory_space<semaphore_mem>>) src(%dma_wait3A_48 : memref<10240x32xf32, #tpu.memory_space<hbm>>) dst(%arg9 : memref<128x32xf32, #tpu.memory_space<vmem>>)
      "tpu.region"() ({
        %run_scoped3A = tpu.sem_alloc : memref<!tpu.dma_semaphore, #tpu.memory_space<semaphore_mem>>
        %dma_start3A_49 = arith.constant 0 : i32
        %dma_start3A_50 = tpu.memref_slice %arg7[%add3A_26, %dma_start3A_49] : memref<80x128xi32, #tpu.memory_space<vmem>> -> memref<1x128xi32, #tpu.memory_space<vmem>>
        %dma_start3A_51 = tpu.memref_squeeze %dma_start3A_50 : memref<1x128xi32, #tpu.memory_space<vmem>> -> memref<128xi32, #tpu.memory_space<vmem>>
        %dma_start3A_52 = arith.constant 0 : i32
        %dma_start3A_53 = arith.constant 0 : i32
        %dma_start3A_54 = tpu.memref_slice %arg11[%dma_start3A_52, %dma_start3A_53] : memref<10240x32xf32, #tpu.memory_space<vmem_shared>> -> memref<10240x32xf32, #tpu.memory_space<vmem_shared>>
        tpu.enqueue_indirect_dma source(%arg9 : memref<128x32xf32, #tpu.memory_space<vmem>>) target(%dma_start3A_54 : memref<10240x32xf32, #tpu.memory_space<vmem_shared>>) offsets(%dma_start3A_51 : memref<128xi32, #tpu.memory_space<vmem>>) semaphore(%run_scoped3A : memref<!tpu.dma_semaphore, #tpu.memory_space<semaphore_mem>>) {add = true}
        %dma_wait3A_55 = arith.constant 0 : i32
        %dma_wait3A_56 = tpu.memref_slice %arg7[%add3A_26, %dma_wait3A_55] : memref<80x128xi32, #tpu.memory_space<vmem>> -> memref<1x128xi32, #tpu.memory_space<vmem>>
        %dma_wait3A_57 = tpu.memref_squeeze %dma_wait3A_56 : memref<1x128xi32, #tpu.memory_space<vmem>> -> memref<128xi32, #tpu.memory_space<vmem>>
        %dma_wait3A_58 = arith.constant 0 : i32
        %dma_wait3A_59 = arith.constant 0 : i32
        %dma_wait3A_60 = tpu.memref_slice %arg11[%dma_wait3A_58, %dma_wait3A_59] : memref<10240x32xf32, #tpu.memory_space<vmem_shared>> -> memref<10240x32xf32, #tpu.memory_space<vmem_shared>>
        tpu.wait_indirect_dma semaphore(%run_scoped3A : memref<!tpu.dma_semaphore, #tpu.memory_space<semaphore_mem>>) src(%arg9 : memref<128x32xf32, #tpu.memory_space<vmem>>) dst(%dma_wait3A_60 : memref<10240x32xf32, #tpu.memory_space<vmem_shared>>)
        tpu.yield
      }) : () -> ()
    }
    %scan3A_14 = arith.constant 40 : i32
    %barrier3A_15 = arith.constant 0 : index
    tpu.barrier barrier_id(%barrier3A_15)
    %mul3A_16 = arith.constant 640 : i32
    %mul3A_17 = arith.muli %arg1, %mul3A_16 : i32
    %mul3A_18 = arith.constant 640 : i32
    %mul3A_19 = arith.muli %arg1, %mul3A_18 : i32
    "tpu.region"() ({
      %run_scoped3A = tpu.sem_alloc : memref<!tpu.dma_semaphore, #tpu.memory_space<semaphore_mem>>
      %dma_start3A = arith.constant 0 : i32
      %dma_start3A_20 = tpu.memref_slice %arg5[%arg0, %mul3A_19, %dma_start3A] : memref<2x10240x32xf32, #tpu.memory_space<hbm>> -> memref<1x640x32xf32, #tpu.memory_space<hbm>>
      %dma_start3A_21 = tpu.memref_squeeze %dma_start3A_20 : memref<1x640x32xf32, #tpu.memory_space<hbm>> -> memref<640x32xf32, #tpu.memory_space<hbm>>
      %dma_start3A_22 = arith.constant 0 : i32
      %dma_start3A_23 = tpu.memref_slice %arg11[%mul3A_17, %dma_start3A_22] : memref<10240x32xf32, #tpu.memory_space<vmem_shared>> -> memref<640x32xf32, #tpu.memory_space<vmem_shared>>
      tpu.enqueue_dma source(%dma_start3A_23 : memref<640x32xf32, #tpu.memory_space<vmem_shared>>) target(%dma_start3A_21 : memref<640x32xf32, #tpu.memory_space<hbm>>) target_semaphore(%run_scoped3A : memref<!tpu.dma_semaphore, #tpu.memory_space<semaphore_mem>>)
      %dma_wait3A = arith.constant 0 : i32
      %dma_wait3A_24 = tpu.memref_slice %arg5[%arg0, %mul3A_19, %dma_wait3A] : memref<2x10240x32xf32, #tpu.memory_space<hbm>> -> memref<1x640x32xf32, #tpu.memory_space<hbm>>
      %dma_wait3A_25 = tpu.memref_squeeze %dma_wait3A_24 : memref<1x640x32xf32, #tpu.memory_space<hbm>> -> memref<640x32xf32, #tpu.memory_space<hbm>>
      %dma_wait3A_26 = arith.constant 0 : i32
      %dma_wait3A_27 = tpu.memref_slice %arg11[%mul3A_17, %dma_wait3A_26] : memref<10240x32xf32, #tpu.memory_space<vmem_shared>> -> memref<640x32xf32, #tpu.memory_space<vmem_shared>>
      tpu.wait_dma2 semaphore(%run_scoped3A : memref<!tpu.dma_semaphore, #tpu.memory_space<semaphore_mem>>) src(%dma_wait3A_27 : memref<640x32xf32, #tpu.memory_space<vmem_shared>>) dst(%dma_wait3A_25 : memref<640x32xf32, #tpu.memory_space<hbm>>)
      tpu.yield
    }) : () -> ()
    return
  }
}

#map = affine_map<(d0, d1) -> (0, 0)>
#map1 = affine_map<(d0, d1) -> (0, 0, 0)>
module attributes {stable_mosaic.version = 14 : i64} {
  func.func @run(%arg0: i32, %arg1: i32, %arg2: memref<10240x32xf32, #tpu.memory_space<hbm>>, %arg3: memref<32x80x128xi32, #tpu.memory_space<hbm>>, %arg4: memref<32x80x128xi32, #tpu.memory_space<hbm>>, %arg5: memref<2x10240x32xf32, #tpu.memory_space<hbm>>, %arg6: memref<80x128xi32, #tpu.memory_space<vmem>>, %arg7: memref<80x128xi32, #tpu.memory_space<vmem>>, %arg8: memref<128x32xf32, #tpu.memory_space<vmem>>, %arg9: memref<128x32xf32, #tpu.memory_space<vmem>>, %arg10: memref<640x32xf32, #tpu.memory_space<vmem>>, %arg11: memref<10240x32xf32, #tpu.memory_space<vmem_shared>>, %arg12: memref<!tpu.dma_semaphore, #tpu.memory_space<semaphore_mem>>, %arg13: memref<!tpu.dma_semaphore, #tpu.memory_space<semaphore_mem>>) attributes {dimension_semantics = [#tpu.dimension_semantics<core_parallel>, #tpu.dimension_semantics<subcore_parallel>], iteration_bounds = array<i64: 2, 16>, scalar_prefetch = 0 : i64, scratch_operands = 8 : i64, tpu.core_type = #tpu.core_type<sc_vector_subcore>, window_params = [{transform_indices = #map}, {transform_indices = #map1}, {transform_indices = #map1}, {transform_indices = #map1}]} {
    %mul3A = arith.constant 16 : i32
    %mul3A_0 = arith.muli %arg0, %mul3A : i32
    %add3A = arith.addi %mul3A_0, %arg1 : i32
    %broadcast_in_dim3A = arith.constant 0.000000e+00 : f32
    %broadcast_in_dim3A_1 = vector.broadcast %broadcast_in_dim3A : f32 to vector<16xf32>
    %scan3A = arith.constant 0 : i32
    %scan3A_2 = arith.constant 0 : i32
    %scan3A_3 = arith.constant 640 : i32
    %scan3A_4 = arith.addi %scan3A_2, %scan3A_3 : i32
    %scan3A_5 = arith.constant 1 : i32
    scf.for %scan3A_20 = %scan3A_2 to %scan3A_4 step %scan3A_5  : i32 {
      %swap3A = arith.index_cast %scan3A_20 : i32 to index
      %swap3A_21 = arith.constant 0 : index
      %swap3A_22 = tpu.vector_load %arg10[%swap3A, %swap3A_21] {strides = array<i32>} : memref<640x32xf32, #tpu.memory_space<vmem>>, vector<1x16xf32>,
      %swap3A_23 = vector.shape_cast %swap3A_22 : vector<1x16xf32> to vector<16xf32>
      %swap3A_24 = vector.shape_cast %broadcast_in_dim3A_1 : vector<16xf32> to vector<1x16xf32>
      tpu.vector_store %arg10[%swap3A, %swap3A_21], %swap3A_24 {strides = array<i32>} : memref<640x32xf32, #tpu.memory_space<vmem>>, vector<1x16xf32>,
      %swap3A_25 = arith.index_cast %scan3A_20 : i32 to index
      %swap3A_26 = arith.constant 16 : index
      %swap3A_27 = tpu.vector_load %arg10[%swap3A_25, %swap3A_26] {strides = array<i32>} : memref<640x32xf32, #tpu.memory_space<vmem>>, vector<1x16xf32>,
      %swap3A_28 = vector.shape_cast %swap3A_27 : vector<1x16xf32> to vector<16xf32>
      %swap3A_29 = vector.shape_cast %broadcast_in_dim3A_1 : vector<16xf32> to vector<1x16xf32>
      tpu.vector_store %arg10[%swap3A_25, %swap3A_26], %swap3A_29 {strides = array<i32>} : memref<640x32xf32, #tpu.memory_space<vmem>>, vector<1x16xf32>,
    }
    %scan3A_6 = arith.constant 640 : i32
    %mul3A_7 = arith.constant 640 : i32
    %mul3A_8 = arith.muli %arg1, %mul3A_7 : i32
    "tpu.region"() ({
      %run_scoped3A = tpu.sem_alloc : memref<!tpu.dma_semaphore, #tpu.memory_space<semaphore_mem>>
      %dma_start3A = arith.constant 0 : i32
      %dma_start3A_20 = tpu.memref_slice %arg11[%mul3A_8, %dma_start3A] : memref<10240x32xf32, #tpu.memory_space<vmem_shared>> -> memref<640x32xf32, #tpu.memory_space<vmem_shared>>
      %dma_start3A_21 = arith.constant 0 : i32
      %dma_start3A_22 = tpu.memref_slice %arg11[%mul3A_8, %dma_start3A_21] : memref<10240x32xf32, #tpu.memory_space<vmem_shared>> -> memref<640x32xf32, #tpu.memory_space<vmem_shared>>
      tpu.enqueue_dma source(%arg10 : memref<640x32xf32, #tpu.memory_space<vmem>>) target(%dma_start3A_22 : memref<640x32xf32, #tpu.memory_space<vmem_shared>>) target_semaphore(%run_scoped3A : memref<!tpu.dma_semaphore, #tpu.memory_space<semaphore_mem>>)
      %dma_wait3A = arith.constant 0 : i32
      %dma_wait3A_23 = tpu.memref_slice %arg11[%mul3A_8, %dma_wait3A] : memref<10240x32xf32, #tpu.memory_space<vmem_shared>> -> memref<640x32xf32, #tpu.memory_space<vmem_shared>>
      %dma_wait3A_24 = arith.constant 0 : i32
      %dma_wait3A_25 = tpu.memref_slice %arg11[%mul3A_8, %dma_wait3A_24] : memref<10240x32xf32, #tpu.memory_space<vmem_shared>> -> memref<640x32xf32, #tpu.memory_space<vmem_shared>>
      tpu.wait_dma2 semaphore(%run_scoped3A : memref<!tpu.dma_semaphore, #tpu.memory_space<semaphore_mem>>) src(%arg10 : memref<640x32xf32, #tpu.memory_space<vmem>>) dst(%dma_wait3A_25 : memref<640x32xf32, #tpu.memory_space<vmem_shared>>)
      tpu.yield
    }) : () -> ()
    "tpu.region"() ({
      %run_scoped3A = tpu.sem_alloc : memref<!tpu.dma_semaphore, #tpu.memory_space<semaphore_mem>>
      %dma_start3A = arith.constant 0 : i32
      %dma_start3A_20 = arith.constant 0 : i32
      %dma_start3A_21 = tpu.memref_slice %arg3[%add3A, %dma_start3A, %dma_start3A_20] : memref<32x80x128xi32, #tpu.memory_space<hbm>> -> memref<1x80x128xi32, #tpu.memory_space<hbm>>
      %dma_start3A_22 = tpu.memref_squeeze %dma_start3A_21 : memref<1x80x128xi32, #tpu.memory_space<hbm>> -> memref<80x128xi32, #tpu.memory_space<hbm>>
      %dma_start3A_23 = arith.constant 0 : i32
      %dma_start3A_24 = arith.constant 0 : i32
      %dma_start3A_25 = tpu.memref_slice %arg3[%add3A, %dma_start3A_23, %dma_start3A_24] : memref<32x80x128xi32, #tpu.memory_space<hbm>> -> memref<1x80x128xi32, #tpu.memory_space<hbm>>
      %dma_start3A_26 = tpu.memref_squeeze %dma_start3A_25 : memref<1x80x128xi32, #tpu.memory_space<hbm>> -> memref<80x128xi32, #tpu.memory_space<hbm>>
      tpu.enqueue_dma source(%dma_start3A_26 : memref<80x128xi32, #tpu.memory_space<hbm>>) target(%arg6 : memref<80x128xi32, #tpu.memory_space<vmem>>) target_semaphore(%run_scoped3A : memref<!tpu.dma_semaphore, #tpu.memory_space<semaphore_mem>>)
      %dma_wait3A = arith.constant 0 : i32
      %dma_wait3A_27 = arith.constant 0 : i32
      %dma_wait3A_28 = tpu.memref_slice %arg3[%add3A, %dma_wait3A, %dma_wait3A_27] : memref<32x80x128xi32, #tpu.memory_space<hbm>> -> memref<1x80x128xi32, #tpu.memory_space<hbm>>
      %dma_wait3A_29 = tpu.memref_squeeze %dma_wait3A_28 : memref<1x80x128xi32, #tpu.memory_space<hbm>> -> memref<80x128xi32, #tpu.memory_space<hbm>>
      %dma_wait3A_30 = arith.constant 0 : i32
      %dma_wait3A_31 = arith.constant 0 : i32
      %dma_wait3A_32 = tpu.memref_slice %arg3[%add3A, %dma_wait3A_30, %dma_wait3A_31] : memref<32x80x128xi32, #tpu.memory_space<hbm>> -> memref<1x80x128xi32, #tpu.memory_space<hbm>>
      %dma_wait3A_33 = tpu.memref_squeeze %dma_wait3A_32 : memref<1x80x128xi32, #tpu.memory_space<hbm>> -> memref<80x128xi32, #tpu.memory_space<hbm>>
      tpu.wait_dma2 semaphore(%run_scoped3A : memref<!tpu.dma_semaphore, #tpu.memory_space<semaphore_mem>>) src(%dma_wait3A_33 : memref<80x128xi32, #tpu.memory_space<hbm>>) dst(%arg6 : memref<80x128xi32, #tpu.memory_space<vmem>>)
      tpu.yield
    }) : () -> ()
    "tpu.region"() ({
      %run_scoped3A = tpu.sem_alloc : memref<!tpu.dma_semaphore, #tpu.memory_space<semaphore_mem>>
      %dma_start3A = arith.constant 0 : i32
      %dma_start3A_20 = arith.constant 0 : i32
      %dma_start3A_21 = tpu.memref_slice %arg4[%add3A, %dma_start3A, %dma_start3A_20] : memref<32x80x128xi32, #tpu.memory_space<hbm>> -> memref<1x80x128xi32, #tpu.memory_space<hbm>>
      %dma_start3A_22 = tpu.memref_squeeze %dma_start3A_21 : memref<1x80x128xi32, #tpu.memory_space<hbm>> -> memref<80x128xi32, #tpu.memory_space<hbm>>
      %dma_start3A_23 = arith.constant 0 : i32
      %dma_start3A_24 = arith.constant 0 : i32
      %dma_start3A_25 = tpu.memref_slice %arg4[%add3A, %dma_start3A_23, %dma_start3A_24] : memref<32x80x128xi32, #tpu.memory_space<hbm>> -> memref<1x80x128xi32, #tpu.memory_space<hbm>>
      %dma_start3A_26 = tpu.memref_squeeze %dma_start3A_25 : memref<1x80x128xi32, #tpu.memory_space<hbm>> -> memref<80x128xi32, #tpu.memory_space<hbm>>
      tpu.enqueue_dma source(%dma_start3A_26 : memref<80x128xi32, #tpu.memory_space<hbm>>) target(%arg7 : memref<80x128xi32, #tpu.memory_space<vmem>>) target_semaphore(%run_scoped3A : memref<!tpu.dma_semaphore, #tpu.memory_space<semaphore_mem>>)
      %dma_wait3A = arith.constant 0 : i32
      %dma_wait3A_27 = arith.constant 0 : i32
      %dma_wait3A_28 = tpu.memref_slice %arg4[%add3A, %dma_wait3A, %dma_wait3A_27] : memref<32x80x128xi32, #tpu.memory_space<hbm>> -> memref<1x80x128xi32, #tpu.memory_space<hbm>>
      %dma_wait3A_29 = tpu.memref_squeeze %dma_wait3A_28 : memref<1x80x128xi32, #tpu.memory_space<hbm>> -> memref<80x128xi32, #tpu.memory_space<hbm>>
      %dma_wait3A_30 = arith.constant 0 : i32
      %dma_wait3A_31 = arith.constant 0 : i32
      %dma_wait3A_32 = tpu.memref_slice %arg4[%add3A, %dma_wait3A_30, %dma_wait3A_31] : memref<32x80x128xi32, #tpu.memory_space<hbm>> -> memref<1x80x128xi32, #tpu.memory_space<hbm>>
      %dma_wait3A_33 = tpu.memref_squeeze %dma_wait3A_32 : memref<1x80x128xi32, #tpu.memory_space<hbm>> -> memref<80x128xi32, #tpu.memory_space<hbm>>
      tpu.wait_dma2 semaphore(%run_scoped3A : memref<!tpu.dma_semaphore, #tpu.memory_space<semaphore_mem>>) src(%dma_wait3A_33 : memref<80x128xi32, #tpu.memory_space<hbm>>) dst(%arg7 : memref<80x128xi32, #tpu.memory_space<vmem>>)
      tpu.yield
    }) : () -> ()
    %barrier3A = arith.constant 0 : index
    tpu.barrier barrier_id(%barrier3A)
    %scan3A_9 = arith.constant 0 : i32
    %scan3A_10 = arith.constant 0 : i32
    %scan3A_11 = arith.constant 40 : i32
    %scan3A_12 = arith.addi %scan3A_10, %scan3A_11 : i32
    %scan3A_13 = arith.constant 1 : i32
    scf.for %scan3A_20 = %scan3A_10 to %scan3A_12 step %scan3A_13  : i32 {
      %mul3A_21 = arith.constant 2 : i32
      %mul3A_22 = arith.muli %mul3A_21, %scan3A_20 : i32
      %mul3A_23 = arith.constant 2 : i32
      %mul3A_24 = arith.muli %mul3A_23, %scan3A_20 : i32
      %add3A_25 = arith.constant 1 : i32
      %add3A_26 = arith.addi %mul3A_24, %add3A_25 : i32
      %dma_start3A = arith.constant 0 : i32
      %dma_start3A_27 = tpu.memref_slice %arg6[%mul3A_22, %dma_start3A] : memref<80x128xi32, #tpu.memory_space<vmem>> -> memref<1x128xi32, #tpu.memory_space<vmem>>
      %dma_start3A_28 = tpu.memref_squeeze %dma_start3A_27 : memref<1x128xi32, #tpu.memory_space<vmem>> -> memref<128xi32, #tpu.memory_space<vmem>>
      %dma_start3A_29 = arith.constant 0 : i32
      %dma_start3A_30 = arith.constant 0 : i32
      %dma_start3A_31 = tpu.memref_slice %arg2[%dma_start3A_29, %dma_start3A_30] : memref<10240x32xf32, #tpu.memory_space<hbm>> -> memref<10240x32xf32, #tpu.memory_space<hbm>>
      tpu.enqueue_indirect_dma source(%dma_start3A_31 : memref<10240x32xf32, #tpu.memory_space<hbm>>) target(%arg8 : memref<128x32xf32, #tpu.memory_space<vmem>>) offsets(%dma_start3A_28 : memref<128xi32, #tpu.memory_space<vmem>>) semaphore(%arg12 : memref<!tpu.dma_semaphore, #tpu.memory_space<semaphore_mem>>)
      %dma_start3A_32 = arith.constant 0 : i32
      %dma_start3A_33 = tpu.memref_slice %arg6[%add3A_26, %dma_start3A_32] : memref<80x128xi32, #tpu.memory_space<vmem>> -> memref<1x128xi32, #tpu.memory_space<vmem>>
      %dma_start3A_34 = tpu.memref_squeeze %dma_start3A_33 : memref<1x128xi32, #tpu.memory_space<vmem>> -> memref<128xi32, #tpu.memory_space<vmem>>
      %dma_start3A_35 = arith.constant 0 : i32
      %dma_start3A_36 = arith.constant 0 : i32
      %dma_start3A_37 = tpu.memref_slice %arg2[%dma_start3A_35, %dma_start3A_36] : memref<10240x32xf32, #tpu.memory_space<hbm>> -> memref<10240x32xf32, #tpu.memory_space<hbm>>
      tpu.enqueue_indirect_dma source(%dma_start3A_37 : memref<10240x32xf32, #tpu.memory_space<hbm>>) target(%arg9 : memref<128x32xf32, #tpu.memory_space<vmem>>) offsets(%dma_start3A_34 : memref<128xi32, #tpu.memory_space<vmem>>) semaphore(%arg13 : memref<!tpu.dma_semaphore, #tpu.memory_space<semaphore_mem>>)
      %dma_wait3A = arith.constant 0 : i32
      %dma_wait3A_38 = tpu.memref_slice %arg6[%mul3A_22, %dma_wait3A] : memref<80x128xi32, #tpu.memory_space<vmem>> -> memref<1x128xi32, #tpu.memory_space<vmem>>
      %dma_wait3A_39 = tpu.memref_squeeze %dma_wait3A_38 : memref<1x128xi32, #tpu.memory_space<vmem>> -> memref<128xi32, #tpu.memory_space<vmem>>
      %dma_wait3A_40 = arith.constant 0 : i32
      %dma_wait3A_41 = arith.constant 0 : i32
      %dma_wait3A_42 = tpu.memref_slice %arg2[%dma_wait3A_40, %dma_wait3A_41] : memref<10240x32xf32, #tpu.memory_space<hbm>> -> memref<10240x32xf32, #tpu.memory_space<hbm>>
      tpu.wait_indirect_dma semaphore(%arg12 : memref<!tpu.dma_semaphore, #tpu.memory_space<semaphore_mem>>) src(%dma_wait3A_42 : memref<10240x32xf32, #tpu.memory_space<hbm>>) dst(%arg8 : memref<128x32xf32, #tpu.memory_space<vmem>>)
      "tpu.region"() ({
        %run_scoped3A = tpu.sem_alloc : memref<!tpu.dma_semaphore, #tpu.memory_space<semaphore_mem>>
        %dma_start3A_49 = arith.constant 0 : i32
        %dma_start3A_50 = tpu.memref_slice %arg7[%mul3A_22, %dma_start3A_49] : memref<80x128xi32, #tpu.memory_space<vmem>> -> memref<1x128xi32, #tpu.memory_space<vmem>>
        %dma_start3A_51 = tpu.memref_squeeze %dma_start3A_50 : memref<1x128xi32, #tpu.memory_space<vmem>> -> memref<128xi32, #tpu.memory_space<vmem>>
        %dma_start3A_52 = arith.constant 0 : i32
        %dma_start3A_53 = arith.constant 0 : i32
        %dma_start3A_54 = tpu.memref_slice %arg11[%dma_start3A_52, %dma_start3A_53] : memref<10240x32xf32, #tpu.memory_space<vmem_shared>> -> memref<10240x32xf32, #tpu.memory_space<vmem_shared>>
        tpu.enqueue_indirect_dma source(%arg8 : memref<128x32xf32, #tpu.memory_space<vmem>>) target(%dma_start3A_54 : memref<10240x32xf32, #tpu.memory_space<vmem_shared>>) offsets(%dma_start3A_51 : memref<128xi32, #tpu.memory_space<vmem>>) semaphore(%run_scoped3A : memref<!tpu.dma_semaphore, #tpu.memory_space<semaphore_mem>>) {add = true}
        %dma_wait3A_55 = arith.constant 0 : i32
        %dma_wait3A_56 = tpu.memref_slice %arg7[%mul3A_22, %dma_wait3A_55] : memref<80x128xi32, #tpu.memory_space<vmem>> -> memref<1x128xi32, #tpu.memory_space<vmem>>
        %dma_wait3A_57 = tpu.memref_squeeze %dma_wait3A_56 : memref<1x128xi32, #tpu.memory_space<vmem>> -> memref<128xi32, #tpu.memory_space<vmem>>
        %dma_wait3A_58 = arith.constant 0 : i32
        %dma_wait3A_59 = arith.constant 0 : i32
        %dma_wait3A_60 = tpu.memref_slice %arg11[%dma_wait3A_58, %dma_wait3A_59] : memref<10240x32xf32, #tpu.memory_space<vmem_shared>> -> memref<10240x32xf32, #tpu.memory_space<vmem_shared>>
        tpu.wait_indirect_dma semaphore(%run_scoped3A : memref<!tpu.dma_semaphore, #tpu.memory_space<semaphore_mem>>) src(%arg8 : memref<128x32xf32, #tpu.memory_space<vmem>>) dst(%dma_wait3A_60 : memref<10240x32xf32, #tpu.memory_space<vmem_shared>>)
        tpu.yield
      }) : () -> ()
      %dma_wait3A_43 = arith.constant 0 : i32
      %dma_wait3A_44 = tpu.memref_slice %arg6[%add3A_26, %dma_wait3A_43] : memref<80x128xi32, #tpu.memory_space<vmem>> -> memref<1x128xi32, #tpu.memory_space<vmem>>
      %dma_wait3A_45 = tpu.memref_squeeze %dma_wait3A_44 : memref<1x128xi32, #tpu.memory_space<vmem>> -> memref<128xi32, #tpu.memory_space<vmem>>
      %dma_wait3A_46 = arith.constant 0 : i32
      %dma_wait3A_47 = arith.constant 0 : i32
      %dma_wait3A_48 = tpu.memref_slice %arg2[%dma_wait3A_46, %dma_wait3A_47] : memref<10240x32xf32, #tpu.memory_space<hbm>> -> memref<10240x32xf32, #tpu.memory_space<hbm>>
      tpu.wait_indirect_dma semaphore(%arg13 : memref<!tpu.dma_semaphore, #tpu.memory_space<semaphore_mem>>) src(%dma_wait3A_48 : memref<10240x32xf32, #tpu.memory_space<hbm>>) dst(%arg9 : memref<128x32xf32, #tpu.memory_space<vmem>>)
      "tpu.region"() ({
        %run_scoped3A = tpu.sem_alloc : memref<!tpu.dma_semaphore, #tpu.memory_space<semaphore_mem>>
        %dma_start3A_49 = arith.constant 0 : i32
        %dma_start3A_50 = tpu.memref_slice %arg7[%add3A_26, %dma_start3A_49] : memref<80x128xi32, #tpu.memory_space<vmem>> -> memref<1x128xi32, #tpu.memory_space<vmem>>
        %dma_start3A_51 = tpu.memref_squeeze %dma_start3A_50 : memref<1x128xi32, #tpu.memory_space<vmem>> -> memref<128xi32, #tpu.memory_space<vmem>>
        %dma_start3A_52 = arith.constant 0 : i32
        %dma_start3A_53 = arith.constant 0 : i32
        %dma_start3A_54 = tpu.memref_slice %arg11[%dma_start3A_52, %dma_start3A_53] : memref<10240x32xf32, #tpu.memory_space<vmem_shared>> -> memref<10240x32xf32, #tpu.memory_space<vmem_shared>>
        tpu.enqueue_indirect_dma source(%arg9 : memref<128x32xf32, #tpu.memory_space<vmem>>) target(%dma_start3A_54 : memref<10240x32xf32, #tpu.memory_space<vmem_shared>>) offsets(%dma_start3A_51 : memref<128xi32, #tpu.memory_space<vmem>>) semaphore(%run_scoped3A : memref<!tpu.dma_semaphore, #tpu.memory_space<semaphore_mem>>) {add = true}
        %dma_wait3A_55 = arith.constant 0 : i32
        %dma_wait3A_56 = tpu.memref_slice %arg7[%add3A_26, %dma_wait3A_55] : memref<80x128xi32, #tpu.memory_space<vmem>> -> memref<1x128xi32, #tpu.memory_space<vmem>>
        %dma_wait3A_57 = tpu.memref_squeeze %dma_wait3A_56 : memref<1x128xi32, #tpu.memory_space<vmem>> -> memref<128xi32, #tpu.memory_space<vmem>>
        %dma_wait3A_58 = arith.constant 0 : i32
        %dma_wait3A_59 = arith.constant 0 : i32
        %dma_wait3A_60 = tpu.memref_slice %arg11[%dma_wait3A_58, %dma_wait3A_59] : memref<10240x32xf32, #tpu.memory_space<vmem_shared>> -> memref<10240x32xf32, #tpu.memory_space<vmem_shared>>
        tpu.wait_indirect_dma semaphore(%run_scoped3A : memref<!tpu.dma_semaphore, #tpu.memory_space<semaphore_mem>>) src(%arg9 : memref<128x32xf32, #tpu.memory_space<vmem>>) dst(%dma_wait3A_60 : memref<10240x32xf32, #tpu.memory_space<vmem_shared>>)
        tpu.yield
      }) : () -> ()
    }
    %scan3A_14 = arith.constant 40 : i32
    %barrier3A_15 = arith.constant 0 : index
    tpu.barrier barrier_id(%barrier3A_15)
    %mul3A_16 = arith.constant 640 : i32
    %mul3A_17 = arith.muli %arg1, %mul3A_16 : i32
    %mul3A_18 = arith.constant 640 : i32
    %mul3A_19 = arith.muli %arg1, %mul3A_18 : i32
    "tpu.region"() ({
      %run_scoped3A = tpu.sem_alloc : memref<!tpu.dma_semaphore, #tpu.memory_space<semaphore_mem>>
      %dma_start3A = arith.constant 0 : i32
      %dma_start3A_20 = tpu.memref_slice %arg5[%arg0, %mul3A_19, %dma_start3A] : memref<2x10240x32xf32, #tpu.memory_space<hbm>> -> memref<1x640x32xf32, #tpu.memory_space<hbm>>
      %dma_start3A_21 = tpu.memref_squeeze %dma_start3A_20 : memref<1x640x32xf32, #tpu.memory_space<hbm>> -> memref<640x32xf32, #tpu.memory_space<hbm>>
      %dma_start3A_22 = arith.constant 0 : i32
      %dma_start3A_23 = tpu.memref_slice %arg11[%mul3A_17, %dma_start3A_22] : memref<10240x32xf32, #tpu.memory_space<vmem_shared>> -> memref<640x32xf32, #tpu.memory_space<vmem_shared>>
      tpu.enqueue_dma source(%dma_start3A_23 : memref<640x32xf32, #tpu.memory_space<vmem_shared>>) target(%dma_start3A_21 : memref<640x32xf32, #tpu.memory_space<hbm>>) target_semaphore(%run_scoped3A : memref<!tpu.dma_semaphore, #tpu.memory_space<semaphore_mem>>)
      %dma_wait3A = arith.constant 0 : i32
      %dma_wait3A_24 = tpu.memref_slice %arg5[%arg0, %mul3A_19, %dma_wait3A] : memref<2x10240x32xf32, #tpu.memory_space<hbm>> -> memref<1x640x32xf32, #tpu.memory_space<hbm>>
      %dma_wait3A_25 = tpu.memref_squeeze %dma_wait3A_24 : memref<1x640x32xf32, #tpu.memory_space<hbm>> -> memref<640x32xf32, #tpu.memory_space<hbm>>
      %dma_wait3A_26 = arith.constant 0 : i32
      %dma_wait3A_27 = tpu.memref_slice %arg11[%mul3A_17, %dma_wait3A_26] : memref<10240x32xf32, #tpu.memory_space<vmem_shared>> -> memref<640x32xf32, #tpu.memory_space<vmem_shared>>
      tpu.wait_dma2 semaphore(%run_scoped3A : memref<!tpu.dma_semaphore, #tpu.memory_space<semaphore_mem>>) src(%dma_wait3A_27 : memref<640x32xf32, #tpu.memory_space<vmem_shared>>) dst(%dma_wait3A_25 : memref<640x32xf32, #tpu.memory_space<hbm>>)
      tpu.yield
    }) : () -> ()
    return
  }
}

#map = affine_map<(d0, d1) -> (0, 0)>
#map1 = affine_map<(d0, d1) -> (0, 0, 0)>
module attributes {stable_mosaic.version = 14 : i64} {
  func.func @run(%arg0: i32, %arg1: i32, %arg2: memref<10240x32xf32, #tpu.memory_space<hbm>>, %arg3: memref<32x80x128xi32, #tpu.memory_space<hbm>>, %arg4: memref<32x80x128xi32, #tpu.memory_space<hbm>>, %arg5: memref<2x10240x32xf32, #tpu.memory_space<hbm>>, %arg6: memref<80x128xi32, #tpu.memory_space<vmem>>, %arg7: memref<80x128xi32, #tpu.memory_space<vmem>>, %arg8: memref<128x32xf32, #tpu.memory_space<vmem>>, %arg9: memref<128x32xf32, #tpu.memory_space<vmem>>, %arg10: memref<640x32xf32, #tpu.memory_space<vmem>>, %arg11: memref<10240x32xf32, #tpu.memory_space<vmem_shared>>, %arg12: memref<!tpu.dma_semaphore, #tpu.memory_space<semaphore_mem>>, %arg13: memref<!tpu.dma_semaphore, #tpu.memory_space<semaphore_mem>>) attributes {dimension_semantics = [#tpu.dimension_semantics<core_parallel>, #tpu.dimension_semantics<subcore_parallel>], iteration_bounds = array<i64: 2, 16>, scalar_prefetch = 0 : i64, scratch_operands = 8 : i64, tpu.core_type = #tpu.core_type<sc_vector_subcore>, window_params = [{transform_indices = #map}, {transform_indices = #map1}, {transform_indices = #map1}, {transform_indices = #map1}]} {
    %mul3A = arith.constant 16 : i32
    %mul3A_0 = arith.muli %arg0, %mul3A : i32
    %add3A = arith.addi %mul3A_0, %arg1 : i32
    %broadcast_in_dim3A = arith.constant 0.000000e+00 : f32
    %broadcast_in_dim3A_1 = vector.broadcast %broadcast_in_dim3A : f32 to vector<16xf32>
    %scan3A = arith.constant 0 : i32
    %scan3A_2 = arith.constant 0 : i32
    %scan3A_3 = arith.constant 640 : i32
    %scan3A_4 = arith.addi %scan3A_2, %scan3A_3 : i32
    %scan3A_5 = arith.constant 1 : i32
    scf.for %scan3A_20 = %scan3A_2 to %scan3A_4 step %scan3A_5  : i32 {
      %swap3A = arith.index_cast %scan3A_20 : i32 to index
      %swap3A_21 = arith.constant 0 : index
      %swap3A_22 = tpu.vector_load %arg10[%swap3A, %swap3A_21] {strides = array<i32>} : memref<640x32xf32, #tpu.memory_space<vmem>>, vector<1x16xf32>,
      %swap3A_23 = vector.shape_cast %swap3A_22 : vector<1x16xf32> to vector<16xf32>
      %swap3A_24 = vector.shape_cast %broadcast_in_dim3A_1 : vector<16xf32> to vector<1x16xf32>
      tpu.vector_store %arg10[%swap3A, %swap3A_21], %swap3A_24 {strides = array<i32>} : memref<640x32xf32, #tpu.memory_space<vmem>>, vector<1x16xf32>,
      %swap3A_25 = arith.index_cast %scan3A_20 : i32 to index
      %swap3A_26 = arith.constant 16 : index
      %swap3A_27 = tpu.vector_load %arg10[%swap3A_25, %swap3A_26] {strides = array<i32>} : memref<640x32xf32, #tpu.memory_space<vmem>>, vector<1x16xf32>,
      %swap3A_28 = vector.shape_cast %swap3A_27 : vector<1x16xf32> to vector<16xf32>
      %swap3A_29 = vector.shape_cast %broadcast_in_dim3A_1 : vector<16xf32> to vector<1x16xf32>
      tpu.vector_store %arg10[%swap3A_25, %swap3A_26], %swap3A_29 {strides = array<i32>} : memref<640x32xf32, #tpu.memory_space<vmem>>, vector<1x16xf32>,
    }
    %scan3A_6 = arith.constant 640 : i32
    %mul3A_7 = arith.constant 640 : i32
    %mul3A_8 = arith.muli %arg1, %mul3A_7 : i32
    "tpu.region"() ({
      %run_scoped3A = tpu.sem_alloc : memref<!tpu.dma_semaphore, #tpu.memory_space<semaphore_mem>>
      %dma_start3A = arith.constant 0 : i32
      %dma_start3A_20 = tpu.memref_slice %arg11[%mul3A_8, %dma_start3A] : memref<10240x32xf32, #tpu.memory_space<vmem_shared>> -> memref<640x32xf32, #tpu.memory_space<vmem_shared>>
      %dma_start3A_21 = arith.constant 0 : i32
      %dma_start3A_22 = tpu.memref_slice %arg11[%mul3A_8, %dma_start3A_21] : memref<10240x32xf32, #tpu.memory_space<vmem_shared>> -> memref<640x32xf32, #tpu.memory_space<vmem_shared>>
      tpu.enqueue_dma source(%arg10 : memref<640x32xf32, #tpu.memory_space<vmem>>) target(%dma_start3A_22 : memref<640x32xf32, #tpu.memory_space<vmem_shared>>) target_semaphore(%run_scoped3A : memref<!tpu.dma_semaphore, #tpu.memory_space<semaphore_mem>>)
      %dma_wait3A = arith.constant 0 : i32
      %dma_wait3A_23 = tpu.memref_slice %arg11[%mul3A_8, %dma_wait3A] : memref<10240x32xf32, #tpu.memory_space<vmem_shared>> -> memref<640x32xf32, #tpu.memory_space<vmem_shared>>
      %dma_wait3A_24 = arith.constant 0 : i32
      %dma_wait3A_25 = tpu.memref_slice %arg11[%mul3A_8, %dma_wait3A_24] : memref<10240x32xf32, #tpu.memory_space<vmem_shared>> -> memref<640x32xf32, #tpu.memory_space<vmem_shared>>
      tpu.wait_dma2 semaphore(%run_scoped3A : memref<!tpu.dma_semaphore, #tpu.memory_space<semaphore_mem>>) src(%arg10 : memref<640x32xf32, #tpu.memory_space<vmem>>) dst(%dma_wait3A_25 : memref<640x32xf32, #tpu.memory_space<vmem_shared>>)
      tpu.yield
    }) : () -> ()
    "tpu.region"() ({
      %run_scoped3A = tpu.sem_alloc : memref<!tpu.dma_semaphore, #tpu.memory_space<semaphore_mem>>
      %dma_start3A = arith.constant 0 : i32
      %dma_start3A_20 = arith.constant 0 : i32
      %dma_start3A_21 = tpu.memref_slice %arg3[%add3A, %dma_start3A, %dma_start3A_20] : memref<32x80x128xi32, #tpu.memory_space<hbm>> -> memref<1x80x128xi32, #tpu.memory_space<hbm>>
      %dma_start3A_22 = tpu.memref_squeeze %dma_start3A_21 : memref<1x80x128xi32, #tpu.memory_space<hbm>> -> memref<80x128xi32, #tpu.memory_space<hbm>>
      %dma_start3A_23 = arith.constant 0 : i32
      %dma_start3A_24 = arith.constant 0 : i32
      %dma_start3A_25 = tpu.memref_slice %arg3[%add3A, %dma_start3A_23, %dma_start3A_24] : memref<32x80x128xi32, #tpu.memory_space<hbm>> -> memref<1x80x128xi32, #tpu.memory_space<hbm>>
      %dma_start3A_26 = tpu.memref_squeeze %dma_start3A_25 : memref<1x80x128xi32, #tpu.memory_space<hbm>> -> memref<80x128xi32, #tpu.memory_space<hbm>>
      tpu.enqueue_dma source(%dma_start3A_26 : memref<80x128xi32, #tpu.memory_space<hbm>>) target(%arg6 : memref<80x128xi32, #tpu.memory_space<vmem>>) target_semaphore(%run_scoped3A : memref<!tpu.dma_semaphore, #tpu.memory_space<semaphore_mem>>)
      %dma_wait3A = arith.constant 0 : i32
      %dma_wait3A_27 = arith.constant 0 : i32
      %dma_wait3A_28 = tpu.memref_slice %arg3[%add3A, %dma_wait3A, %dma_wait3A_27] : memref<32x80x128xi32, #tpu.memory_space<hbm>> -> memref<1x80x128xi32, #tpu.memory_space<hbm>>
      %dma_wait3A_29 = tpu.memref_squeeze %dma_wait3A_28 : memref<1x80x128xi32, #tpu.memory_space<hbm>> -> memref<80x128xi32, #tpu.memory_space<hbm>>
      %dma_wait3A_30 = arith.constant 0 : i32
      %dma_wait3A_31 = arith.constant 0 : i32
      %dma_wait3A_32 = tpu.memref_slice %arg3[%add3A, %dma_wait3A_30, %dma_wait3A_31] : memref<32x80x128xi32, #tpu.memory_space<hbm>> -> memref<1x80x128xi32, #tpu.memory_space<hbm>>
      %dma_wait3A_33 = tpu.memref_squeeze %dma_wait3A_32 : memref<1x80x128xi32, #tpu.memory_space<hbm>> -> memref<80x128xi32, #tpu.memory_space<hbm>>
      tpu.wait_dma2 semaphore(%run_scoped3A : memref<!tpu.dma_semaphore, #tpu.memory_space<semaphore_mem>>) src(%dma_wait3A_33 : memref<80x128xi32, #tpu.memory_space<hbm>>) dst(%arg6 : memref<80x128xi32, #tpu.memory_space<vmem>>)
      tpu.yield
    }) : () -> ()
    "tpu.region"() ({
      %run_scoped3A = tpu.sem_alloc : memref<!tpu.dma_semaphore, #tpu.memory_space<semaphore_mem>>
      %dma_start3A = arith.constant 0 : i32
      %dma_start3A_20 = arith.constant 0 : i32
      %dma_start3A_21 = tpu.memref_slice %arg4[%add3A, %dma_start3A, %dma_start3A_20] : memref<32x80x128xi32, #tpu.memory_space<hbm>> -> memref<1x80x128xi32, #tpu.memory_space<hbm>>
      %dma_start3A_22 = tpu.memref_squeeze %dma_start3A_21 : memref<1x80x128xi32, #tpu.memory_space<hbm>> -> memref<80x128xi32, #tpu.memory_space<hbm>>
      %dma_start3A_23 = arith.constant 0 : i32
      %dma_start3A_24 = arith.constant 0 : i32
      %dma_start3A_25 = tpu.memref_slice %arg4[%add3A, %dma_start3A_23, %dma_start3A_24] : memref<32x80x128xi32, #tpu.memory_space<hbm>> -> memref<1x80x128xi32, #tpu.memory_space<hbm>>
      %dma_start3A_26 = tpu.memref_squeeze %dma_start3A_25 : memref<1x80x128xi32, #tpu.memory_space<hbm>> -> memref<80x128xi32, #tpu.memory_space<hbm>>
      tpu.enqueue_dma source(%dma_start3A_26 : memref<80x128xi32, #tpu.memory_space<hbm>>) target(%arg7 : memref<80x128xi32, #tpu.memory_space<vmem>>) target_semaphore(%run_scoped3A : memref<!tpu.dma_semaphore, #tpu.memory_space<semaphore_mem>>)
      %dma_wait3A = arith.constant 0 : i32
      %dma_wait3A_27 = arith.constant 0 : i32
      %dma_wait3A_28 = tpu.memref_slice %arg4[%add3A, %dma_wait3A, %dma_wait3A_27] : memref<32x80x128xi32, #tpu.memory_space<hbm>> -> memref<1x80x128xi32, #tpu.memory_space<hbm>>
      %dma_wait3A_29 = tpu.memref_squeeze %dma_wait3A_28 : memref<1x80x128xi32, #tpu.memory_space<hbm>> -> memref<80x128xi32, #tpu.memory_space<hbm>>
      %dma_wait3A_30 = arith.constant 0 : i32
      %dma_wait3A_31 = arith.constant 0 : i32
      %dma_wait3A_32 = tpu.memref_slice %arg4[%add3A, %dma_wait3A_30, %dma_wait3A_31] : memref<32x80x128xi32, #tpu.memory_space<hbm>> -> memref<1x80x128xi32, #tpu.memory_space<hbm>>
      %dma_wait3A_33 = tpu.memref_squeeze %dma_wait3A_32 : memref<1x80x128xi32, #tpu.memory_space<hbm>> -> memref<80x128xi32, #tpu.memory_space<hbm>>
      tpu.wait_dma2 semaphore(%run_scoped3A : memref<!tpu.dma_semaphore, #tpu.memory_space<semaphore_mem>>) src(%dma_wait3A_33 : memref<80x128xi32, #tpu.memory_space<hbm>>) dst(%arg7 : memref<80x128xi32, #tpu.memory_space<vmem>>)
      tpu.yield
    }) : () -> ()
    %barrier3A = arith.constant 0 : index
    tpu.barrier barrier_id(%barrier3A)
    %scan3A_9 = arith.constant 0 : i32
    %scan3A_10 = arith.constant 0 : i32
    %scan3A_11 = arith.constant 40 : i32
    %scan3A_12 = arith.addi %scan3A_10, %scan3A_11 : i32
    %scan3A_13 = arith.constant 1 : i32
    scf.for %scan3A_20 = %scan3A_10 to %scan3A_12 step %scan3A_13  : i32 {
      %mul3A_21 = arith.constant 2 : i32
      %mul3A_22 = arith.muli %mul3A_21, %scan3A_20 : i32
      %mul3A_23 = arith.constant 2 : i32
      %mul3A_24 = arith.muli %mul3A_23, %scan3A_20 : i32
      %add3A_25 = arith.constant 1 : i32
      %add3A_26 = arith.addi %mul3A_24, %add3A_25 : i32
      %dma_start3A = arith.constant 0 : i32
      %dma_start3A_27 = tpu.memref_slice %arg6[%mul3A_22, %dma_start3A] : memref<80x128xi32, #tpu.memory_space<vmem>> -> memref<1x128xi32, #tpu.memory_space<vmem>>
      %dma_start3A_28 = tpu.memref_squeeze %dma_start3A_27 : memref<1x128xi32, #tpu.memory_space<vmem>> -> memref<128xi32, #tpu.memory_space<vmem>>
      %dma_start3A_29 = arith.constant 0 : i32
      %dma_start3A_30 = arith.constant 0 : i32
      %dma_start3A_31 = tpu.memref_slice %arg2[%dma_start3A_29, %dma_start3A_30] : memref<10240x32xf32, #tpu.memory_space<hbm>> -> memref<10240x32xf32, #tpu.memory_space<hbm>>
      tpu.enqueue_indirect_dma source(%dma_start3A_31 : memref<10240x32xf32, #tpu.memory_space<hbm>>) target(%arg8 : memref<128x32xf32, #tpu.memory_space<vmem>>) offsets(%dma_start3A_28 : memref<128xi32, #tpu.memory_space<vmem>>) semaphore(%arg12 : memref<!tpu.dma_semaphore, #tpu.memory_space<semaphore_mem>>)
      %dma_start3A_32 = arith.constant 0 : i32
      %dma_start3A_33 = tpu.memref_slice %arg6[%add3A_26, %dma_start3A_32] : memref<80x128xi32, #tpu.memory_space<vmem>> -> memref<1x128xi32, #tpu.memory_space<vmem>>
      %dma_start3A_34 = tpu.memref_squeeze %dma_start3A_33 : memref<1x128xi32, #tpu.memory_space<vmem>> -> memref<128xi32, #tpu.memory_space<vmem>>
      %dma_start3A_35 = arith.constant 0 : i32
      %dma_start3A_36 = arith.constant 0 : i32
      %dma_start3A_37 = tpu.memref_slice %arg2[%dma_start3A_35, %dma_start3A_36] : memref<10240x32xf32, #tpu.memory_space<hbm>> -> memref<10240x32xf32, #tpu.memory_space<hbm>>
      tpu.enqueue_indirect_dma source(%dma_start3A_37 : memref<10240x32xf32, #tpu.memory_space<hbm>>) target(%arg9 : memref<128x32xf32, #tpu.memory_space<vmem>>) offsets(%dma_start3A_34 : memref<128xi32, #tpu.memory_space<vmem>>) semaphore(%arg13 : memref<!tpu.dma_semaphore, #tpu.memory_space<semaphore_mem>>)
      %dma_wait3A = arith.constant 0 : i32
      %dma_wait3A_38 = tpu.memref_slice %arg6[%mul3A_22, %dma_wait3A] : memref<80x128xi32, #tpu.memory_space<vmem>> -> memref<1x128xi32, #tpu.memory_space<vmem>>
      %dma_wait3A_39 = tpu.memref_squeeze %dma_wait3A_38 : memref<1x128xi32, #tpu.memory_space<vmem>> -> memref<128xi32, #tpu.memory_space<vmem>>
      %dma_wait3A_40 = arith.constant 0 : i32
      %dma_wait3A_41 = arith.constant 0 : i32
      %dma_wait3A_42 = tpu.memref_slice %arg2[%dma_wait3A_40, %dma_wait3A_41] : memref<10240x32xf32, #tpu.memory_space<hbm>> -> memref<10240x32xf32, #tpu.memory_space<hbm>>
      tpu.wait_indirect_dma semaphore(%arg12 : memref<!tpu.dma_semaphore, #tpu.memory_space<semaphore_mem>>) src(%dma_wait3A_42 : memref<10240x32xf32, #tpu.memory_space<hbm>>) dst(%arg8 : memref<128x32xf32, #tpu.memory_space<vmem>>)
      "tpu.region"() ({
        %run_scoped3A = tpu.sem_alloc : memref<!tpu.dma_semaphore, #tpu.memory_space<semaphore_mem>>
        %dma_start3A_49 = arith.constant 0 : i32
        %dma_start3A_50 = tpu.memref_slice %arg7[%mul3A_22, %dma_start3A_49] : memref<80x128xi32, #tpu.memory_space<vmem>> -> memref<1x128xi32, #tpu.memory_space<vmem>>
        %dma_start3A_51 = tpu.memref_squeeze %dma_start3A_50 : memref<1x128xi32, #tpu.memory_space<vmem>> -> memref<128xi32, #tpu.memory_space<vmem>>
        %dma_start3A_52 = arith.constant 0 : i32
        %dma_start3A_53 = arith.constant 0 : i32
        %dma_start3A_54 = tpu.memref_slice %arg11[%dma_start3A_52, %dma_start3A_53] : memref<10240x32xf32, #tpu.memory_space<vmem_shared>> -> memref<10240x32xf32, #tpu.memory_space<vmem_shared>>
        tpu.enqueue_indirect_dma source(%arg8 : memref<128x32xf32, #tpu.memory_space<vmem>>) target(%dma_start3A_54 : memref<10240x32xf32, #tpu.memory_space<vmem_shared>>) offsets(%dma_start3A_51 : memref<128xi32, #tpu.memory_space<vmem>>) semaphore(%run_scoped3A : memref<!tpu.dma_semaphore, #tpu.memory_space<semaphore_mem>>) {add = true}
        %dma_wait3A_55 = arith.constant 0 : i32
        %dma_wait3A_56 = tpu.memref_slice %arg7[%mul3A_22, %dma_wait3A_55] : memref<80x128xi32, #tpu.memory_space<vmem>> -> memref<1x128xi32, #tpu.memory_space<vmem>>
        %dma_wait3A_57 = tpu.memref_squeeze %dma_wait3A_56 : memref<1x128xi32, #tpu.memory_space<vmem>> -> memref<128xi32, #tpu.memory_space<vmem>>
        %dma_wait3A_58 = arith.constant 0 : i32
        %dma_wait3A_59 = arith.constant 0 : i32
        %dma_wait3A_60 = tpu.memref_slice %arg11[%dma_wait3A_58, %dma_wait3A_59] : memref<10240x32xf32, #tpu.memory_space<vmem_shared>> -> memref<10240x32xf32, #tpu.memory_space<vmem_shared>>
        tpu.wait_indirect_dma semaphore(%run_scoped3A : memref<!tpu.dma_semaphore, #tpu.memory_space<semaphore_mem>>) src(%arg8 : memref<128x32xf32, #tpu.memory_space<vmem>>) dst(%dma_wait3A_60 : memref<10240x32xf32, #tpu.memory_space<vmem_shared>>)
        tpu.yield
      }) : () -> ()
      %dma_wait3A_43 = arith.constant 0 : i32
      %dma_wait3A_44 = tpu.memref_slice %arg6[%add3A_26, %dma_wait3A_43] : memref<80x128xi32, #tpu.memory_space<vmem>> -> memref<1x128xi32, #tpu.memory_space<vmem>>
      %dma_wait3A_45 = tpu.memref_squeeze %dma_wait3A_44 : memref<1x128xi32, #tpu.memory_space<vmem>> -> memref<128xi32, #tpu.memory_space<vmem>>
      %dma_wait3A_46 = arith.constant 0 : i32
      %dma_wait3A_47 = arith.constant 0 : i32
      %dma_wait3A_48 = tpu.memref_slice %arg2[%dma_wait3A_46, %dma_wait3A_47] : memref<10240x32xf32, #tpu.memory_space<hbm>> -> memref<10240x32xf32, #tpu.memory_space<hbm>>
      tpu.wait_indirect_dma semaphore(%arg13 : memref<!tpu.dma_semaphore, #tpu.memory_space<semaphore_mem>>) src(%dma_wait3A_48 : memref<10240x32xf32, #tpu.memory_space<hbm>>) dst(%arg9 : memref<128x32xf32, #tpu.memory_space<vmem>>)
      "tpu.region"() ({
        %run_scoped3A = tpu.sem_alloc : memref<!tpu.dma_semaphore, #tpu.memory_space<semaphore_mem>>
        %dma_start3A_49 = arith.constant 0 : i32
        %dma_start3A_50 = tpu.memref_slice %arg7[%add3A_26, %dma_start3A_49] : memref<80x128xi32, #tpu.memory_space<vmem>> -> memref<1x128xi32, #tpu.memory_space<vmem>>
        %dma_start3A_51 = tpu.memref_squeeze %dma_start3A_50 : memref<1x128xi32, #tpu.memory_space<vmem>> -> memref<128xi32, #tpu.memory_space<vmem>>
        %dma_start3A_52 = arith.constant 0 : i32
        %dma_start3A_53 = arith.constant 0 : i32
        %dma_start3A_54 = tpu.memref_slice %arg11[%dma_start3A_52, %dma_start3A_53] : memref<10240x32xf32, #tpu.memory_space<vmem_shared>> -> memref<10240x32xf32, #tpu.memory_space<vmem_shared>>
        tpu.enqueue_indirect_dma source(%arg9 : memref<128x32xf32, #tpu.memory_space<vmem>>) target(%dma_start3A_54 : memref<10240x32xf32, #tpu.memory_space<vmem_shared>>) offsets(%dma_start3A_51 : memref<128xi32, #tpu.memory_space<vmem>>) semaphore(%run_scoped3A : memref<!tpu.dma_semaphore, #tpu.memory_space<semaphore_mem>>) {add = true}
        %dma_wait3A_55 = arith.constant 0 : i32
        %dma_wait3A_56 = tpu.memref_slice %arg7[%add3A_26, %dma_wait3A_55] : memref<80x128xi32, #tpu.memory_space<vmem>> -> memref<1x128xi32, #tpu.memory_space<vmem>>
        %dma_wait3A_57 = tpu.memref_squeeze %dma_wait3A_56 : memref<1x128xi32, #tpu.memory_space<vmem>> -> memref<128xi32, #tpu.memory_space<vmem>>
        %dma_wait3A_58 = arith.constant 0 : i32
        %dma_wait3A_59 = arith.constant 0 : i32
        %dma_wait3A_60 = tpu.memref_slice %arg11[%dma_wait3A_58, %dma_wait3A_59] : memref<10240x32xf32, #tpu.memory_space<vmem_shared>> -> memref<10240x32xf32, #tpu.memory_space<vmem_shared>>
        tpu.wait_indirect_dma semaphore(%run_scoped3A : memref<!tpu.dma_semaphore, #tpu.memory_space<semaphore_mem>>) src(%arg9 : memref<128x32xf32, #tpu.memory_space<vmem>>) dst(%dma_wait3A_60 : memref<10240x32xf32, #tpu.memory_space<vmem_shared>>)
        tpu.yield
      }) : () -> ()
    }
    %scan3A_14 = arith.constant 40 : i32
    %barrier3A_15 = arith.constant 0 : index
    tpu.barrier barrier_id(%barrier3A_15)
    %mul3A_16 = arith.constant 640 : i32
    %mul3A_17 = arith.muli %arg1, %mul3A_16 : i32
    %mul3A_18 = arith.constant 640 : i32
    %mul3A_19 = arith.muli %arg1, %mul3A_18 : i32
    "tpu.region"() ({
      %run_scoped3A = tpu.sem_alloc : memref<!tpu.dma_semaphore, #tpu.memory_space<semaphore_mem>>
      %dma_start3A = arith.constant 0 : i32
      %dma_start3A_20 = tpu.memref_slice %arg5[%arg0, %mul3A_19, %dma_start3A] : memref<2x10240x32xf32, #tpu.memory_space<hbm>> -> memref<1x640x32xf32, #tpu.memory_space<hbm>>
      %dma_start3A_21 = tpu.memref_squeeze %dma_start3A_20 : memref<1x640x32xf32, #tpu.memory_space<hbm>> -> memref<640x32xf32, #tpu.memory_space<hbm>>
      %dma_start3A_22 = arith.constant 0 : i32
      %dma_start3A_23 = tpu.memref_slice %arg11[%mul3A_17, %dma_start3A_22] : memref<10240x32xf32, #tpu.memory_space<vmem_shared>> -> memref<640x32xf32, #tpu.memory_space<vmem_shared>>
      tpu.enqueue_dma source(%dma_start3A_23 : memref<640x32xf32, #tpu.memory_space<vmem_shared>>) target(%dma_start3A_21 : memref<640x32xf32, #tpu.memory_space<hbm>>) target_semaphore(%run_scoped3A : memref<!tpu.dma_semaphore, #tpu.memory_space<semaphore_mem>>)
      %dma_wait3A = arith.constant 0 : i32
      %dma_wait3A_24 = tpu.memref_slice %arg5[%arg0, %mul3A_19, %dma_wait3A] : memref<2x10240x32xf32, #tpu.memory_space<hbm>> -> memref<1x640x32xf32, #tpu.memory_space<hbm>>
      %dma_wait3A_25 = tpu.memref_squeeze %dma_wait3A_24 : memref<1x640x32xf32, #tpu.memory_space<hbm>> -> memref<640x32xf32, #tpu.memory_space<hbm>>
      %dma_wait3A_26 = arith.constant 0 : i32
      %dma_wait3A_27 = tpu.memref_slice %arg11[%mul3A_17, %dma_wait3A_26] : memref<10240x32xf32, #tpu.memory_space<vmem_shared>> -> memref<640x32xf32, #tpu.memory_space<vmem_shared>>
      tpu.wait_dma2 semaphore(%run_scoped3A : memref<!tpu.dma_semaphore, #tpu.memory_space<semaphore_mem>>) src(%dma_wait3A_27 : memref<640x32xf32, #tpu.memory_space<vmem_shared>>) dst(%dma_wait3A_25 : memref<640x32xf32, #tpu.memory_space<hbm>>)
      tpu.yield
    }) : () -> ()
    return
  }
}

#map = affine_map<(d0, d1) -> (0, 0)>
#map1 = affine_map<(d0, d1) -> (0, 0, 0)>
module attributes {stable_mosaic.version = 14 : i64} {
  func.func @run(%arg0: i32, %arg1: i32, %arg2: memref<10240x32xf32, #tpu.memory_space<hbm>>, %arg3: memref<32x80x128xi32, #tpu.memory_space<hbm>>, %arg4: memref<32x80x128xi32, #tpu.memory_space<hbm>>, %arg5: memref<2x10240x32xf32, #tpu.memory_space<hbm>>, %arg6: memref<80x128xi32, #tpu.memory_space<vmem>>, %arg7: memref<80x128xi32, #tpu.memory_space<vmem>>, %arg8: memref<128x32xf32, #tpu.memory_space<vmem>>, %arg9: memref<128x32xf32, #tpu.memory_space<vmem>>, %arg10: memref<640x32xf32, #tpu.memory_space<vmem>>, %arg11: memref<10240x32xf32, #tpu.memory_space<vmem_shared>>, %arg12: memref<!tpu.dma_semaphore, #tpu.memory_space<semaphore_mem>>, %arg13: memref<!tpu.dma_semaphore, #tpu.memory_space<semaphore_mem>>) attributes {dimension_semantics = [#tpu.dimension_semantics<core_parallel>, #tpu.dimension_semantics<subcore_parallel>], iteration_bounds = array<i64: 2, 16>, scalar_prefetch = 0 : i64, scratch_operands = 8 : i64, tpu.core_type = #tpu.core_type<sc_vector_subcore>, window_params = [{transform_indices = #map}, {transform_indices = #map1}, {transform_indices = #map1}, {transform_indices = #map1}]} {
    %mul3A = arith.constant 16 : i32
    %mul3A_0 = arith.muli %arg0, %mul3A : i32
    %add3A = arith.addi %mul3A_0, %arg1 : i32
    %broadcast_in_dim3A = arith.constant 0.000000e+00 : f32
    %broadcast_in_dim3A_1 = vector.broadcast %broadcast_in_dim3A : f32 to vector<16xf32>
    %scan3A = arith.constant 0 : i32
    %scan3A_2 = arith.constant 0 : i32
    %scan3A_3 = arith.constant 640 : i32
    %scan3A_4 = arith.addi %scan3A_2, %scan3A_3 : i32
    %scan3A_5 = arith.constant 1 : i32
    scf.for %scan3A_20 = %scan3A_2 to %scan3A_4 step %scan3A_5  : i32 {
      %swap3A = arith.index_cast %scan3A_20 : i32 to index
      %swap3A_21 = arith.constant 0 : index
      %swap3A_22 = tpu.vector_load %arg10[%swap3A, %swap3A_21] {strides = array<i32>} : memref<640x32xf32, #tpu.memory_space<vmem>>, vector<1x16xf32>,
      %swap3A_23 = vector.shape_cast %swap3A_22 : vector<1x16xf32> to vector<16xf32>
      %swap3A_24 = vector.shape_cast %broadcast_in_dim3A_1 : vector<16xf32> to vector<1x16xf32>
      tpu.vector_store %arg10[%swap3A, %swap3A_21], %swap3A_24 {strides = array<i32>} : memref<640x32xf32, #tpu.memory_space<vmem>>, vector<1x16xf32>,
      %swap3A_25 = arith.index_cast %scan3A_20 : i32 to index
      %swap3A_26 = arith.constant 16 : index
      %swap3A_27 = tpu.vector_load %arg10[%swap3A_25, %swap3A_26] {strides = array<i32>} : memref<640x32xf32, #tpu.memory_space<vmem>>, vector<1x16xf32>,
      %swap3A_28 = vector.shape_cast %swap3A_27 : vector<1x16xf32> to vector<16xf32>
      %swap3A_29 = vector.shape_cast %broadcast_in_dim3A_1 : vector<16xf32> to vector<1x16xf32>
      tpu.vector_store %arg10[%swap3A_25, %swap3A_26], %swap3A_29 {strides = array<i32>} : memref<640x32xf32, #tpu.memory_space<vmem>>, vector<1x16xf32>,
    }
    %scan3A_6 = arith.constant 640 : i32
    %mul3A_7 = arith.constant 640 : i32
    %mul3A_8 = arith.muli %arg1, %mul3A_7 : i32
    "tpu.region"() ({
      %run_scoped3A = tpu.sem_alloc : memref<!tpu.dma_semaphore, #tpu.memory_space<semaphore_mem>>
      %dma_start3A = arith.constant 0 : i32
      %dma_start3A_20 = tpu.memref_slice %arg11[%mul3A_8, %dma_start3A] : memref<10240x32xf32, #tpu.memory_space<vmem_shared>> -> memref<640x32xf32, #tpu.memory_space<vmem_shared>>
      %dma_start3A_21 = arith.constant 0 : i32
      %dma_start3A_22 = tpu.memref_slice %arg11[%mul3A_8, %dma_start3A_21] : memref<10240x32xf32, #tpu.memory_space<vmem_shared>> -> memref<640x32xf32, #tpu.memory_space<vmem_shared>>
      tpu.enqueue_dma source(%arg10 : memref<640x32xf32, #tpu.memory_space<vmem>>) target(%dma_start3A_22 : memref<640x32xf32, #tpu.memory_space<vmem_shared>>) target_semaphore(%run_scoped3A : memref<!tpu.dma_semaphore, #tpu.memory_space<semaphore_mem>>)
      %dma_wait3A = arith.constant 0 : i32
      %dma_wait3A_23 = tpu.memref_slice %arg11[%mul3A_8, %dma_wait3A] : memref<10240x32xf32, #tpu.memory_space<vmem_shared>> -> memref<640x32xf32, #tpu.memory_space<vmem_shared>>
      %dma_wait3A_24 = arith.constant 0 : i32
      %dma_wait3A_25 = tpu.memref_slice %arg11[%mul3A_8, %dma_wait3A_24] : memref<10240x32xf32, #tpu.memory_space<vmem_shared>> -> memref<640x32xf32, #tpu.memory_space<vmem_shared>>
      tpu.wait_dma2 semaphore(%run_scoped3A : memref<!tpu.dma_semaphore, #tpu.memory_space<semaphore_mem>>) src(%arg10 : memref<640x32xf32, #tpu.memory_space<vmem>>) dst(%dma_wait3A_25 : memref<640x32xf32, #tpu.memory_space<vmem_shared>>)
      tpu.yield
    }) : () -> ()
    "tpu.region"() ({
      %run_scoped3A = tpu.sem_alloc : memref<!tpu.dma_semaphore, #tpu.memory_space<semaphore_mem>>
      %dma_start3A = arith.constant 0 : i32
      %dma_start3A_20 = arith.constant 0 : i32
      %dma_start3A_21 = tpu.memref_slice %arg3[%add3A, %dma_start3A, %dma_start3A_20] : memref<32x80x128xi32, #tpu.memory_space<hbm>> -> memref<1x80x128xi32, #tpu.memory_space<hbm>>
      %dma_start3A_22 = tpu.memref_squeeze %dma_start3A_21 : memref<1x80x128xi32, #tpu.memory_space<hbm>> -> memref<80x128xi32, #tpu.memory_space<hbm>>
      %dma_start3A_23 = arith.constant 0 : i32
      %dma_start3A_24 = arith.constant 0 : i32
      %dma_start3A_25 = tpu.memref_slice %arg3[%add3A, %dma_start3A_23, %dma_start3A_24] : memref<32x80x128xi32, #tpu.memory_space<hbm>> -> memref<1x80x128xi32, #tpu.memory_space<hbm>>
      %dma_start3A_26 = tpu.memref_squeeze %dma_start3A_25 : memref<1x80x128xi32, #tpu.memory_space<hbm>> -> memref<80x128xi32, #tpu.memory_space<hbm>>
      tpu.enqueue_dma source(%dma_start3A_26 : memref<80x128xi32, #tpu.memory_space<hbm>>) target(%arg6 : memref<80x128xi32, #tpu.memory_space<vmem>>) target_semaphore(%run_scoped3A : memref<!tpu.dma_semaphore, #tpu.memory_space<semaphore_mem>>)
      %dma_wait3A = arith.constant 0 : i32
      %dma_wait3A_27 = arith.constant 0 : i32
      %dma_wait3A_28 = tpu.memref_slice %arg3[%add3A, %dma_wait3A, %dma_wait3A_27] : memref<32x80x128xi32, #tpu.memory_space<hbm>> -> memref<1x80x128xi32, #tpu.memory_space<hbm>>
      %dma_wait3A_29 = tpu.memref_squeeze %dma_wait3A_28 : memref<1x80x128xi32, #tpu.memory_space<hbm>> -> memref<80x128xi32, #tpu.memory_space<hbm>>
      %dma_wait3A_30 = arith.constant 0 : i32
      %dma_wait3A_31 = arith.constant 0 : i32
      %dma_wait3A_32 = tpu.memref_slice %arg3[%add3A, %dma_wait3A_30, %dma_wait3A_31] : memref<32x80x128xi32, #tpu.memory_space<hbm>> -> memref<1x80x128xi32, #tpu.memory_space<hbm>>
      %dma_wait3A_33 = tpu.memref_squeeze %dma_wait3A_32 : memref<1x80x128xi32, #tpu.memory_space<hbm>> -> memref<80x128xi32, #tpu.memory_space<hbm>>
      tpu.wait_dma2 semaphore(%run_scoped3A : memref<!tpu.dma_semaphore, #tpu.memory_space<semaphore_mem>>) src(%dma_wait3A_33 : memref<80x128xi32, #tpu.memory_space<hbm>>) dst(%arg6 : memref<80x128xi32, #tpu.memory_space<vmem>>)
      tpu.yield
    }) : () -> ()
    "tpu.region"() ({
      %run_scoped3A = tpu.sem_alloc : memref<!tpu.dma_semaphore, #tpu.memory_space<semaphore_mem>>
      %dma_start3A = arith.constant 0 : i32
      %dma_start3A_20 = arith.constant 0 : i32
      %dma_start3A_21 = tpu.memref_slice %arg4[%add3A, %dma_start3A, %dma_start3A_20] : memref<32x80x128xi32, #tpu.memory_space<hbm>> -> memref<1x80x128xi32, #tpu.memory_space<hbm>>
      %dma_start3A_22 = tpu.memref_squeeze %dma_start3A_21 : memref<1x80x128xi32, #tpu.memory_space<hbm>> -> memref<80x128xi32, #tpu.memory_space<hbm>>
      %dma_start3A_23 = arith.constant 0 : i32
      %dma_start3A_24 = arith.constant 0 : i32
      %dma_start3A_25 = tpu.memref_slice %arg4[%add3A, %dma_start3A_23, %dma_start3A_24] : memref<32x80x128xi32, #tpu.memory_space<hbm>> -> memref<1x80x128xi32, #tpu.memory_space<hbm>>
      %dma_start3A_26 = tpu.memref_squeeze %dma_start3A_25 : memref<1x80x128xi32, #tpu.memory_space<hbm>> -> memref<80x128xi32, #tpu.memory_space<hbm>>
      tpu.enqueue_dma source(%dma_start3A_26 : memref<80x128xi32, #tpu.memory_space<hbm>>) target(%arg7 : memref<80x128xi32, #tpu.memory_space<vmem>>) target_semaphore(%run_scoped3A : memref<!tpu.dma_semaphore, #tpu.memory_space<semaphore_mem>>)
      %dma_wait3A = arith.constant 0 : i32
      %dma_wait3A_27 = arith.constant 0 : i32
      %dma_wait3A_28 = tpu.memref_slice %arg4[%add3A, %dma_wait3A, %dma_wait3A_27] : memref<32x80x128xi32, #tpu.memory_space<hbm>> -> memref<1x80x128xi32, #tpu.memory_space<hbm>>
      %dma_wait3A_29 = tpu.memref_squeeze %dma_wait3A_28 : memref<1x80x128xi32, #tpu.memory_space<hbm>> -> memref<80x128xi32, #tpu.memory_space<hbm>>
      %dma_wait3A_30 = arith.constant 0 : i32
      %dma_wait3A_31 = arith.constant 0 : i32
      %dma_wait3A_32 = tpu.memref_slice %arg4[%add3A, %dma_wait3A_30, %dma_wait3A_31] : memref<32x80x128xi32, #tpu.memory_space<hbm>> -> memref<1x80x128xi32, #tpu.memory_space<hbm>>
      %dma_wait3A_33 = tpu.memref_squeeze %dma_wait3A_32 : memref<1x80x128xi32, #tpu.memory_space<hbm>> -> memref<80x128xi32, #tpu.memory_space<hbm>>
      tpu.wait_dma2 semaphore(%run_scoped3A : memref<!tpu.dma_semaphore, #tpu.memory_space<semaphore_mem>>) src(%dma_wait3A_33 : memref<80x128xi32, #tpu.memory_space<hbm>>) dst(%arg7 : memref<80x128xi32, #tpu.memory_space<vmem>>)
      tpu.yield
    }) : () -> ()
    %barrier3A = arith.constant 0 : index
    tpu.barrier barrier_id(%barrier3A)
    %scan3A_9 = arith.constant 0 : i32
    %scan3A_10 = arith.constant 0 : i32
    %scan3A_11 = arith.constant 40 : i32
    %scan3A_12 = arith.addi %scan3A_10, %scan3A_11 : i32
    %scan3A_13 = arith.constant 1 : i32
    scf.for %scan3A_20 = %scan3A_10 to %scan3A_12 step %scan3A_13  : i32 {
      %mul3A_21 = arith.constant 2 : i32
      %mul3A_22 = arith.muli %mul3A_21, %scan3A_20 : i32
      %mul3A_23 = arith.constant 2 : i32
      %mul3A_24 = arith.muli %mul3A_23, %scan3A_20 : i32
      %add3A_25 = arith.constant 1 : i32
      %add3A_26 = arith.addi %mul3A_24, %add3A_25 : i32
      %dma_start3A = arith.constant 0 : i32
      %dma_start3A_27 = tpu.memref_slice %arg6[%mul3A_22, %dma_start3A] : memref<80x128xi32, #tpu.memory_space<vmem>> -> memref<1x128xi32, #tpu.memory_space<vmem>>
      %dma_start3A_28 = tpu.memref_squeeze %dma_start3A_27 : memref<1x128xi32, #tpu.memory_space<vmem>> -> memref<128xi32, #tpu.memory_space<vmem>>
      %dma_start3A_29 = arith.constant 0 : i32
      %dma_start3A_30 = arith.constant 0 : i32
      %dma_start3A_31 = tpu.memref_slice %arg2[%dma_start3A_29, %dma_start3A_30] : memref<10240x32xf32, #tpu.memory_space<hbm>> -> memref<10240x32xf32, #tpu.memory_space<hbm>>
      tpu.enqueue_indirect_dma source(%dma_start3A_31 : memref<10240x32xf32, #tpu.memory_space<hbm>>) target(%arg8 : memref<128x32xf32, #tpu.memory_space<vmem>>) offsets(%dma_start3A_28 : memref<128xi32, #tpu.memory_space<vmem>>) semaphore(%arg12 : memref<!tpu.dma_semaphore, #tpu.memory_space<semaphore_mem>>)
      %dma_start3A_32 = arith.constant 0 : i32
      %dma_start3A_33 = tpu.memref_slice %arg6[%add3A_26, %dma_start3A_32] : memref<80x128xi32, #tpu.memory_space<vmem>> -> memref<1x128xi32, #tpu.memory_space<vmem>>
      %dma_start3A_34 = tpu.memref_squeeze %dma_start3A_33 : memref<1x128xi32, #tpu.memory_space<vmem>> -> memref<128xi32, #tpu.memory_space<vmem>>
      %dma_start3A_35 = arith.constant 0 : i32
      %dma_start3A_36 = arith.constant 0 : i32
      %dma_start3A_37 = tpu.memref_slice %arg2[%dma_start3A_35, %dma_start3A_36] : memref<10240x32xf32, #tpu.memory_space<hbm>> -> memref<10240x32xf32, #tpu.memory_space<hbm>>
      tpu.enqueue_indirect_dma source(%dma_start3A_37 : memref<10240x32xf32, #tpu.memory_space<hbm>>) target(%arg9 : memref<128x32xf32, #tpu.memory_space<vmem>>) offsets(%dma_start3A_34 : memref<128xi32, #tpu.memory_space<vmem>>) semaphore(%arg13 : memref<!tpu.dma_semaphore, #tpu.memory_space<semaphore_mem>>)
      %dma_wait3A = arith.constant 0 : i32
      %dma_wait3A_38 = tpu.memref_slice %arg6[%mul3A_22, %dma_wait3A] : memref<80x128xi32, #tpu.memory_space<vmem>> -> memref<1x128xi32, #tpu.memory_space<vmem>>
      %dma_wait3A_39 = tpu.memref_squeeze %dma_wait3A_38 : memref<1x128xi32, #tpu.memory_space<vmem>> -> memref<128xi32, #tpu.memory_space<vmem>>
      %dma_wait3A_40 = arith.constant 0 : i32
      %dma_wait3A_41 = arith.constant 0 : i32
      %dma_wait3A_42 = tpu.memref_slice %arg2[%dma_wait3A_40, %dma_wait3A_41] : memref<10240x32xf32, #tpu.memory_space<hbm>> -> memref<10240x32xf32, #tpu.memory_space<hbm>>
      tpu.wait_indirect_dma semaphore(%arg12 : memref<!tpu.dma_semaphore, #tpu.memory_space<semaphore_mem>>) src(%dma_wait3A_42 : memref<10240x32xf32, #tpu.memory_space<hbm>>) dst(%arg8 : memref<128x32xf32, #tpu.memory_space<vmem>>)
      "tpu.region"() ({
        %run_scoped3A = tpu.sem_alloc : memref<!tpu.dma_semaphore, #tpu.memory_space<semaphore_mem>>
        %dma_start3A_49 = arith.constant 0 : i32
        %dma_start3A_50 = tpu.memref_slice %arg7[%mul3A_22, %dma_start3A_49] : memref<80x128xi32, #tpu.memory_space<vmem>> -> memref<1x128xi32, #tpu.memory_space<vmem>>
        %dma_start3A_51 = tpu.memref_squeeze %dma_start3A_50 : memref<1x128xi32, #tpu.memory_space<vmem>> -> memref<128xi32, #tpu.memory_space<vmem>>
        %dma_start3A_52 = arith.constant 0 : i32
        %dma_start3A_53 = arith.constant 0 : i32
        %dma_start3A_54 = tpu.memref_slice %arg11[%dma_start3A_52, %dma_start3A_53] : memref<10240x32xf32, #tpu.memory_space<vmem_shared>> -> memref<10240x32xf32, #tpu.memory_space<vmem_shared>>
        tpu.enqueue_indirect_dma source(%arg8 : memref<128x32xf32, #tpu.memory_space<vmem>>) target(%dma_start3A_54 : memref<10240x32xf32, #tpu.memory_space<vmem_shared>>) offsets(%dma_start3A_51 : memref<128xi32, #tpu.memory_space<vmem>>) semaphore(%run_scoped3A : memref<!tpu.dma_semaphore, #tpu.memory_space<semaphore_mem>>) {add = true}
        %dma_wait3A_55 = arith.constant 0 : i32
        %dma_wait3A_56 = tpu.memref_slice %arg7[%mul3A_22, %dma_wait3A_55] : memref<80x128xi32, #tpu.memory_space<vmem>> -> memref<1x128xi32, #tpu.memory_space<vmem>>
        %dma_wait3A_57 = tpu.memref_squeeze %dma_wait3A_56 : memref<1x128xi32, #tpu.memory_space<vmem>> -> memref<128xi32, #tpu.memory_space<vmem>>
        %dma_wait3A_58 = arith.constant 0 : i32
        %dma_wait3A_59 = arith.constant 0 : i32
        %dma_wait3A_60 = tpu.memref_slice %arg11[%dma_wait3A_58, %dma_wait3A_59] : memref<10240x32xf32, #tpu.memory_space<vmem_shared>> -> memref<10240x32xf32, #tpu.memory_space<vmem_shared>>
        tpu.wait_indirect_dma semaphore(%run_scoped3A : memref<!tpu.dma_semaphore, #tpu.memory_space<semaphore_mem>>) src(%arg8 : memref<128x32xf32, #tpu.memory_space<vmem>>) dst(%dma_wait3A_60 : memref<10240x32xf32, #tpu.memory_space<vmem_shared>>)
        tpu.yield
      }) : () -> ()
      %dma_wait3A_43 = arith.constant 0 : i32
      %dma_wait3A_44 = tpu.memref_slice %arg6[%add3A_26, %dma_wait3A_43] : memref<80x128xi32, #tpu.memory_space<vmem>> -> memref<1x128xi32, #tpu.memory_space<vmem>>
      %dma_wait3A_45 = tpu.memref_squeeze %dma_wait3A_44 : memref<1x128xi32, #tpu.memory_space<vmem>> -> memref<128xi32, #tpu.memory_space<vmem>>
      %dma_wait3A_46 = arith.constant 0 : i32
      %dma_wait3A_47 = arith.constant 0 : i32
      %dma_wait3A_48 = tpu.memref_slice %arg2[%dma_wait3A_46, %dma_wait3A_47] : memref<10240x32xf32, #tpu.memory_space<hbm>> -> memref<10240x32xf32, #tpu.memory_space<hbm>>
      tpu.wait_indirect_dma semaphore(%arg13 : memref<!tpu.dma_semaphore, #tpu.memory_space<semaphore_mem>>) src(%dma_wait3A_48 : memref<10240x32xf32, #tpu.memory_space<hbm>>) dst(%arg9 : memref<128x32xf32, #tpu.memory_space<vmem>>)
      "tpu.region"() ({
        %run_scoped3A = tpu.sem_alloc : memref<!tpu.dma_semaphore, #tpu.memory_space<semaphore_mem>>
        %dma_start3A_49 = arith.constant 0 : i32
        %dma_start3A_50 = tpu.memref_slice %arg7[%add3A_26, %dma_start3A_49] : memref<80x128xi32, #tpu.memory_space<vmem>> -> memref<1x128xi32, #tpu.memory_space<vmem>>
        %dma_start3A_51 = tpu.memref_squeeze %dma_start3A_50 : memref<1x128xi32, #tpu.memory_space<vmem>> -> memref<128xi32, #tpu.memory_space<vmem>>
        %dma_start3A_52 = arith.constant 0 : i32
        %dma_start3A_53 = arith.constant 0 : i32
        %dma_start3A_54 = tpu.memref_slice %arg11[%dma_start3A_52, %dma_start3A_53] : memref<10240x32xf32, #tpu.memory_space<vmem_shared>> -> memref<10240x32xf32, #tpu.memory_space<vmem_shared>>
        tpu.enqueue_indirect_dma source(%arg9 : memref<128x32xf32, #tpu.memory_space<vmem>>) target(%dma_start3A_54 : memref<10240x32xf32, #tpu.memory_space<vmem_shared>>) offsets(%dma_start3A_51 : memref<128xi32, #tpu.memory_space<vmem>>) semaphore(%run_scoped3A : memref<!tpu.dma_semaphore, #tpu.memory_space<semaphore_mem>>) {add = true}
        %dma_wait3A_55 = arith.constant 0 : i32
        %dma_wait3A_56 = tpu.memref_slice %arg7[%add3A_26, %dma_wait3A_55] : memref<80x128xi32, #tpu.memory_space<vmem>> -> memref<1x128xi32, #tpu.memory_space<vmem>>
        %dma_wait3A_57 = tpu.memref_squeeze %dma_wait3A_56 : memref<1x128xi32, #tpu.memory_space<vmem>> -> memref<128xi32, #tpu.memory_space<vmem>>
        %dma_wait3A_58 = arith.constant 0 : i32
        %dma_wait3A_59 = arith.constant 0 : i32
        %dma_wait3A_60 = tpu.memref_slice %arg11[%dma_wait3A_58, %dma_wait3A_59] : memref<10240x32xf32, #tpu.memory_space<vmem_shared>> -> memref<10240x32xf32, #tpu.memory_space<vmem_shared>>
        tpu.wait_indirect_dma semaphore(%run_scoped3A : memref<!tpu.dma_semaphore, #tpu.memory_space<semaphore_mem>>) src(%arg9 : memref<128x32xf32, #tpu.memory_space<vmem>>) dst(%dma_wait3A_60 : memref<10240x32xf32, #tpu.memory_space<vmem_shared>>)
        tpu.yield
      }) : () -> ()
    }
    %scan3A_14 = arith.constant 40 : i32
    %barrier3A_15 = arith.constant 0 : index
    tpu.barrier barrier_id(%barrier3A_15)
    %mul3A_16 = arith.constant 640 : i32
    %mul3A_17 = arith.muli %arg1, %mul3A_16 : i32
    %mul3A_18 = arith.constant 640 : i32
    %mul3A_19 = arith.muli %arg1, %mul3A_18 : i32
    "tpu.region"() ({
      %run_scoped3A = tpu.sem_alloc : memref<!tpu.dma_semaphore, #tpu.memory_space<semaphore_mem>>
      %dma_start3A = arith.constant 0 : i32
      %dma_start3A_20 = tpu.memref_slice %arg5[%arg0, %mul3A_19, %dma_start3A] : memref<2x10240x32xf32, #tpu.memory_space<hbm>> -> memref<1x640x32xf32, #tpu.memory_space<hbm>>
      %dma_start3A_21 = tpu.memref_squeeze %dma_start3A_20 : memref<1x640x32xf32, #tpu.memory_space<hbm>> -> memref<640x32xf32, #tpu.memory_space<hbm>>
      %dma_start3A_22 = arith.constant 0 : i32
      %dma_start3A_23 = tpu.memref_slice %arg11[%mul3A_17, %dma_start3A_22] : memref<10240x32xf32, #tpu.memory_space<vmem_shared>> -> memref<640x32xf32, #tpu.memory_space<vmem_shared>>
      tpu.enqueue_dma source(%dma_start3A_23 : memref<640x32xf32, #tpu.memory_space<vmem_shared>>) target(%dma_start3A_21 : memref<640x32xf32, #tpu.memory_space<hbm>>) target_semaphore(%run_scoped3A : memref<!tpu.dma_semaphore, #tpu.memory_space<semaphore_mem>>)
      %dma_wait3A = arith.constant 0 : i32
      %dma_wait3A_24 = tpu.memref_slice %arg5[%arg0, %mul3A_19, %dma_wait3A] : memref<2x10240x32xf32, #tpu.memory_space<hbm>> -> memref<1x640x32xf32, #tpu.memory_space<hbm>>
      %dma_wait3A_25 = tpu.memref_squeeze %dma_wait3A_24 : memref<1x640x32xf32, #tpu.memory_space<hbm>> -> memref<640x32xf32, #tpu.memory_space<hbm>>
      %dma_wait3A_26 = arith.constant 0 : i32
      %dma_wait3A_27 = tpu.memref_slice %arg11[%mul3A_17, %dma_wait3A_26] : memref<10240x32xf32, #tpu.memory_space<vmem_shared>> -> memref<640x32xf32, #tpu.memory_space<vmem_shared>>
      tpu.wait_dma2 semaphore(%run_scoped3A : memref<!tpu.dma_semaphore, #tpu.memory_space<semaphore_mem>>) src(%dma_wait3A_27 : memref<640x32xf32, #tpu.memory_space<vmem_shared>>) dst(%dma_wait3A_25 : memref<640x32xf32, #tpu.memory_space<hbm>>)
      tpu.yield
    }) : () -> ()
    return
  }
}

module attributes {stable_mosaic.version = 14 : i64} {
  func.func @body(%arg0: memref<2x10240x32xf32, #tpu.memory_space<vmem>>, %arg1: memref<10000x128xf32, #tpu.memory_space<vmem>>, %arg2: memref<128x32xf32, #tpu.memory_space<vmem>>, %arg3: memref<10240x32xf32, #tpu.memory_space<vmem>>, %arg4: memref<10240x32xf32, #tpu.memory_space<vmem>>) attributes {dimension_semantics = [], scalar_prefetch = 0 : i64, scratch_operands = 0 : i64, tpu.core_type = #tpu.core_type<tc>} {
    %get3A = arith.constant 0 : index
    %get3A_0 = arith.constant 0 : index
    %get3A_1 = arith.constant 0 : index
    %get3A_2 = vector.load %arg0[%get3A, %get3A_0, %get3A_1] : memref<2x10240x32xf32, #tpu.memory_space<vmem>>, vector<1x10000x32xf32>
    %get3A_3 = vector.shape_cast %get3A_2 : vector<1x10000x32xf32> to vector<10000x32xf32>
    %get3A_4 = arith.constant 1 : index
    %get3A_5 = arith.constant 0 : index
    %get3A_6 = arith.constant 0 : index
    %get3A_7 = vector.load %arg0[%get3A_4, %get3A_5, %get3A_6] : memref<2x10240x32xf32, #tpu.memory_space<vmem>>, vector<1x10000x32xf32>
    %get3A_8 = vector.shape_cast %get3A_7 : vector<1x10000x32xf32> to vector<10000x32xf32>
    %add3A = arith.addf %get3A_3, %get3A_8 : vector<10000x32xf32>
    %add3A_9 = arith.constant 1.000000e+00 : f32
    %add3A_10 = vector.broadcast %add3A_9 : f32 to vector<10000x32xf32>
    %add3A_11 = arith.addf %add3A, %add3A_10 : vector<10000x32xf32>
    %rsqrt3A = math.rsqrt %add3A_11 : vector<10000x32xf32>
    %get3A_12 = arith.constant 0 : index
    %get3A_13 = arith.constant 0 : index
    %get3A_14 = vector.load %arg1[%get3A_12, %get3A_13] : memref<10000x128xf32, #tpu.memory_space<vmem>>, vector<10000x128xf32>
    %get3A_15 = arith.constant 0 : index
    %get3A_16 = arith.constant 0 : index
    %get3A_17 = vector.load %arg2[%get3A_15, %get3A_16] : memref<128x32xf32, #tpu.memory_space<vmem>>, vector<128x32xf32>
    %dot_general3A = arith.constant dense<0.000000e+00> : vector<10000x32xf32>
    %dot_general3A_18 = tpu.matmul %get3A_14, %get3A_17, %dot_general3A {dimension_numbers = #tpu.dot_dimension_numbers<[1], [0], [0], [1], [0, 0, 1, 1], [], []>, transpose_lhs_hint = false} : vector<10000x128xf32>, vector<128x32xf32>, vector<10000x32xf32> -> vector<10000x32xf32>
    %swap3A = arith.constant 0 : index
    %swap3A_19 = arith.constant 0 : index
    %swap3A_20 = vector.load %arg3[%swap3A, %swap3A_19] : memref<10240x32xf32, #tpu.memory_space<vmem>>, vector<10000x32xf32>
    tpu.vector_store %arg3[%swap3A, %swap3A_19], %rsqrt3A {strides = array<i32>} : memref<10240x32xf32, #tpu.memory_space<vmem>>, vector<10000x32xf32>,
    %mul3A = arith.mulf %rsqrt3A, %dot_general3A_18 : vector<10000x32xf32>
    %swap3A_21 = arith.constant 0 : index
    %swap3A_22 = arith.constant 0 : index
    %swap3A_23 = vector.load %arg4[%swap3A_21, %swap3A_22] : memref<10240x32xf32, #tpu.memory_space<vmem>>, vector<10000x32xf32>
    tpu.vector_store %arg4[%swap3A_21, %swap3A_22], %mul3A {strides = array<i32>} : memref<10240x32xf32, #tpu.memory_space<vmem>>, vector<10000x32xf32>,
    return
  }
}

module attributes {stable_mosaic.version = 14 : i64} {
  func.func @body(%arg0: memref<2x10240x32xf32, #tpu.memory_space<vmem>>, %arg1: memref<10240x32xf32, #tpu.memory_space<vmem>>, %arg2: memref<10240x32xf32, #tpu.memory_space<vmem>>, %arg3: memref<1x32xf32, #tpu.memory_space<vmem>>, %arg4: memref<32x32xf32, #tpu.memory_space<vmem>>, %arg5: memref<10240x32xf32, #tpu.memory_space<vmem>>) attributes {dimension_semantics = [], scalar_prefetch = 0 : i64, scratch_operands = 0 : i64, tpu.core_type = #tpu.core_type<tc>} {
    %get3A = arith.constant 0 : index
    %get3A_0 = arith.constant 0 : index
    %get3A_1 = vector.load %arg2[%get3A, %get3A_0] : memref<10240x32xf32, #tpu.memory_space<vmem>>, vector<10000x32xf32>
    %get3A_2 = arith.constant 0 : index
    %get3A_3 = arith.constant 0 : index
    %get3A_4 = arith.constant 0 : index
    %get3A_5 = vector.load %arg0[%get3A_2, %get3A_3, %get3A_4] : memref<2x10240x32xf32, #tpu.memory_space<vmem>>, vector<1x10000x32xf32>
    %get3A_6 = vector.shape_cast %get3A_5 : vector<1x10000x32xf32> to vector<10000x32xf32>
    %get3A_7 = arith.constant 1 : index
    %get3A_8 = arith.constant 0 : index
    %get3A_9 = arith.constant 0 : index
    %get3A_10 = vector.load %arg0[%get3A_7, %get3A_8, %get3A_9] : memref<2x10240x32xf32, #tpu.memory_space<vmem>>, vector<1x10000x32xf32>
    %get3A_11 = vector.shape_cast %get3A_10 : vector<1x10000x32xf32> to vector<10000x32xf32>
    %add3A = arith.addf %get3A_6, %get3A_11 : vector<10000x32xf32>
    %get3A_12 = arith.constant 0 : index
    %get3A_13 = arith.constant 0 : index
    %get3A_14 = vector.load %arg1[%get3A_12, %get3A_13] : memref<10240x32xf32, #tpu.memory_space<vmem>>, vector<10000x32xf32>
    %add3A_15 = arith.addf %add3A, %get3A_14 : vector<10000x32xf32>
    %mul3A = arith.mulf %get3A_1, %add3A_15 : vector<10000x32xf32>
    %get3A_16 = arith.constant 0 : index
    %get3A_17 = arith.constant 0 : index
    %get3A_18 = vector.load %arg3[%get3A_16, %get3A_17] : memref<1x32xf32, #tpu.memory_space<vmem>>, vector<1x32xf32>
    %add3A_19 = vector.broadcast %get3A_18 : vector<1x32xf32> to vector<10000x32xf32>
    %add3A_20 = arith.addf %mul3A, %add3A_19 : vector<10000x32xf32>
    %max3A = arith.constant 0.000000e+00 : f32
    %max3A_21 = vector.broadcast %max3A : f32 to vector<10000x32xf32>
    %max3A_22 = arith.maximumf %add3A_20, %max3A_21 : vector<10000x32xf32>
    %get3A_23 = arith.constant 0 : index
    %get3A_24 = arith.constant 0 : index
    %get3A_25 = vector.load %arg4[%get3A_23, %get3A_24] : memref<32x32xf32, #tpu.memory_space<vmem>>, vector<32x32xf32>
    %dot_general3A = arith.constant dense<0.000000e+00> : vector<10000x32xf32>
    %dot_general3A_26 = tpu.matmul %max3A_22, %get3A_25, %dot_general3A {dimension_numbers = #tpu.dot_dimension_numbers<[1], [0], [0], [1], [0, 0, 1, 1], [], []>, transpose_lhs_hint = false} : vector<10000x32xf32>, vector<32x32xf32>, vector<10000x32xf32> -> vector<10000x32xf32>
    %mul3A_27 = arith.mulf %get3A_1, %dot_general3A_26 : vector<10000x32xf32>
    %swap3A = arith.constant 0 : index
    %swap3A_28 = arith.constant 0 : index
    %swap3A_29 = vector.load %arg5[%swap3A, %swap3A_28] : memref<10240x32xf32, #tpu.memory_space<vmem>>, vector<10000x32xf32>
    tpu.vector_store %arg5[%swap3A, %swap3A_28], %mul3A_27 {strides = array<i32>} : memref<10240x32xf32, #tpu.memory_space<vmem>>, vector<10000x32xf32>,
    return
  }
}

module attributes {stable_mosaic.version = 14 : i64} {
  func.func @body(%arg0: memref<2x10240x32xf32, #tpu.memory_space<vmem>>, %arg1: memref<10240x32xf32, #tpu.memory_space<vmem>>, %arg2: memref<10240x32xf32, #tpu.memory_space<vmem>>, %arg3: memref<1x32xf32, #tpu.memory_space<vmem>>, %arg4: memref<10000x32xf32, #tpu.memory_space<vmem>>) attributes {dimension_semantics = [], scalar_prefetch = 0 : i64, scratch_operands = 0 : i64, tpu.core_type = #tpu.core_type<tc>} {
    %get3A = arith.constant 0 : index
    %get3A_0 = arith.constant 0 : index
    %get3A_1 = vector.load %arg2[%get3A, %get3A_0] : memref<10240x32xf32, #tpu.memory_space<vmem>>, vector<10000x32xf32>
    %get3A_2 = arith.constant 0 : index
    %get3A_3 = arith.constant 0 : index
    %get3A_4 = arith.constant 0 : index
    %get3A_5 = vector.load %arg0[%get3A_2, %get3A_3, %get3A_4] : memref<2x10240x32xf32, #tpu.memory_space<vmem>>, vector<1x10000x32xf32>
    %get3A_6 = vector.shape_cast %get3A_5 : vector<1x10000x32xf32> to vector<10000x32xf32>
    %get3A_7 = arith.constant 1 : index
    %get3A_8 = arith.constant 0 : index
    %get3A_9 = arith.constant 0 : index
    %get3A_10 = vector.load %arg0[%get3A_7, %get3A_8, %get3A_9] : memref<2x10240x32xf32, #tpu.memory_space<vmem>>, vector<1x10000x32xf32>
    %get3A_11 = vector.shape_cast %get3A_10 : vector<1x10000x32xf32> to vector<10000x32xf32>
    %add3A = arith.addf %get3A_6, %get3A_11 : vector<10000x32xf32>
    %get3A_12 = arith.constant 0 : index
    %get3A_13 = arith.constant 0 : index
    %get3A_14 = vector.load %arg1[%get3A_12, %get3A_13] : memref<10240x32xf32, #tpu.memory_space<vmem>>, vector<10000x32xf32>
    %add3A_15 = arith.addf %add3A, %get3A_14 : vector<10000x32xf32>
    %mul3A = arith.mulf %get3A_1, %add3A_15 : vector<10000x32xf32>
    %get3A_16 = arith.constant 0 : index
    %get3A_17 = arith.constant 0 : index
    %get3A_18 = vector.load %arg3[%get3A_16, %get3A_17] : memref<1x32xf32, #tpu.memory_space<vmem>>, vector<1x32xf32>
    %add3A_19 = vector.broadcast %get3A_18 : vector<1x32xf32> to vector<10000x32xf32>
    %add3A_20 = arith.addf %mul3A, %add3A_19 : vector<10000x32xf32>
    %max3A = arith.constant 0.000000e+00 : f32
    %max3A_21 = vector.broadcast %max3A : f32 to vector<10000x32xf32>
    %max3A_22 = arith.maximumf %add3A_20, %max3A_21 : vector<10000x32xf32>
    %swap3A = arith.constant 0 : index
    %swap3A_23 = arith.constant 0 : index
    %swap3A_24 = vector.load %arg4[%swap3A, %swap3A_23] : memref<10000x32xf32, #tpu.memory_space<vmem>>, vector<10000x32xf32>
    tpu.vector_store %arg4[%swap3A, %swap3A_23], %max3A_22 {strides = array<i32>} : memref<10000x32xf32, #tpu.memory_space<vmem>>, vector<10000x32xf32>,
    return
  }
}

module attributes {stable_mosaic.version = 14 : i64} {
  func.func @body(%arg0: i32, %arg1: memref<1x10240xf32, #tpu.memory_space<vmem>>, %arg2: memref<10240x256xf32, #tpu.memory_space<vmem>>, %arg3: memref<10240x256xf32, #tpu.memory_space<vmem>>, %arg4: memref<1x256xf32, #tpu.memory_space<vmem>>, %arg5: memref<1x256xf32, #tpu.memory_space<vmem>>, %arg6: memref<256x10000xf32, #tpu.memory_space<vmem>>, %arg7: memref<1x10000xf32, #tpu.memory_space<vmem>>, %arg8: memref<1x256xf32, #tpu.memory_space<vmem>>, %arg9: memref<1x1xf32, #tpu.memory_space<vmem>>, %arg10: memref<1x10000xf32, #tpu.memory_space<vmem>>, %arg11: memref<1x1xf32, #tpu.memory_space<vmem>>, %arg12: memref<1x256xf32, #tpu.memory_space<vmem>>, %arg13: memref<1x256xf32, #tpu.memory_space<vmem>>) attributes {dimension_semantics = [#tpu.dimension_semantics<arbitrary>], iteration_bounds = array<i64: 32>, scalar_prefetch = 0 : i64, scratch_operands = 2 : i64, tpu.core_type = #tpu.core_type<tc>, window_params = [{transform_indices = @transform_0, window_bounds = array<i64: 1, 10240>}, {transform_indices = @transform_1, window_bounds = array<i64: 10240, 256>}, {transform_indices = @transform_2, window_bounds = array<i64: 10240, 256>}, {pipeline_mode = #tpu.pipeline_mode<synchronous>, transform_indices = @transform_3, window_bounds = array<i64: 1, 256>}, {pipeline_mode = #tpu.pipeline_mode<synchronous>, transform_indices = @transform_4, window_bounds = array<i64: 1, 256>}, {pipeline_mode = #tpu.pipeline_mode<synchronous>, transform_indices = @transform_5, window_bounds = array<i64: 256, 10000>}, {pipeline_mode = #tpu.pipeline_mode<synchronous>, transform_indices = @transform_6, window_bounds = array<i64: 1, 10000>}, {pipeline_mode = #tpu.pipeline_mode<synchronous>, transform_indices = @transform_7, window_bounds = array<i64: 1, 256>}, {pipeline_mode = #tpu.pipeline_mode<synchronous>, transform_indices = @transform_8, window_bounds = array<i64: 1, 1>}, {pipeline_mode = #tpu.pipeline_mode<synchronous>, transform_indices = @transform_9, window_bounds = array<i64: 1, 10000>}, {pipeline_mode = #tpu.pipeline_mode<synchronous>, transform_indices = @transform_10, window_bounds = array<i64: 1, 1>}]} {
    %mul3A = arith.constant 10240 : i32
    %mul3A_0 = arith.muli %arg0, %mul3A : i32
    %sub3A = arith.constant 320000 : i32
    %sub3A_1 = arith.subi %sub3A, %mul3A_0 : i32
    %iota3A = tpu.iota {dimensions = array<i32: 1>} : vector<1x10240xi32>
    %lt3A = vector.broadcast %sub3A_1 : i32 to vector<1x10240xi32>
    %lt3A_2 = arith.cmpi slt, %iota3A, %lt3A : vector<1x10240xi32>
    %iota3A_3 = tpu.iota {dimensions = array<i32: 0>} : vector<10240x256xi32>
    %lt3A_4 = vector.broadcast %sub3A_1 : i32 to vector<10240x256xi32>
    %lt3A_5 = arith.cmpi slt, %iota3A_3, %lt3A_4 : vector<10240x256xi32>
    %get3A = arith.constant 0 : index
    %get3A_6 = arith.constant 0 : index
    %get3A_7 = vector.load %arg1[%get3A, %get3A_6] : memref<1x10240xf32, #tpu.memory_space<vmem>>, vector<1x10240xf32>
    %jit3A = arith.constant 0.000000e+00 : f32
    %broadcast_in_dim3A = vector.broadcast %jit3A : f32 to vector<1x10240xf32>
    %select_n3A = arith.select %lt3A_2, %get3A_7, %broadcast_in_dim3A : vector<1x10240xi1>, vector<1x10240xf32>
    %get3A_8 = arith.constant 0 : index
    %get3A_9 = arith.constant 0 : index
    %get3A_10 = vector.load %arg2[%get3A_8, %get3A_9] : memref<10240x256xf32, #tpu.memory_space<vmem>>, vector<10240x256xf32>
    %jit3A_11 = arith.constant 0.000000e+00 : f32
    %broadcast_in_dim3A_12 = vector.broadcast %jit3A_11 : f32 to vector<10240x256xf32>
    %select_n3A_13 = arith.select %lt3A_5, %get3A_10, %broadcast_in_dim3A_12 : vector<10240x256xi1>, vector<10240x256xf32>
    %get3A_14 = arith.constant 0 : index
    %get3A_15 = arith.constant 0 : index
    %get3A_16 = vector.load %arg3[%get3A_14, %get3A_15] : memref<10240x256xf32, #tpu.memory_space<vmem>>, vector<10240x256xf32>
    %jit3A_17 = arith.constant 0.000000e+00 : f32
    %broadcast_in_dim3A_18 = vector.broadcast %jit3A_17 : f32 to vector<10240x256xf32>
    %select_n3A_19 = arith.select %lt3A_5, %get3A_16, %broadcast_in_dim3A_18 : vector<10240x256xi1>, vector<10240x256xf32>
    %dot_general3A = arith.constant dense<0.000000e+00> : vector<1x256xf32>
    %dot_general3A_20 = tpu.matmul %select_n3A, %select_n3A_13, %dot_general3A {dimension_numbers = #tpu.dot_dimension_numbers<[1], [0], [0], [1], [0, 0, 1, 1], [], []>, transpose_lhs_hint = false} : vector<1x10240xf32>, vector<10240x256xf32>, vector<1x256xf32> -> vector<1x256xf32>
    %dot_general3A_21 = arith.constant dense<0.000000e+00> : vector<1x256xf32>
    %dot_general3A_22 = tpu.matmul %select_n3A, %select_n3A_19, %dot_general3A_21 {dimension_numbers = #tpu.dot_dimension_numbers<[1], [0], [0], [1], [0, 0, 1, 1], [], []>, transpose_lhs_hint = false} : vector<1x10240xf32>, vector<10240x256xf32>, vector<1x256xf32> -> vector<1x256xf32>
    %eq3A = arith.constant 0 : i32
    %eq3A_23 = arith.cmpi eq, %arg0, %eq3A : i32
    %convert_element_type3A = arith.extui %eq3A_23 : i1 to i32
    %cond3A = arith.constant 0 : i32
    %cond3A_24 = arith.cmpi ne, %convert_element_type3A, %cond3A : i32
    scf.if %cond3A_24 {
      %swap3A = arith.constant 0 : index
      %swap3A_34 = arith.constant 0 : index
      %swap3A_35 = vector.load %arg12[%swap3A, %swap3A_34] : memref<1x256xf32, #tpu.memory_space<vmem>>, vector<1x256xf32>
      tpu.vector_store %arg12[%swap3A, %swap3A_34], %dot_general3A_20 {strides = array<i32>} : memref<1x256xf32, #tpu.memory_space<vmem>>, vector<1x256xf32>,
      %swap3A_36 = arith.constant 0 : index
      %swap3A_37 = arith.constant 0 : index
      %swap3A_38 = vector.load %arg13[%swap3A_36, %swap3A_37] : memref<1x256xf32, #tpu.memory_space<vmem>>, vector<1x256xf32>
      tpu.vector_store %arg13[%swap3A_36, %swap3A_37], %dot_general3A_22 {strides = array<i32>} : memref<1x256xf32, #tpu.memory_space<vmem>>, vector<1x256xf32>,
    } else {
    }
    %gt3A = arith.constant 0 : i32
    %gt3A_25 = arith.cmpi sgt, %arg0, %gt3A : i32
    %convert_element_type3A_26 = arith.extui %gt3A_25 : i1 to i32
    %cond3A_27 = arith.constant 0 : i32
    %cond3A_28 = arith.cmpi ne, %convert_element_type3A_26, %cond3A_27 : i32
    scf.if %cond3A_28 {
      %get3A_34 = arith.constant 0 : index
      %get3A_35 = arith.constant 0 : index
      %get3A_36 = vector.load %arg12[%get3A_34, %get3A_35] : memref<1x256xf32, #tpu.memory_space<vmem>>, vector<1x256xf32>
      %add3A = arith.addf %get3A_36, %dot_general3A_20 : vector<1x256xf32>
      %swap3A = arith.constant 0 : index
      %swap3A_37 = arith.constant 0 : index
      %swap3A_38 = vector.load %arg12[%swap3A, %swap3A_37] : memref<1x256xf32, #tpu.memory_space<vmem>>, vector<1x256xf32>
      tpu.vector_store %arg12[%swap3A, %swap3A_37], %add3A {strides = array<i32>} : memref<1x256xf32, #tpu.memory_space<vmem>>, vector<1x256xf32>,
      %get3A_39 = arith.constant 0 : index
      %get3A_40 = arith.constant 0 : index
      %get3A_41 = vector.load %arg13[%get3A_39, %get3A_40] : memref<1x256xf32, #tpu.memory_space<vmem>>, vector<1x256xf32>
      %add3A_42 = arith.addf %get3A_41, %dot_general3A_22 : vector<1x256xf32>
      %swap3A_43 = arith.constant 0 : index
      %swap3A_44 = arith.constant 0 : index
      %swap3A_45 = vector.load %arg13[%swap3A_43, %swap3A_44] : memref<1x256xf32, #tpu.memory_space<vmem>>, vector<1x256xf32>
      tpu.vector_store %arg13[%swap3A_43, %swap3A_44], %add3A_42 {strides = array<i32>} : memref<1x256xf32, #tpu.memory_space<vmem>>, vector<1x256xf32>,
    } else {
    }
    %eq3A_29 = arith.constant 31 : i32
    %eq3A_30 = arith.cmpi eq, %arg0, %eq3A_29 : i32
    %convert_element_type3A_31 = arith.extui %eq3A_30 : i1 to i32
    %cond3A_32 = arith.constant 0 : i32
    %cond3A_33 = arith.cmpi ne, %convert_element_type3A_31, %cond3A_32 : i32
    scf.if %cond3A_33 {
      %get3A_34 = arith.constant 0 : index
      %get3A_35 = arith.constant 0 : index
      %get3A_36 = vector.load %arg12[%get3A_34, %get3A_35] : memref<1x256xf32, #tpu.memory_space<vmem>>, vector<1x256xf32>
      %get3A_37 = arith.constant 0 : index
      %get3A_38 = arith.constant 0 : index
      %get3A_39 = vector.load %arg4[%get3A_37, %get3A_38] : memref<1x256xf32, #tpu.memory_space<vmem>>, vector<1x256xf32>
      %add3A = arith.addf %get3A_36, %get3A_39 : vector<1x256xf32>
      %max3A = arith.constant 0.000000e+00 : f32
      %max3A_40 = vector.broadcast %max3A : f32 to vector<1x256xf32>
      %max3A_41 = arith.maximumf %add3A, %max3A_40 : vector<1x256xf32>
      %get3A_42 = arith.constant 0 : index
      %get3A_43 = arith.constant 0 : index
      %get3A_44 = vector.load %arg13[%get3A_42, %get3A_43] : memref<1x256xf32, #tpu.memory_space<vmem>>, vector<1x256xf32>
      %get3A_45 = arith.constant 0 : index
      %get3A_46 = arith.constant 0 : index
      %get3A_47 = vector.load %arg5[%get3A_45, %get3A_46] : memref<1x256xf32, #tpu.memory_space<vmem>>, vector<1x256xf32>
      %add3A_48 = arith.addf %get3A_44, %get3A_47 : vector<1x256xf32>
      %max3A_49 = arith.constant 0.000000e+00 : f32
      %max3A_50 = vector.broadcast %max3A_49 : f32 to vector<1x256xf32>
      %max3A_51 = arith.maximumf %add3A_48, %max3A_50 : vector<1x256xf32>
      %get3A_52 = arith.constant 0 : index
      %get3A_53 = arith.constant 0 : index
      %get3A_54 = vector.load %arg6[%get3A_52, %get3A_53] : memref<256x10000xf32, #tpu.memory_space<vmem>>, vector<256x10000xf32>
      %dot_general3A_55 = arith.constant dense<0.000000e+00> : vector<1x10000xf32>
      %dot_general3A_56 = tpu.matmul %max3A_41, %get3A_54, %dot_general3A_55 {dimension_numbers = #tpu.dot_dimension_numbers<[1], [0], [0], [1], [0, 0, 1, 1], [], []>, transpose_lhs_hint = false} : vector<1x256xf32>, vector<256x10000xf32>, vector<1x10000xf32> -> vector<1x10000xf32>
      %get3A_57 = arith.constant 0 : index
      %get3A_58 = arith.constant 0 : index
      %get3A_59 = vector.load %arg7[%get3A_57, %get3A_58] : memref<1x10000xf32, #tpu.memory_space<vmem>>, vector<1x10000xf32>
      %add3A_60 = arith.addf %dot_general3A_56, %get3A_59 : vector<1x10000xf32>
      %swap3A = arith.constant 0 : index
      %swap3A_61 = arith.constant 0 : index
      %swap3A_62 = vector.load %arg10[%swap3A, %swap3A_61] : memref<1x10000xf32, #tpu.memory_space<vmem>>, vector<1x10000xf32>
      tpu.vector_store %arg10[%swap3A, %swap3A_61], %add3A_60 {strides = array<i32>} : memref<1x10000xf32, #tpu.memory_space<vmem>>, vector<1x10000xf32>,
      %get3A_63 = arith.constant 0 : index
      %get3A_64 = arith.constant 0 : index
      %get3A_65 = vector.load %arg8[%get3A_63, %get3A_64] : memref<1x256xf32, #tpu.memory_space<vmem>>, vector<1x256xf32>
      %mul3A_66 = arith.mulf %max3A_51, %get3A_65 : vector<1x256xf32>
      %reduce_sum3A = arith.constant dense<0.000000e+00> : vector<1xf32>
      %reduce_sum3A_67 = vector.multi_reduction <add>, %mul3A_66, %reduce_sum3A [1] : vector<1x256xf32> to vector<1xf32>
      %broadcast_in_dim3A_68 = vector.shape_cast %reduce_sum3A_67 : vector<1xf32> to vector<1x1xf32>
      %get3A_69 = arith.constant 0 : index
      %get3A_70 = arith.constant 0 : index
      %get3A_71 = vector.load %arg9[%get3A_69, %get3A_70] : memref<1x1xf32, #tpu.memory_space<vmem>>, vector<1x1xf32>
      %add3A_72 = arith.addf %broadcast_in_dim3A_68, %get3A_71 : vector<1x1xf32>
      %swap3A_73 = arith.constant 0 : index
      %swap3A_74 = arith.constant 0 : index
      %swap3A_75 = vector.load %arg11[%swap3A_73, %swap3A_74] : memref<1x1xf32, #tpu.memory_space<vmem>>, vector<1x1xf32>
      tpu.vector_store %arg11[%swap3A_73, %swap3A_74], %add3A_72 {strides = array<i32>} : memref<1x1xf32, #tpu.memory_space<vmem>>, vector<1x1xf32>,
    } else {
    }
    return
  }
  func.func @transform_0(%arg0: i32) -> (i32, i32) {
    %c0_i32 = arith.constant 0 : i32
    %c0_i32_0 = arith.constant 0 : i32
    return %c0_i32, %arg0 : i32, i32
  }
  func.func @transform_1(%arg0: i32) -> (i32, i32) {
    %c0_i32 = arith.constant 0 : i32
    %c0_i32_0 = arith.constant 0 : i32
    return %arg0, %c0_i32 : i32, i32
  }
  func.func @transform_2(%arg0: i32) -> (i32, i32) {
    %c0_i32 = arith.constant 0 : i32
    %c0_i32_0 = arith.constant 0 : i32
    return %arg0, %c0_i32 : i32, i32
  }
  func.func @transform_3(%arg0: i32) -> (i32, i32) {
    %c0_i32 = arith.constant 0 : i32
    %c0_i32_0 = arith.constant 0 : i32
    %c0_i32_1 = arith.constant 0 : i32
    return %c0_i32, %c0_i32_0 : i32, i32
  }
  func.func @transform_4(%arg0: i32) -> (i32, i32) {
    %c0_i32 = arith.constant 0 : i32
    %c0_i32_0 = arith.constant 0 : i32
    %c0_i32_1 = arith.constant 0 : i32
    return %c0_i32, %c0_i32_0 : i32, i32
  }
  func.func @transform_5(%arg0: i32) -> (i32, i32) {
    %c0_i32 = arith.constant 0 : i32
    %c0_i32_0 = arith.constant 0 : i32
    %c0_i32_1 = arith.constant 0 : i32
    return %c0_i32, %c0_i32_0 : i32, i32
  }
  func.func @transform_6(%arg0: i32) -> (i32, i32) {
    %c0_i32 = arith.constant 0 : i32
    %c0_i32_0 = arith.constant 0 : i32
    %c0_i32_1 = arith.constant 0 : i32
    return %c0_i32, %c0_i32_0 : i32, i32
  }
  func.func @transform_7(%arg0: i32) -> (i32, i32) {
    %c0_i32 = arith.constant 0 : i32
    %c0_i32_0 = arith.constant 0 : i32
    %c0_i32_1 = arith.constant 0 : i32
    return %c0_i32, %c0_i32_0 : i32, i32
  }
  func.func @transform_8(%arg0: i32) -> (i32, i32) {
    %c0_i32 = arith.constant 0 : i32
    %c0_i32_0 = arith.constant 0 : i32
    %c0_i32_1 = arith.constant 0 : i32
    return %c0_i32, %c0_i32_0 : i32, i32
  }
  func.func @transform_9(%arg0: i32) -> (i32, i32) {
    %c0_i32 = arith.constant 0 : i32
    %c0_i32_0 = arith.constant 0 : i32
    %c0_i32_1 = arith.constant 0 : i32
    return %c0_i32, %c0_i32_0 : i32, i32
  }
  func.func @transform_10(%arg0: i32) -> (i32, i32) {
    %c0_i32 = arith.constant 0 : i32
    %c0_i32_0 = arith.constant 0 : i32
    %c0_i32_1 = arith.constant 0 : i32
    return %c0_i32, %c0_i32_0 : i32, i32
  }
}

</mosaic_0001>

<sc_bundles>
// kernel: kernel.15.cloned.1.call-start
scs
__scs_entry_jumppad:
0x0: {  	(pc) =	sbr.rel $0x88, $3  }
0x1: {  	(tag) =	ssettag $0x0;
	lr =	simm.s32 $0x1  }
0x2: {  	[smem:$0x3F8D] =	sst lr;
	_ =	strace $0xD0000000  }
0x3: {  	_ = 	snop  }
0x4: {  	_ = 	snop  }
0x5: {  	_ = 	snop  }
0x6: {  	_ = 	snop  }
0x7: {  	_ = 	snop  }
__scs_overlays_trampoline_lowered:
0x8: {  	[smem:$0x3F9C] =	sst s0  }
0x9: {  	[smem:$0x3F9D] =	sst s1  }
0xa: {  	[smem:$0x3F9E] =	sst s2  }
0xb: {  	[smem:$0x3F9F] =	sst s3  }
0xc: {  	[smem:$0x3FA0] =	sst s4  }
0xd: {  	[smem:$0x3FA1] =	sst s5  }
0xe: {  	[smem:$0x3FA2] =	sst s6  }
0xf: {  	[smem:$0x3FA3] =	sst s7  }
0x10: {  	[smem:$0x3FA4] =	sst s8  }
0x11: {  	[smem:$0x3FA5] =	sst s9;
	s0 =	simm.s32 @!p0 $0x0  }
0x12: {  	s1 =	sld [smem:$0x3F8B];
	s0 =	simm.s32 @p0 $0x1  }
0x13: {  	[smem:$0x3FA6] =	sst s0;
	s0 =	simm.s32 @!p1 $0x0  }
0x14: {  	s2 =	sld [smem:$0x3F8A];
	s0 =	simm.s32 @p1 $0x1  }
0x15: {  	[smem:$0x3FA7] =	sst s0;
	s0 =	simm.s32 @!p2 $0x0  }
0x16: {  	s3 =	sld [smem:$0x3FDB];
	s0 =	simm.s32 @p2 $0x1  }
0x17: {  	s4 =	simm.s32 $0x1BF5;
	[smem:$0x3FA9] =	sst s0  }
0x18: {  	s0 =	sld [smem:$0x3F8C];
	_ =	swait.ge [sflag:s4], $0x0  }
0x19: {  	s7 =	sld [smem:$0x3F8D]  }
0x1a: {  	s8 =	sadd.s32 $0xFFFFE003, lr  }
0x1b: {  	s9 =	sadd.s32 $0xFFFFFEF7, lr;
	s5 =	simm.s32 $0xFFFFFFFF;
	p2 =	slt.u32 s8, $0xFFFFF086  }
0x1c: {  	p1 =	slt.u32 s9, $0xF7A;
	s5 =	simm.s32 @!p2 $0x0  }
0x1d: {  	s5 =	simm.s32 @p1 $0x1;
	p0 =	seq.s32 s7, s2  }
0x1e: {  	s7 =	smul.u32 @!p0 $0xF7A, s2;
	p2 =	seq.s32 @!p0 s5, $0x0  }
0x1f: {  	s9 =	smul.u32 $0xF7A, s1;
	s8 =	simm.s32 @!p0 $0x1BF5;
	p2 =	por !p2, p0  }
0x20: {  	[sflag:s8] =	ssyncset.s32 @!p0 $0xFFFFF086;
	s6 =	sadd.s32 @!p0 s3, s7;
	s7 =	simm.s32 @!p0 $0x108  }
0x21: {  	s3 =	sadd.s32 s3, s9;
	s6 =	sadd.s32 @!p0 $0x88, s6;
	s7 =	simm.s32 @p2 $0x1082  }
0x22: {  	[simem:s7], [sflag:s8] =	dma.local @!p0 [hbm:s6], $0xF7A  }
0x23: {  	s9 =	sor.u32 $0xD0000000, s2;
	s6 =	simm.s32 $0x108;
	_ =	swait.ge @!p0 [sflag:s8], $0x0  }
0x24: {  	s3 =	sadd.s32 $0x88, s3;
	s6 =	simm.s32 @!p1 $0x1082;
	[sflag:s4] =	ssyncset.s32 $0xFFFFF086  }
0x25: {  	[simem:s6], [sflag:s4] =	dma.local [hbm:s3], $0xF7A  }
0x26: {  	[smem:$0x3F8D] =	sst s1;
	(tag) =	ssettag s2;
	_ =	strace s9  }
0x27: {  	s1 =	sld [smem:$0x3F9D]  }
0x28: {  	s2 =	sld [smem:$0x3F9E]  }
0x29: {  	s4 =	sld [smem:$0x3FA0]  }
0x2a: {  	p0 =	seq.s32 s5, $0x0;
	s5 =	sld [smem:$0x3FA1]  }
0x2b: {  	s6 =	sld [smem:$0x3FA2]  }
0x2c: {  	s7 =	sld [smem:$0x3FA3]  }
0x2d: {  	s3 =	simm.s32 $0x108;
	s8 =	sld [smem:$0x3FA4]  }
0x2e: {  	s3 =	simm.s32 @!p0 $0x1082;
	s9 =	sld [smem:$0x3FA5]  }
0x2f: {  	lr =	sadd.s32 s0, s3;
	s0 =	sld [smem:$0x3F9C]  }
0x30: {  	s3 =	sld [smem:$0x3F9F]  }
0x31: {  	[smem:$0x3FA8] =	sst s10  }
0x32: {  	s10 =	sld [smem:$0x3FA6];
	_ =	sdelay $0x3  }
0x33: {  	p0 =	seq.s32 s10, $0x1;
	s10 =	sld [smem:$0x3FA8];
	_ =	sdelay $0x3  }
0x34: {  	[smem:$0x3FA8] =	sst s10  }
0x35: {  	s10 =	sld [smem:$0x3FA7];
	_ =	sdelay $0x3  }
0x36: {  	p1 =	seq.s32 s10, $0x1;
	s10 =	sld [smem:$0x3FA8];
	_ =	sdelay $0x3  }
0x37: {  	[smem:$0x3FA8] =	sst s10  }
0x38: {  	s10 =	sld [smem:$0x3FA9]  }
0x39: {  	_ = 	snop;
	(pc) =	sbr.ind lr, $3  }
0x3a: {  	_ = 	snop  }
0x3b: {  	_ = 	snop  }
0x3c: {  	p2 =	seq.s32 s10, $0x1;
	s10 =	sld [smem:$0x3FA8]  }
0x3d: {  	_ =	shalt  }
0x3e: {  	_ =	shalt  }
0x3f: {  	_ =	shalt  }
0x40: {  	_ =	shalt  }
0x41: {  	_ =	shalt  }
0x42: {  	_ =	shalt  }
0x43: {  	_ =	shalt  }
0x44: {  	_ =	shalt  }
0x45: {  	_ =	shalt  }
0x46: {  	_ =	shalt  }
0x47: {  	_ =	shalt  }
0x48: {  	_ =	shalt  }
0x49: {  	_ =	shalt  }
0x4a: {  	_ =	shalt  }
0x4b: {  	_ =	shalt  }
0x4c: {  	_ =	shalt  }
0x4d: {  	_ =	shalt  }
0x4e: {  	_ =	shalt  }
0x4f: {  	_ =	shalt  }
0x50: {  	_ =	shalt  }
0x51: {  	_ =	shalt  }
0x52: {  	_ =	shalt  }
0x53: {  	_ =	shalt  }
0x54: {  	_ =	shalt  }
0x55: {  	_ =	shalt  }
0x56: {  	_ =	shalt  }
0x57: {  	_ =	shalt  }
0x58: {  	_ =	shalt  }
0x59: {  	_ =	shalt  }
0x5a: {  	_ =	shalt  }
0x5b: {  	_ =	shalt  }
0x5c: {  	_ =	shalt  }
0x5d: {  	_ =	shalt  }
0x5e: {  	_ =	shalt  }
0x5f: {  	_ =	shalt  }
0x60: {  	_ =	shalt  }
0x61: {  	_ =	shalt  }
0x62: {  	_ =	shalt  }
0x63: {  	_ =	shalt  }
0x64: {  	_ =	shalt  }
0x65: {  	_ =	shalt  }
0x66: {  	_ =	shalt  }
0x67: {  	_ =	shalt  }
0x68: {  	_ =	shalt  }
0x69: {  	_ =	shalt  }
0x6a: {  	_ =	shalt  }
0x6b: {  	_ =	shalt  }
0x6c: {  	_ =	shalt  }
0x6d: {  	_ =	shalt  }
0x6e: {  	_ =	shalt  }
0x6f: {  	_ =	shalt  }
0x70: {  	_ =	shalt  }
0x71: {  	_ =	shalt  }
0x72: {  	_ =	shalt  }
0x73: {  	_ =	shalt  }
0x74: {  	_ =	shalt  }
0x75: {  	_ =	shalt  }
0x76: {  	_ =	shalt  }
0x77: {  	_ =	shalt  }
0x78: {  	_ =	shalt  }
0x79: {  	_ =	shalt  }
0x7a: {  	_ =	shalt  }
0x7b: {  	_ =	shalt  }
0x7c: {  	_ =	shalt  }
0x7d: {  	_ =	shalt  }
0x7e: {  	_ =	shalt  }
0x7f: {  	_ =	shalt  }
0x80: {  	_ =	shalt  }
0x81: {  	_ =	shalt  }
0x82: {  	_ =	shalt  }
0x83: {  	_ =	shalt  }
0x84: {  	_ =	shalt  }
0x85: {  	_ =	shalt  }
0x86: {  	_ =	shalt  }
0x87: {  	_ =	shalt  }
.Lfunc_end0:
.L_simem_size_0:
called_computation_lowered:
.L_overlay_start_0:
0x88: {  	s2 =	sld [smem:$0x3FD9]  }
0x89: {  	s3 =	sld [smem:$0x3FFE];
	_ =	sdelay $0x1  }
0x8a: {  	s1 =	srdreg.scid  }
0x8b: {  	s0 =	sand.u32 $0x1, s1  }
0x8c: {  	s16 =	sshll.u32 s0, $0xA;
	s2 =	sadd.s32 s3, s2  }
0x8d: {  	s2 =	sadd.s32 s2, s16  }
0x8e: {  	[smem:$0x3FB4] =	sst s2  }
0x8f: {  	_ = 	snop  }
0x90: {  	(tm) =	ssettm $0x1  }
0x91: {  	s17 =	sld [smem:$0x3FFB];
	_ =	sdelay $0x3  }
0x92: {  	_ =	strace s17  }
0x93: {  	s2 =	sld [smem:$0x3FFC];
	_ =	sdelay $0x3  }
0x94: {  	_ =	strace s2  }
0x95: {  	s2 =	sld [smem:$0x3FFD];
	_ =	sdelay $0x3  }
0x96: {  	_ =	strace s2  }
0x97: {  	_ =	strace $0x8FFFFFFF  }
0x98: {  	s18 =	sld [smem:$0x3FDB];
	_ =	sdelay $0x1  }
0x99: {  	s19 =	simm.s32 $_scs_section_size  }
0x9a: {  	s4 =	simm.s32 $_size__tile_overlayer_lowered;
	s5 =	simm.s32 $_tile_overlayer_lowered  }
0x9b: {  	s22 =	simm.s32 $0x1BFF;
	s21 =	sshll.u32 s5, $0x1;
	s2 =	sadd.s32 s19, s18  }
0x9c: {  	s6 =	simm.s32 $0x0;
	s20 =	sshll.u32 s4, $0x1;
	s4 =	sadd.s32 s21, s2  }
0x9d: {  	[timem:s6], [sflag:s22] =	dma.local [hbm:s4], s20  }
0x9e: {  	_ =	swait.ge [sflag:s22], s20  }
0x9f: {  	s3 =	ssub.s32 $0x0, s20;
	[sflag:s22] =	ssyncset.done $0x0  }
0xa0: {  	[sflag:s22] =	ssyncadd.s32 s3;
	_ =	sdelay $0x1  }
0xa1: {  	s23 =	simm.s32 $0x1B8B  }
0xa2: {  	_ =	swait.ge [sflag:s23], $0x1  }
0xa3: {  	[sflag:s23] =	ssyncset.done $0x0  }
0xa4: {  	s25 =	simm.s32 $0x1B8E;
	s24 =	sld [smem:$0x3FFE];
	[sflag:s23] =	ssyncadd.s32 $0xFFFFFFFF  }
0xa5: {  	s26 =	simm.s32 $execute0_lowered;
	[smem:$0x3FD2] =	sst s25  }
0xa6: {  	s4 =	sshll.u32 s26, $0x1;
	_ =	strace $0x80000046;
	[dreg:$0x1] =	wrdreg $0xFFFFFFFF  }
0xa7: {  	s28 =	simm.s32 $_size_execute0_lowered;
	s2 =	sadd.s32 s2, s4;
	[dreg:$0x0] =	wrdreg $0x0  }
0xa8: {  	s4 =	sshll.u32 s28, $0x1;
	[dreg:$0x2] =	wrdreg s2  }
0xa9: {  	[dreg:$0x3] =	wrdreg s4  }
0xaa: {  	[dreg:$0x4] =	wrdreg $0xC0  }
0xab: {  	_ =	task [dreg:s6], $0x5FFFF  }
0xac: {  	[dreg:$0x1] =	wrdreg $0xFFFFFFFF  }
0xad: {  	[dreg:$0x0] =	wrdreg $0x60  }
0xae: {  	[dreg:$0x2] =	wrdreg s24  }
0xaf: {  	[dreg:$0x3] =	wrdreg $0xC0000  }
0xb0: {  	[dreg:$0x4] =	wrdreg $0x9  }
0xb1: {  	_ =	task.clear_ibuf [dreg:s6], $0x5FFFF;
	_ =	strace $0x90000046  }
0xb2: {  	s29 =	simm.s32 $0x9;
	_ =	strace $0x80000048  }
0xb3: {  	_ =	swait.ge [sflag:s29], $0x1  }
0xb4: {  	[sflag:s29] =	ssyncadd.s32 $0xFFFFFFFF  }
0xb5: {  	_ =	strace $0x90000048  }
0xb6: {  	_ =	sfence  }
0xb7: {  	s30 =	sld [smem:$0x0];
	_ =	sdelay $0x2  }
0xb8: {  	s31 =	sshll.u32 s1, $0xD;
	s1 =	sshrl.u32 s1, $0x2  }
0xb9: {  	s3 =	sand.u32 $0x4000, s31;
	s1 =	sadd.s32 s1, s30  }
0xba: {  	s0 =	sor.u32 s3, s0;
	s1 =	sshll.u32 s1, $0x11  }
0xbb: {  	s0 =	sor.u32 s1, s0  }
0xbc: {  	s0 =	sadd.s32 $0x8F2B, s0  }
0xbd: {  	[sflag:s0] =	ssyncadd.remote.s32 $0x1  }
0xbe: {  	_ =	sfence.sel $0xFFFF  }
0xbf: {  	[dreg:$0x0] =	wrdreg $0xFFFFFFFF;
	(pc) =	sbr.abs _section_cstart, $3  }
0xc0: {  	[dreg:$0x1] =	wrdreg $0xFFFFFFFF  }
0xc1: {  	_ =	task.clear_ibuf [dreg:s6], $0x2FFFF;
	_ =	strace $0x9FFFFFFF  }
0xc2: {  	(tm) =	ssettm $0x7FFFFFFF  }
0xc3: {  	_ =	shalt  }
tec
execute0_lowered:
.L_overlay_start_1:
0x0: {  	(tag) =	ssettag $0x1  }
0x1: {  	s5 =	rddreg [dreg:$0x0]  }
0x2: {  	s2 =	rddreg [dreg:$0x1]  }
0x3: {  	s0 =	rddreg [dreg:$0x2];
	s4 =	srdreg.scid  }
0x4: {  	s1 =	stileid.u32;
	s3 =	simm.s32 $0x0;
	s11 =	simm.s32 $0x2800  }
0x5: {  	s12 =	simm.s32 $0x80;
	s13 =	simm.s32 $0x5000;
	s14 =	simm.s32 $0x6000  }
0x6: {  	s15 =	simm.s32 $0x1;
	s16 =	simm.s32 $0x2;
	s4 =	sand.u32 $0x1, s4  }
0x7: {  	s6 =	smul.u32 $0x5000, s1;
	[smem:$0x7FF] =	sst s3;
	s17 =	sshll.u32 s1, $0x6  }
0x8: {  	s7 =	sshll.u32 s4, $0x4;
	s8 =	smul.u32 $0x50000, s4;
	_ =	strace $0x80000047  }
0x9: {  	s9 =	ssub.s32 $0x2, s4;
	s4 =	sadd.s32 $0x17E00, s5;
	s7 =	sor.u32 s1, s7  }
0xa: {  	s10 =	sshrl.u32 s9, $0x1;
	s7 =	smul.u32 $0x500, s7;
	s8 =	sadd.s32 s6, s8  }
0xb: {  	s17 =	sor.u32 $0x1C03, s17;
	s9 =	ssub.s32 s9, s10;
	s8 =	sshrl.u32 s8, $0x3  }
0xc: {  	s10 =	simm.s32 $0x3;
	s7 =	sadd.s32 s7, s5;
	s8 =	sadd.s32 s8, s5  }
0xd: {  	s5 =	sadd.s32 s6, s2;
	s6 =	sadd.s32 $0x3E00, s7;
	s7 =	sadd.s32 $0x21E00, s8  }
0xe: {  	v0 =	vimm.f32 $0.0e+00;
	s8 =	smax.u32 s9, $0x1;
	s9 =	simm.s32 $0x7000;
	s18 =	sshrl.u32 s5, $0x3  }
.LBB2_1:
0xf: {  	s19 =	simm.s32 $0x80;
	s20 =	simm.s32 $0x0  }
.LBB2_2:
0x10: {  	p0 =	sne.s32 s19, $0x13F80;
	[tilespmem:s20+$0x7000] =	vst v0;
	s21 =	smov.u32 s19;
	s19 =	sadd.s32 $0x80, s19  }
.Ltmp0:
0x11: {  	[tilespmem:s20+$0x7010] =	vst v0;
	(pc) =	sbr.rel @p0 .LBB2_2-.Ltmp0, $2  }
0x12: {  	_ =	sdelay $0x2  }
0x13: {  	s20 =	sshra.s32 s21, $0x2  }
0x14: {  	[tilespmem:s20+$0x7000] =	vst v0  }
0x15: {  	[tilespmem:s20+$0x7010] =	vst v0  }
0x16: {  	[spmem:s5] =	stream.linear.scatter [tilespmem:s9], [sflag:$0x3], $0x5000, $0x38;
	[tilespmem:$0x11000] =	vst v63  }
0x17: {  	_ =	swait.ge [sflag:s10], $0x5000  }
0x18: {  	[sflag:s10] =	ssyncset.done $0x0  }
0x19: {  	s19 =	simm.s32 $0x0;
	[sflag:s10] =	ssyncadd.s32 $0xFFFFB000  }
0x1a: {  	[tilespmem:s19], [sflag:$0x3] =	stream.linear.gather [hbm4b:s6+s19], $0x2800, $0x38;
	[tilespmem:$0x11000] =	vst v63  }
0x1b: {  	_ =	swait.ge [sflag:s10], $0x2800  }
0x1c: {  	[sflag:s10] =	ssyncset.done $0x0  }
0x1d: {  	[sflag:s10] =	ssyncadd.s32 $0xFFFFD800  }
0x1e: {  	[tilespmem:s11], [sflag:$0x3] =	stream.linear.gather [hbm4b:s6+s19], $0x2800, $0x38;
	[tilespmem:$0x11000] =	vst v63  }
0x1f: {  	_ =	swait.ge [sflag:s10], $0x2800  }
0x20: {  	[sflag:s10] =	ssyncset.done $0x0  }
0x21: {  	[sflag:s10] =	ssyncadd.s32 $0xFFFFD800  }
0x22: {  	s28 =	simm.s32 $0x0;
	[bflag:$0x0] =	sbarrier.arrive $0xFFFF  }
0x23: {  	[tilespmem:s13], [sflag:$0x1] =	stream.indirect.gather [hbm4b:s4+s12], $0x20, s28, s12, $0xb8;
	[tilespmem:$0x11000] =	vst v63  }
0x24: {  	s29 =	simm.s32 $0x80  }
0x25: {  	[tilespmem:s14], [sflag:$0x2] =	stream.indirect.gather [hbm4b:s4+s12], $0x20, s29, s12, $0xb8;
	[tilespmem:$0x11000] =	vst v63  }
0x26: {  	_ =	swait.ge [sflag:s15], $0x1000  }
0x27: {  	[sflag:s15] =	ssyncset.done $0x0  }
0x28: {  	s30 =	simm.s32 $0x2800;
	[sflag:s15] =	ssyncadd.s32 $0xFFFFF000  }
0x29: {  	[spmem:s2] =	stream.indirect.scatter.add.f32 [tilespmem:s13], [sflag:$0x3], $0x20, s30, s12, $0xb8;
	[tilespmem:$0x11000] =	vst v63  }
0x2a: {  	_ =	swait.ge [sflag:s10], $0x1000  }
0x2b: {  	[sflag:s10] =	ssyncset.done $0x0  }
0x2c: {  	[sflag:s10] =	ssyncadd.s32 $0xFFFFF000  }
0x2d: {  	_ =	swait.ge [sflag:s16], $0x1000  }
0x2e: {  	[sflag:s16] =	ssyncset.done $0x0  }
0x2f: {  	s31 =	simm.s32 $0x2880;
	[sflag:s16] =	ssyncadd.s32 $0xFFFFF000  }
0x30: {  	[spmem:s2] =	stream.indirect.scatter.add.f32 [tilespmem:s14], [sflag:$0x3], $0x20, s31, s12, $0xb8;
	[tilespmem:$0x11000] =	vst v63  }
0x31: {  	_ =	swait.ge [sflag:s10], $0x1000  }
0x32: {  	s20 =	simm.s32 $0x800;
	s19 =	simm.s32 $0x400;
	[sflag:s10] =	ssyncset.done $0x0  }
.LBB2_4:
0x33: {  	s21 =	sshra.s32 s19, $0x2  }
0x34: {  	[sflag:s10] =	ssyncadd.s32 $0xFFFFF000;
	s19 =	smov.u32 s20;
	s22 =	sadd.s32 $0x400, s20  }
0x35: {  	[tilespmem:s13], [sflag:$0x1] =	stream.indirect.gather [hbm4b:s4+s12], $0x20, s21, s12, $0xb8;
	[tilespmem:$0x11000] =	vst v63  }
0x36: {  	p0 =	sne.s32 s20, $0x9C00;
	s20 =	sadd.s32 $0x80, s21  }
0x37: {  	[tilespmem:s14], [sflag:$0x2] =	stream.indirect.gather [hbm4b:s4+s12], $0x20, s20, s12, $0xb8;
	[tilespmem:$0x11000] =	vst v63  }
0x38: {  	_ =	swait.ge [sflag:s15], $0x1000  }
0x39: {  	[sflag:s15] =	ssyncset.done $0x0  }
0x3a: {  	s20 =	sadd.s32 $0x2800, s21;
	[sflag:s15] =	ssyncadd.s32 $0xFFFFF000  }
0x3b: {  	[spmem:s2] =	stream.indirect.scatter.add.f32 [tilespmem:s13], [sflag:$0x3], $0x20, s20, s12, $0xb8;
	[tilespmem:$0x11000] =	vst v63  }
0x3c: {  	_ =	swait.ge [sflag:s10], $0x1000  }
0x3d: {  	[sflag:s10] =	ssyncset.done $0x0  }
0x3e: {  	[sflag:s10] =	ssyncadd.s32 $0xFFFFF000  }
0x3f: {  	_ =	swait.ge [sflag:s16], $0x1000  }
.Ltmp1:
0x40: {  	[sflag:s16] =	ssyncset.done $0x0;
	(pc) =	sbr.rel @p0 .LBB2_4-.Ltmp1, $4  }
0x41: {  	s20 =	sadd.s32 $0x2880, s21;
	[sflag:s16] =	ssyncadd.s32 $0xFFFFF000  }
0x42: {  	[spmem:s2] =	stream.indirect.scatter.add.f32 [tilespmem:s14], [sflag:$0x3], $0x20, s20, s12, $0xb8;
	[tilespmem:$0x11000] =	vst v63  }
0x43: {  	_ =	swait.ge [sflag:s10], $0x1000  }
0x44: {  	s20 =	smov.u32 s22;
	[sflag:s10] =	ssyncset.done $0x0  }
0x45: {  	s19 =	sshra.s32 s19, $0x2;
	[sflag:s10] =	ssyncadd.s32 $0xFFFFF000  }
0x46: {  	[tilespmem:s13], [sflag:$0x1] =	stream.indirect.gather [hbm4b:s4+s12], $0x20, s19, s12, $0xb8;
	[tilespmem:$0x11000] =	vst v63  }
0x47: {  	s20 =	sadd.s32 $0x80, s19  }
0x48: {  	[tilespmem:s14], [sflag:$0x2] =	stream.indirect.gather [hbm4b:s4+s12], $0x20, s20, s12, $0xb8;
	[tilespmem:$0x11000] =	vst v63  }
0x49: {  	_ =	swait.ge [sflag:s15], $0x1000  }
0x4a: {  	[sflag:s15] =	ssyncset.done $0x0  }
0x4b: {  	s31 =	sadd.s32 $0x2800, s19;
	[sflag:s15] =	ssyncadd.s32 $0xFFFFF000  }
0x4c: {  	[spmem:s2] =	stream.indirect.scatter.add.f32 [tilespmem:s13], [sflag:$0x3], $0x20, s31, s12, $0xb8;
	[tilespmem:$0x11000] =	vst v63  }
0x4d: {  	_ =	swait.ge [sflag:s10], $0x1000  }
0x4e: {  	[sflag:s10] =	ssyncset.done $0x0  }
0x4f: {  	[sflag:s10] =	ssyncadd.s32 $0xFFFFF000  }
0x50: {  	_ =	swait.ge [sflag:s16], $0x1000  }
0x51: {  	[sflag:s16] =	ssyncset.done $0x0  }
0x52: {  	s19 =	sadd.s32 $0x2880, s19;
	[sflag:s16] =	ssyncadd.s32 $0xFFFFF000  }
0x53: {  	[spmem:s2] =	stream.indirect.scatter.add.f32 [tilespmem:s14], [sflag:$0x3], $0x20, s19, s12, $0xb8;
	[tilespmem:$0x11000] =	vst v63  }
0x54: {  	_ =	swait.ge [sflag:s10], $0x1000  }
0x55: {  	s3 =	sadd.s32 $0x1, s3;
	[sflag:s10] =	ssyncset.done $0x0  }
0x56: {  	p0 =	sne.s32 s3, s8;
	[sflag:s10] =	ssyncadd.s32 $0xFFFFF000  }
.Ltmp2:
0x57: {  	[bflag:$0x0] =	sbarrier.arrive $0xFFFF;
	(pc) =	sbr.rel @p0 .LBB2_1-.Ltmp2, $4  }
0x58: {  	[hbm:s7], [sflag:s17] =	dma.local [spmem:s18], $0xA00  }
0x59: {  	_ =	swait.ge [sflag:s10], $0xA00  }
0x5a: {  	[sflag:s10] =	ssyncset.done $0x0  }
0x5b: {  	[sflag:s10] =	ssyncadd.s32 $0xFFFFF600  }
0x5c: {  	_ =	sfence.sel $0x180000  }
0x5d: {  	[bflag:$0x0] =	sbarrier.arrive $0xFFFF  }
0x5e: {  	p0 =	sne.s32 s1, $0x0;
	_ =	strace $0x90000047  }
0x5f: {  	s0 =	sadd.s32 @!p0 $0x100000, s0;
	[bflag:$0x2] =	sbarrier.arrive $0xFFFF  }
0x60: {  	[sflag:s0] =	ssyncadd.tile.s32 @!p0 $0x1;
	_ =	shalt  }
.Lfunc_end2:
_tile_overlayer_lowered:
.L_overlay_start_2:
0x61: {  	(tag) =	ssettag $0x2  }
0x62: {  	s0 =	rddreg [dreg:$0x0];
	s2 =	stileid.u32  }
0x63: {  	s1 =	rddreg [dreg:$0x1];
	p0 =	sne.s32 s2, $0x0  }
0x64: {  	s3 =	rddreg [dreg:$0x2];
	[bflag:$0x3] =	sbarrier.arrive $0xFFFF;
	s2 =	simm.s32 @!p0 $0x1C03  }
0x65: {  	[timem:s3], [sflag:s2] =	dma.local @!p0 [hbm:s0], s1  }
0x66: {  	s0 =	simm.s32 @!p0 $0x3  }
0x67: {  	_ =	swait.ge @!p0 [sflag:s0], s1  }
0x68: {  	s1 =	ssub.s32 @!p0 $0x0, s1;
	[sflag:s0] =	ssyncset.done @!p0 $0x0  }
0x69: {  	[sflag:s0] =	ssyncadd.s32 @!p0 s1  }
0x6a: {  	[bflag:$0x3] =	sbarrier.arrive $0xFFFF  }
0x6b: {  	_ =	shalt  }

// kernel: kernel.18.cloned.1.call-start
scs
__scs_entry_jumppad:
0x0: {  	(pc) =	sbr.rel $0x88, $3  }
0x1: {  	(tag) =	ssettag $0x0;
	lr =	simm.s32 $0x1  }
0x2: {  	[smem:$0x3F8D] =	sst lr;
	_ =	strace $0xD0000000  }
0x3: {  	_ = 	snop  }
0x4: {  	_ = 	snop  }
0x5: {  	_ = 	snop  }
0x6: {  	_ = 	snop  }
0x7: {  	_ = 	snop  }
__scs_overlays_trampoline_lowered:
0x8: {  	[smem:$0x3F9C] =	sst s0  }
0x9: {  	[smem:$0x3F9D] =	sst s1  }
0xa: {  	[smem:$0x3F9E] =	sst s2  }
0xb: {  	[smem:$0x3F9F] =	sst s3  }
0xc: {  	[smem:$0x3FA0] =	sst s4  }
0xd: {  	[smem:$0x3FA1] =	sst s5  }
0xe: {  	[smem:$0x3FA2] =	sst s6  }
0xf: {  	[smem:$0x3FA3] =	sst s7  }
0x10: {  	[smem:$0x3FA4] =	sst s8  }
0x11: {  	[smem:$0x3FA5] =	sst s9;
	s0 =	simm.s32 @!p0 $0x0  }
0x12: {  	s1 =	sld [smem:$0x3F8B];
	s0 =	simm.s32 @p0 $0x1  }
0x13: {  	[smem:$0x3FA6] =	sst s0;
	s0 =	simm.s32 @!p1 $0x0  }
0x14: {  	s2 =	sld [smem:$0x3F8A];
	s0 =	simm.s32 @p1 $0x1  }
0x15: {  	[smem:$0x3FA7] =	sst s0;
	s0 =	simm.s32 @!p2 $0x0  }
0x16: {  	s3 =	sld [smem:$0x3FDB];
	s0 =	simm.s32 @p2 $0x1  }
0x17: {  	s4 =	simm.s32 $0x1BF5;
	[smem:$0x3FA9] =	sst s0  }
0x18: {  	s0 =	sld [smem:$0x3F8C];
	_ =	swait.ge [sflag:s4], $0x0  }
0x19: {  	s7 =	sld [smem:$0x3F8D]  }
0x1a: {  	s8 =	sadd.s32 $0xFFFFE003, lr  }
0x1b: {  	s9 =	sadd.s32 $0xFFFFFEF7, lr;
	s5 =	simm.s32 $0xFFFFFFFF;
	p2 =	slt.u32 s8, $0xFFFFF086  }
0x1c: {  	p1 =	slt.u32 s9, $0xF7A;
	s5 =	simm.s32 @!p2 $0x0  }
0x1d: {  	s5 =	simm.s32 @p1 $0x1;
	p0 =	seq.s32 s7, s2  }
0x1e: {  	s7 =	smul.u32 @!p0 $0xF7A, s2;
	p2 =	seq.s32 @!p0 s5, $0x0  }
0x1f: {  	s9 =	smul.u32 $0xF7A, s1;
	s8 =	simm.s32 @!p0 $0x1BF5;
	p2 =	por !p2, p0  }
0x20: {  	[sflag:s8] =	ssyncset.s32 @!p0 $0xFFFFF086;
	s6 =	sadd.s32 @!p0 s3, s7;
	s7 =	simm.s32 @!p0 $0x108  }
0x21: {  	s3 =	sadd.s32 s3, s9;
	s6 =	sadd.s32 @!p0 $0x88, s6;
	s7 =	simm.s32 @p2 $0x1082  }
0x22: {  	[simem:s7], [sflag:s8] =	dma.local @!p0 [hbm:s6], $0xF7A  }
0x23: {  	s9 =	sor.u32 $0xD0000000, s2;
	s6 =	simm.s32 $0x108;
	_ =	swait.ge @!p0 [sflag:s8], $0x0  }
0x24: {  	s3 =	sadd.s32 $0x88, s3;
	s6 =	simm.s32 @!p1 $0x1082;
	[sflag:s4] =	ssyncset.s32 $0xFFFFF086  }
0x25: {  	[simem:s6], [sflag:s4] =	dma.local [hbm:s3], $0xF7A  }
0x26: {  	[smem:$0x3F8D] =	sst s1;
	(tag) =	ssettag s2;
	_ =	strace s9  }
0x27: {  	s1 =	sld [smem:$0x3F9D]  }
0x28: {  	s2 =	sld [smem:$0x3F9E]  }
0x29: {  	s4 =	sld [smem:$0x3FA0]  }
0x2a: {  	p0 =	seq.s32 s5, $0x0;
	s5 =	sld [smem:$0x3FA1]  }
0x2b: {  	s6 =	sld [smem:$0x3FA2]  }
0x2c: {  	s7 =	sld [smem:$0x3FA3]  }
0x2d: {  	s3 =	simm.s32 $0x108;
	s8 =	sld [smem:$0x3FA4]  }
0x2e: {  	s3 =	simm.s32 @!p0 $0x1082;
	s9 =	sld [smem:$0x3FA5]  }
0x2f: {  	lr =	sadd.s32 s0, s3;
	s0 =	sld [smem:$0x3F9C]  }
0x30: {  	s3 =	sld [smem:$0x3F9F]  }
0x31: {  	[smem:$0x3FA8] =	sst s10  }
0x32: {  	s10 =	sld [smem:$0x3FA6];
	_ =	sdelay $0x3  }
0x33: {  	p0 =	seq.s32 s10, $0x1;
	s10 =	sld [smem:$0x3FA8];
	_ =	sdelay $0x3  }
0x34: {  	[smem:$0x3FA8] =	sst s10  }
0x35: {  	s10 =	sld [smem:$0x3FA7];
	_ =	sdelay $0x3  }
0x36: {  	p1 =	seq.s32 s10, $0x1;
	s10 =	sld [smem:$0x3FA8];
	_ =	sdelay $0x3  }
0x37: {  	[smem:$0x3FA8] =	sst s10  }
0x38: {  	s10 =	sld [smem:$0x3FA9]  }
0x39: {  	_ = 	snop;
	(pc) =	sbr.ind lr, $3  }
0x3a: {  	_ = 	snop  }
0x3b: {  	_ = 	snop  }
0x3c: {  	p2 =	seq.s32 s10, $0x1;
	s10 =	sld [smem:$0x3FA8]  }
0x3d: {  	_ =	shalt  }
0x3e: {  	_ =	shalt  }
0x3f: {  	_ =	shalt  }
0x40: {  	_ =	shalt  }
0x41: {  	_ =	shalt  }
0x42: {  	_ =	shalt  }
0x43: {  	_ =	shalt  }
0x44: {  	_ =	shalt  }
0x45: {  	_ =	shalt  }
0x46: {  	_ =	shalt  }
0x47: {  	_ =	shalt  }
0x48: {  	_ =	shalt  }
0x49: {  	_ =	shalt  }
0x4a: {  	_ =	shalt  }
0x4b: {  	_ =	shalt  }
0x4c: {  	_ =	shalt  }
0x4d: {  	_ =	shalt  }
0x4e: {  	_ =	shalt  }
0x4f: {  	_ =	shalt  }
0x50: {  	_ =	shalt  }
0x51: {  	_ =	shalt  }
0x52: {  	_ =	shalt  }
0x53: {  	_ =	shalt  }
0x54: {  	_ =	shalt  }
0x55: {  	_ =	shalt  }
0x56: {  	_ =	shalt  }
0x57: {  	_ =	shalt  }
0x58: {  	_ =	shalt  }
0x59: {  	_ =	shalt  }
0x5a: {  	_ =	shalt  }
0x5b: {  	_ =	shalt  }
0x5c: {  	_ =	shalt  }
0x5d: {  	_ =	shalt  }
0x5e: {  	_ =	shalt  }
0x5f: {  	_ =	shalt  }
0x60: {  	_ =	shalt  }
0x61: {  	_ =	shalt  }
0x62: {  	_ =	shalt  }
0x63: {  	_ =	shalt  }
0x64: {  	_ =	shalt  }
0x65: {  	_ =	shalt  }
0x66: {  	_ =	shalt  }
0x67: {  	_ =	shalt  }
0x68: {  	_ =	shalt  }
0x69: {  	_ =	shalt  }
0x6a: {  	_ =	shalt  }
0x6b: {  	_ =	shalt  }
0x6c: {  	_ =	shalt  }
0x6d: {  	_ =	shalt  }
0x6e: {  	_ =	shalt  }
0x6f: {  	_ =	shalt  }
0x70: {  	_ =	shalt  }
0x71: {  	_ =	shalt  }
0x72: {  	_ =	shalt  }
0x73: {  	_ =	shalt  }
0x74: {  	_ =	shalt  }
0x75: {  	_ =	shalt  }
0x76: {  	_ =	shalt  }
0x77: {  	_ =	shalt  }
0x78: {  	_ =	shalt  }
0x79: {  	_ =	shalt  }
0x7a: {  	_ =	shalt  }
0x7b: {  	_ =	shalt  }
0x7c: {  	_ =	shalt  }
0x7d: {  	_ =	shalt  }
0x7e: {  	_ =	shalt  }
0x7f: {  	_ =	shalt  }
0x80: {  	_ =	shalt  }
0x81: {  	_ =	shalt  }
0x82: {  	_ =	shalt  }
0x83: {  	_ =	shalt  }
0x84: {  	_ =	shalt  }
0x85: {  	_ =	shalt  }
0x86: {  	_ =	shalt  }
0x87: {  	_ =	shalt  }
.Lfunc_end0:
.L_simem_size_0:
called_computation.1_lowered:
.L_overlay_start_0:
0x88: {  	s2 =	sld [smem:$0x3FD9]  }
0x89: {  	s3 =	sld [smem:$0x3FFE];
	_ =	sdelay $0x1  }
0x8a: {  	s1 =	srdreg.scid  }
0x8b: {  	s0 =	sand.u32 $0x1, s1  }
0x8c: {  	s16 =	sshll.u32 s0, $0xA;
	s2 =	sadd.s32 s3, s2  }
0x8d: {  	s2 =	sadd.s32 s2, s16  }
0x8e: {  	[smem:$0x3FB4] =	sst s2  }
0x8f: {  	_ = 	snop  }
0x90: {  	(tm) =	ssettm $0x1  }
0x91: {  	s17 =	sld [smem:$0x3FFB];
	_ =	sdelay $0x3  }
0x92: {  	_ =	strace s17  }
0x93: {  	s2 =	sld [smem:$0x3FFC];
	_ =	sdelay $0x3  }
0x94: {  	_ =	strace s2  }
0x95: {  	s2 =	sld [smem:$0x3FFD];
	_ =	sdelay $0x3  }
0x96: {  	_ =	strace s2  }
0x97: {  	_ =	strace $0x8FFFFFFF  }
0x98: {  	s18 =	sld [smem:$0x3FDB];
	_ =	sdelay $0x1  }
0x99: {  	s19 =	simm.s32 $_scs_section_size  }
0x9a: {  	s4 =	simm.s32 $_size__tile_overlayer_lowered;
	s5 =	simm.s32 $_tile_overlayer_lowered  }
0x9b: {  	s22 =	simm.s32 $0x1BFF;
	s21 =	sshll.u32 s5, $0x1;
	s2 =	sadd.s32 s19, s18  }
0x9c: {  	s6 =	simm.s32 $0x0;
	s20 =	sshll.u32 s4, $0x1;
	s4 =	sadd.s32 s21, s2  }
0x9d: {  	[timem:s6], [sflag:s22] =	dma.local [hbm:s4], s20  }
0x9e: {  	_ =	swait.ge [sflag:s22], s20  }
0x9f: {  	s3 =	ssub.s32 $0x0, s20;
	[sflag:s22] =	ssyncset.done $0x0  }
0xa0: {  	[sflag:s22] =	ssyncadd.s32 s3;
	_ =	sdelay $0x1  }
0xa1: {  	s23 =	simm.s32 $0x1B8B  }
0xa2: {  	_ =	swait.ge [sflag:s23], $0x1  }
0xa3: {  	[sflag:s23] =	ssyncset.done $0x0  }
0xa4: {  	s25 =	simm.s32 $0x1B8E;
	s24 =	sld [smem:$0x3FFE];
	[sflag:s23] =	ssyncadd.s32 $0xFFFFFFFF  }
0xa5: {  	s26 =	simm.s32 $execute0_lowered;
	[smem:$0x3FD2] =	sst s25  }
0xa6: {  	s4 =	sshll.u32 s26, $0x1;
	_ =	strace $0x80000049;
	[dreg:$0x1] =	wrdreg $0xFFFFFFFF  }
0xa7: {  	s28 =	simm.s32 $_size_execute0_lowered;
	s2 =	sadd.s32 s2, s4;
	[dreg:$0x0] =	wrdreg $0x0  }
0xa8: {  	s4 =	sshll.u32 s28, $0x1;
	[dreg:$0x2] =	wrdreg s2  }
0xa9: {  	[dreg:$0x3] =	wrdreg s4  }
0xaa: {  	[dreg:$0x4] =	wrdreg $0xC0  }
0xab: {  	_ =	task [dreg:s6], $0x5FFFF  }
0xac: {  	[dreg:$0x1] =	wrdreg $0xFFFFFFFF  }
0xad: {  	[dreg:$0x0] =	wrdreg $0x60  }
0xae: {  	[dreg:$0x2] =	wrdreg s24  }
0xaf: {  	[dreg:$0x3] =	wrdreg $0xC0000  }
0xb0: {  	[dreg:$0x4] =	wrdreg $0x9  }
0xb1: {  	_ =	task.clear_ibuf [dreg:s6], $0x5FFFF;
	_ =	strace $0x90000049  }
0xb2: {  	s29 =	simm.s32 $0x9;
	_ =	strace $0x8000004B  }
0xb3: {  	_ =	swait.ge [sflag:s29], $0x1  }
0xb4: {  	[sflag:s29] =	ssyncadd.s32 $0xFFFFFFFF  }
0xb5: {  	_ =	strace $0x9000004B  }
0xb6: {  	_ =	sfence  }
0xb7: {  	s30 =	sld [smem:$0x0];
	_ =	sdelay $0x2  }
0xb8: {  	s31 =	sshll.u32 s1, $0xD;
	s1 =	sshrl.u32 s1, $0x2  }
0xb9: {  	s3 =	sand.u32 $0x4000, s31;
	s1 =	sadd.s32 s1, s30  }
0xba: {  	s0 =	sor.u32 s3, s0;
	s1 =	sshll.u32 s1, $0x11  }
0xbb: {  	s0 =	sor.u32 s1, s0  }
0xbc: {  	s0 =	sadd.s32 $0x8F2B, s0  }
0xbd: {  	[sflag:s0] =	ssyncadd.remote.s32 $0x1  }
0xbe: {  	_ =	sfence.sel $0xFFFF  }
0xbf: {  	[dreg:$0x0] =	wrdreg $0xFFFFFFFF;
	(pc) =	sbr.abs _section_cstart, $3  }
0xc0: {  	[dreg:$0x1] =	wrdreg $0xFFFFFFFF  }
0xc1: {  	_ =	task.clear_ibuf [dreg:s6], $0x2FFFF;
	_ =	strace $0x9FFFFFFF  }
0xc2: {  	(tm) =	ssettm $0x7FFFFFFF  }
0xc3: {  	_ =	shalt  }
tec
execute0_lowered:
.L_overlay_start_1:
0x0: {  	(tag) =	ssettag $0x1  }
0x1: {  	s5 =	rddreg [dreg:$0x0]  }
0x2: {  	s2 =	rddreg [dreg:$0x1];
	s3 =	srdreg.scid  }
0x3: {  	s0 =	rddreg [dreg:$0x2];
	s1 =	stileid.u32  }
0x4: {  	s11 =	simm.s32 $0x3;
	s12 =	simm.s32 $0x2800;
	s13 =	simm.s32 $0x80  }
0x5: {  	s14 =	simm.s32 $0x5000;
	s15 =	simm.s32 $0x6000;
	s16 =	simm.s32 $0x1  }
0x6: {  	s17 =	simm.s32 $0x2;
	s6 =	sand.u32 $0x1, s3;
	s3 =	simm.s32 $0x0  }
0x7: {  	s7 =	smul.u32 $0x5000, s1;
	s18 =	sshll.u32 s1, $0x6;
	s4 =	sshll.u32 s6, $0x4  }
0x8: {  	[smem:$0x7FF] =	sst s3;
	s8 =	smul.u32 $0x50000, s6;
	s6 =	ssub.s32 $0x2, s6  }
0x9: {  	s18 =	sor.u32 $0x1C03, s18;
	s4 =	sor.u32 s1, s4;
	_ =	strace $0x8000004A  }
0xa: {  	s10 =	sshrl.u32 s6, $0x1;
	s9 =	smul.u32 $0x500, s4;
	s8 =	sadd.s32 s7, s8  }
0xb: {  	s4 =	sadd.s32 $0x17E00, s5;
	s10 =	ssub.s32 s6, s10;
	s8 =	sshrl.u32 s8, $0x3  }
0xc: {  	s9 =	sadd.s32 s9, s5;
	s8 =	sadd.s32 s8, s5;
	s5 =	sadd.s32 s7, s2  }
0xd: {  	s6 =	sadd.s32 $0xDE00, s9;
	s7 =	sadd.s32 $0x3E00, s9;
	s8 =	sadd.s32 $0x21E00, s8  }
0xe: {  	v0 =	vimm.f32 $0.0e+00;
	s9 =	smax.u32 s10, $0x1;
	s10 =	simm.s32 $0x7000;
	s19 =	sshrl.u32 s5, $0x3  }
.LBB2_1:
0xf: {  	s20 =	simm.s32 $0x80;
	s21 =	simm.s32 $0x0  }
.LBB2_2:
0x10: {  	p0 =	sne.s32 s20, $0x13F80;
	[tilespmem:s21+$0x7000] =	vst v0;
	s22 =	smov.u32 s20;
	s20 =	sadd.s32 $0x80, s20  }
.Ltmp0:
0x11: {  	[tilespmem:s21+$0x7010] =	vst v0;
	(pc) =	sbr.rel @p0 .LBB2_2-.Ltmp0, $2  }
0x12: {  	_ =	sdelay $0x2  }
0x13: {  	s21 =	sshra.s32 s22, $0x2  }
0x14: {  	[tilespmem:s21+$0x7000] =	vst v0  }
0x15: {  	[tilespmem:s21+$0x7010] =	vst v0  }
0x16: {  	[spmem:s5] =	stream.linear.scatter [tilespmem:s10], [sflag:$0x3], $0x5000, $0x38;
	[tilespmem:$0x11000] =	vst v63  }
0x17: {  	_ =	swait.ge [sflag:s11], $0x5000  }
0x18: {  	[sflag:s11] =	ssyncset.done $0x0  }
0x19: {  	s20 =	simm.s32 $0x0;
	[sflag:s11] =	ssyncadd.s32 $0xFFFFB000  }
0x1a: {  	[tilespmem:s20], [sflag:$0x3] =	stream.linear.gather [hbm4b:s6+s20], $0x2800, $0x38;
	[tilespmem:$0x11000] =	vst v63  }
0x1b: {  	_ =	swait.ge [sflag:s11], $0x2800  }
0x1c: {  	[sflag:s11] =	ssyncset.done $0x0  }
0x1d: {  	[sflag:s11] =	ssyncadd.s32 $0xFFFFD800  }
0x1e: {  	[tilespmem:s12], [sflag:$0x3] =	stream.linear.gather [hbm4b:s7+s20], $0x2800, $0x38;
	[tilespmem:$0x11000] =	vst v63  }
0x1f: {  	_ =	swait.ge [sflag:s11], $0x2800  }
0x20: {  	[sflag:s11] =	ssyncset.done $0x0  }
0x21: {  	[sflag:s11] =	ssyncadd.s32 $0xFFFFD800  }
0x22: {  	s28 =	simm.s32 $0x0;
	[bflag:$0x0] =	sbarrier.arrive $0xFFFF  }
0x23: {  	[tilespmem:s14], [sflag:$0x1] =	stream.indirect.gather [hbm4b:s4+s13], $0x20, s28, s13, $0xb8;
	[tilespmem:$0x11000] =	vst v63  }
0x24: {  	s29 =	simm.s32 $0x80  }
0x25: {  	[tilespmem:s15], [sflag:$0x2] =	stream.indirect.gather [hbm4b:s4+s13], $0x20, s29, s13, $0xb8;
	[tilespmem:$0x11000] =	vst v63  }
0x26: {  	_ =	swait.ge [sflag:s16], $0x1000  }
0x27: {  	[sflag:s16] =	ssyncset.done $0x0  }
0x28: {  	s30 =	simm.s32 $0x2800;
	[sflag:s16] =	ssyncadd.s32 $0xFFFFF000  }
0x29: {  	[spmem:s2] =	stream.indirect.scatter.add.f32 [tilespmem:s14], [sflag:$0x3], $0x20, s30, s13, $0xb8;
	[tilespmem:$0x11000] =	vst v63  }
0x2a: {  	_ =	swait.ge [sflag:s11], $0x1000  }
0x2b: {  	[sflag:s11] =	ssyncset.done $0x0  }
0x2c: {  	[sflag:s11] =	ssyncadd.s32 $0xFFFFF000  }
0x2d: {  	_ =	swait.ge [sflag:s17], $0x1000  }
0x2e: {  	[sflag:s17] =	ssyncset.done $0x0  }
0x2f: {  	s31 =	simm.s32 $0x2880;
	[sflag:s17] =	ssyncadd.s32 $0xFFFFF000  }
0x30: {  	[spmem:s2] =	stream.indirect.scatter.add.f32 [tilespmem:s15], [sflag:$0x3], $0x20, s31, s13, $0xb8;
	[tilespmem:$0x11000] =	vst v63  }
0x31: {  	_ =	swait.ge [sflag:s11], $0x1000  }
0x32: {  	s21 =	simm.s32 $0x800;
	s20 =	simm.s32 $0x400;
	[sflag:s11] =	ssyncset.done $0x0  }
.LBB2_4:
0x33: {  	s22 =	sshra.s32 s20, $0x2  }
0x34: {  	[sflag:s11] =	ssyncadd.s32 $0xFFFFF000;
	s20 =	smov.u32 s21;
	s23 =	sadd.s32 $0x400, s21  }
0x35: {  	[tilespmem:s14], [sflag:$0x1] =	stream.indirect.gather [hbm4b:s4+s13], $0x20, s22, s13, $0xb8;
	[tilespmem:$0x11000] =	vst v63  }
0x36: {  	p0 =	sne.s32 s21, $0x9C00;
	s21 =	sadd.s32 $0x80, s22  }
0x37: {  	[tilespmem:s15], [sflag:$0x2] =	stream.indirect.gather [hbm4b:s4+s13], $0x20, s21, s13, $0xb8;
	[tilespmem:$0x11000] =	vst v63  }
0x38: {  	_ =	swait.ge [sflag:s16], $0x1000  }
0x39: {  	[sflag:s16] =	ssyncset.done $0x0  }
0x3a: {  	s21 =	sadd.s32 $0x2800, s22;
	[sflag:s16] =	ssyncadd.s32 $0xFFFFF000  }
0x3b: {  	[spmem:s2] =	stream.indirect.scatter.add.f32 [tilespmem:s14], [sflag:$0x3], $0x20, s21, s13, $0xb8;
	[tilespmem:$0x11000] =	vst v63  }
0x3c: {  	_ =	swait.ge [sflag:s11], $0x1000  }
0x3d: {  	[sflag:s11] =	ssyncset.done $0x0  }
0x3e: {  	[sflag:s11] =	ssyncadd.s32 $0xFFFFF000  }
0x3f: {  	_ =	swait.ge [sflag:s17], $0x1000  }
.Ltmp1:
0x40: {  	[sflag:s17] =	ssyncset.done $0x0;
	(pc) =	sbr.rel @p0 .LBB2_4-.Ltmp1, $4  }
0x41: {  	s21 =	sadd.s32 $0x2880, s22;
	[sflag:s17] =	ssyncadd.s32 $0xFFFFF000  }
0x42: {  	[spmem:s2] =	stream.indirect.scatter.add.f32 [tilespmem:s15], [sflag:$0x3], $0x20, s21, s13, $0xb8;
	[tilespmem:$0x11000] =	vst v63  }
0x43: {  	_ =	swait.ge [sflag:s11], $0x1000  }
0x44: {  	s21 =	smov.u32 s23;
	[sflag:s11] =	ssyncset.done $0x0  }
0x45: {  	s20 =	sshra.s32 s20, $0x2;
	[sflag:s11] =	ssyncadd.s32 $0xFFFFF000  }
0x46: {  	[tilespmem:s14], [sflag:$0x1] =	stream.indirect.gather [hbm4b:s4+s13], $0x20, s20, s13, $0xb8;
	[tilespmem:$0x11000] =	vst v63  }
0x47: {  	s21 =	sadd.s32 $0x80, s20  }
0x48: {  	[tilespmem:s15], [sflag:$0x2] =	stream.indirect.gather [hbm4b:s4+s13], $0x20, s21, s13, $0xb8;
	[tilespmem:$0x11000] =	vst v63  }
0x49: {  	_ =	swait.ge [sflag:s16], $0x1000  }
0x4a: {  	[sflag:s16] =	ssyncset.done $0x0  }
0x4b: {  	s31 =	sadd.s32 $0x2800, s20;
	[sflag:s16] =	ssyncadd.s32 $0xFFFFF000  }
0x4c: {  	[spmem:s2] =	stream.indirect.scatter.add.f32 [tilespmem:s14], [sflag:$0x3], $0x20, s31, s13, $0xb8;
	[tilespmem:$0x11000] =	vst v63  }
0x4d: {  	_ =	swait.ge [sflag:s11], $0x1000  }
0x4e: {  	[sflag:s11] =	ssyncset.done $0x0  }
0x4f: {  	[sflag:s11] =	ssyncadd.s32 $0xFFFFF000  }
0x50: {  	_ =	swait.ge [sflag:s17], $0x1000  }
0x51: {  	[sflag:s17] =	ssyncset.done $0x0  }
0x52: {  	s20 =	sadd.s32 $0x2880, s20;
	[sflag:s17] =	ssyncadd.s32 $0xFFFFF000  }
0x53: {  	[spmem:s2] =	stream.indirect.scatter.add.f32 [tilespmem:s15], [sflag:$0x3], $0x20, s20, s13, $0xb8;
	[tilespmem:$0x11000] =	vst v63  }
0x54: {  	_ =	swait.ge [sflag:s11], $0x1000  }
0x55: {  	s3 =	sadd.s32 $0x1, s3;
	[sflag:s11] =	ssyncset.done $0x0  }
0x56: {  	p0 =	sne.s32 s3, s9;
	[sflag:s11] =	ssyncadd.s32 $0xFFFFF000  }
.Ltmp2:
0x57: {  	[bflag:$0x0] =	sbarrier.arrive $0xFFFF;
	(pc) =	sbr.rel @p0 .LBB2_1-.Ltmp2, $4  }
0x58: {  	[hbm:s8], [sflag:s18] =	dma.local [spmem:s19], $0xA00  }
0x59: {  	_ =	swait.ge [sflag:s11], $0xA00  }
0x5a: {  	[sflag:s11] =	ssyncset.done $0x0  }
0x5b: {  	[sflag:s11] =	ssyncadd.s32 $0xFFFFF600  }
0x5c: {  	_ =	sfence.sel $0x180000  }
0x5d: {  	[bflag:$0x0] =	sbarrier.arrive $0xFFFF  }
0x5e: {  	p0 =	sne.s32 s1, $0x0;
	_ =	strace $0x9000004A  }
0x5f: {  	s0 =	sadd.s32 @!p0 $0x100000, s0;
	[bflag:$0x2] =	sbarrier.arrive $0xFFFF  }
0x60: {  	[sflag:s0] =	ssyncadd.tile.s32 @!p0 $0x1;
	_ =	shalt  }
.Lfunc_end2:
_tile_overlayer_lowered:
.L_overlay_start_2:
0x61: {  	(tag) =	ssettag $0x2  }
0x62: {  	s0 =	rddreg [dreg:$0x0];
	s2 =	stileid.u32  }
0x63: {  	s1 =	rddreg [dreg:$0x1];
	p0 =	sne.s32 s2, $0x0  }
0x64: {  	s3 =	rddreg [dreg:$0x2];
	[bflag:$0x3] =	sbarrier.arrive $0xFFFF;
	s2 =	simm.s32 @!p0 $0x1C03  }
0x65: {  	[timem:s3], [sflag:s2] =	dma.local @!p0 [hbm:s0], s1  }
0x66: {  	s0 =	simm.s32 @!p0 $0x3  }
0x67: {  	_ =	swait.ge @!p0 [sflag:s0], s1  }
0x68: {  	s1 =	ssub.s32 @!p0 $0x0, s1;
	[sflag:s0] =	ssyncset.done @!p0 $0x0  }
0x69: {  	[sflag:s0] =	ssyncadd.s32 @!p0 s1  }
0x6a: {  	[bflag:$0x3] =	sbarrier.arrive $0xFFFF  }
0x6b: {  	_ =	shalt  }

// kernel: kernel.21.cloned.1.call-start
scs
__scs_entry_jumppad:
0x0: {  	(pc) =	sbr.rel $0x88, $3  }
0x1: {  	(tag) =	ssettag $0x0;
	lr =	simm.s32 $0x1  }
0x2: {  	[smem:$0x3F8D] =	sst lr;
	_ =	strace $0xD0000000  }
0x3: {  	_ = 	snop  }
0x4: {  	_ = 	snop  }
0x5: {  	_ = 	snop  }
0x6: {  	_ = 	snop  }
0x7: {  	_ = 	snop  }
__scs_overlays_trampoline_lowered:
0x8: {  	[smem:$0x3F9C] =	sst s0  }
0x9: {  	[smem:$0x3F9D] =	sst s1  }
0xa: {  	[smem:$0x3F9E] =	sst s2  }
0xb: {  	[smem:$0x3F9F] =	sst s3  }
0xc: {  	[smem:$0x3FA0] =	sst s4  }
0xd: {  	[smem:$0x3FA1] =	sst s5  }
0xe: {  	[smem:$0x3FA2] =	sst s6  }
0xf: {  	[smem:$0x3FA3] =	sst s7  }
0x10: {  	[smem:$0x3FA4] =	sst s8  }
0x11: {  	[smem:$0x3FA5] =	sst s9;
	s0 =	simm.s32 @!p0 $0x0  }
0x12: {  	s1 =	sld [smem:$0x3F8B];
	s0 =	simm.s32 @p0 $0x1  }
0x13: {  	[smem:$0x3FA6] =	sst s0;
	s0 =	simm.s32 @!p1 $0x0  }
0x14: {  	s2 =	sld [smem:$0x3F8A];
	s0 =	simm.s32 @p1 $0x1  }
0x15: {  	[smem:$0x3FA7] =	sst s0;
	s0 =	simm.s32 @!p2 $0x0  }
0x16: {  	s3 =	sld [smem:$0x3FDB];
	s0 =	simm.s32 @p2 $0x1  }
0x17: {  	s4 =	simm.s32 $0x1BF5;
	[smem:$0x3FA9] =	sst s0  }
0x18: {  	s0 =	sld [smem:$0x3F8C];
	_ =	swait.ge [sflag:s4], $0x0  }
0x19: {  	s7 =	sld [smem:$0x3F8D]  }
0x1a: {  	s8 =	sadd.s32 $0xFFFFE003, lr  }
0x1b: {  	s9 =	sadd.s32 $0xFFFFFEF7, lr;
	s5 =	simm.s32 $0xFFFFFFFF;
	p2 =	slt.u32 s8, $0xFFFFF086  }
0x1c: {  	p1 =	slt.u32 s9, $0xF7A;
	s5 =	simm.s32 @!p2 $0x0  }
0x1d: {  	s5 =	simm.s32 @p1 $0x1;
	p0 =	seq.s32 s7, s2  }
0x1e: {  	s7 =	smul.u32 @!p0 $0xF7A, s2;
	p2 =	seq.s32 @!p0 s5, $0x0  }
0x1f: {  	s9 =	smul.u32 $0xF7A, s1;
	s8 =	simm.s32 @!p0 $0x1BF5;
	p2 =	por !p2, p0  }
0x20: {  	[sflag:s8] =	ssyncset.s32 @!p0 $0xFFFFF086;
	s6 =	sadd.s32 @!p0 s3, s7;
	s7 =	simm.s32 @!p0 $0x108  }
0x21: {  	s3 =	sadd.s32 s3, s9;
	s6 =	sadd.s32 @!p0 $0x88, s6;
	s7 =	simm.s32 @p2 $0x1082  }
0x22: {  	[simem:s7], [sflag:s8] =	dma.local @!p0 [hbm:s6], $0xF7A  }
0x23: {  	s9 =	sor.u32 $0xD0000000, s2;
	s6 =	simm.s32 $0x108;
	_ =	swait.ge @!p0 [sflag:s8], $0x0  }
0x24: {  	s3 =	sadd.s32 $0x88, s3;
	s6 =	simm.s32 @!p1 $0x1082;
	[sflag:s4] =	ssyncset.s32 $0xFFFFF086  }
0x25: {  	[simem:s6], [sflag:s4] =	dma.local [hbm:s3], $0xF7A  }
0x26: {  	[smem:$0x3F8D] =	sst s1;
	(tag) =	ssettag s2;
	_ =	strace s9  }
0x27: {  	s1 =	sld [smem:$0x3F9D]  }
0x28: {  	s2 =	sld [smem:$0x3F9E]  }
0x29: {  	s4 =	sld [smem:$0x3FA0]  }
0x2a: {  	p0 =	seq.s32 s5, $0x0;
	s5 =	sld [smem:$0x3FA1]  }
0x2b: {  	s6 =	sld [smem:$0x3FA2]  }
0x2c: {  	s7 =	sld [smem:$0x3FA3]  }
0x2d: {  	s3 =	simm.s32 $0x108;
	s8 =	sld [smem:$0x3FA4]  }
0x2e: {  	s3 =	simm.s32 @!p0 $0x1082;
	s9 =	sld [smem:$0x3FA5]  }
0x2f: {  	lr =	sadd.s32 s0, s3;
	s0 =	sld [smem:$0x3F9C]  }
0x30: {  	s3 =	sld [smem:$0x3F9F]  }
0x31: {  	[smem:$0x3FA8] =	sst s10  }
0x32: {  	s10 =	sld [smem:$0x3FA6];
	_ =	sdelay $0x3  }
0x33: {  	p0 =	seq.s32 s10, $0x1;
	s10 =	sld [smem:$0x3FA8];
	_ =	sdelay $0x3  }
0x34: {  	[smem:$0x3FA8] =	sst s10  }
0x35: {  	s10 =	sld [smem:$0x3FA7];
	_ =	sdelay $0x3  }
0x36: {  	p1 =	seq.s32 s10, $0x1;
	s10 =	sld [smem:$0x3FA8];
	_ =	sdelay $0x3  }
0x37: {  	[smem:$0x3FA8] =	sst s10  }
0x38: {  	s10 =	sld [smem:$0x3FA9]  }
0x39: {  	_ = 	snop;
	(pc) =	sbr.ind lr, $3  }
0x3a: {  	_ = 	snop  }
0x3b: {  	_ = 	snop  }
0x3c: {  	p2 =	seq.s32 s10, $0x1;
	s10 =	sld [smem:$0x3FA8]  }
0x3d: {  	_ =	shalt  }
0x3e: {  	_ =	shalt  }
0x3f: {  	_ =	shalt  }
0x40: {  	_ =	shalt  }
0x41: {  	_ =	shalt  }
0x42: {  	_ =	shalt  }
0x43: {  	_ =	shalt  }
0x44: {  	_ =	shalt  }
0x45: {  	_ =	shalt  }
0x46: {  	_ =	shalt  }
0x47: {  	_ =	shalt  }
0x48: {  	_ =	shalt  }
0x49: {  	_ =	shalt  }
0x4a: {  	_ =	shalt  }
0x4b: {  	_ =	shalt  }
0x4c: {  	_ =	shalt  }
0x4d: {  	_ =	shalt  }
0x4e: {  	_ =	shalt  }
0x4f: {  	_ =	shalt  }
0x50: {  	_ =	shalt  }
0x51: {  	_ =	shalt  }
0x52: {  	_ =	shalt  }
0x53: {  	_ =	shalt  }
0x54: {  	_ =	shalt  }
0x55: {  	_ =	shalt  }
0x56: {  	_ =	shalt  }
0x57: {  	_ =	shalt  }
0x58: {  	_ =	shalt  }
0x59: {  	_ =	shalt  }
0x5a: {  	_ =	shalt  }
0x5b: {  	_ =	shalt  }
0x5c: {  	_ =	shalt  }
0x5d: {  	_ =	shalt  }
0x5e: {  	_ =	shalt  }
0x5f: {  	_ =	shalt  }
0x60: {  	_ =	shalt  }
0x61: {  	_ =	shalt  }
0x62: {  	_ =	shalt  }
0x63: {  	_ =	shalt  }
0x64: {  	_ =	shalt  }
0x65: {  	_ =	shalt  }
0x66: {  	_ =	shalt  }
0x67: {  	_ =	shalt  }
0x68: {  	_ =	shalt  }
0x69: {  	_ =	shalt  }
0x6a: {  	_ =	shalt  }
0x6b: {  	_ =	shalt  }
0x6c: {  	_ =	shalt  }
0x6d: {  	_ =	shalt  }
0x6e: {  	_ =	shalt  }
0x6f: {  	_ =	shalt  }
0x70: {  	_ =	shalt  }
0x71: {  	_ =	shalt  }
0x72: {  	_ =	shalt  }
0x73: {  	_ =	shalt  }
0x74: {  	_ =	shalt  }
0x75: {  	_ =	shalt  }
0x76: {  	_ =	shalt  }
0x77: {  	_ =	shalt  }
0x78: {  	_ =	shalt  }
0x79: {  	_ =	shalt  }
0x7a: {  	_ =	shalt  }
0x7b: {  	_ =	shalt  }
0x7c: {  	_ =	shalt  }
0x7d: {  	_ =	shalt  }
0x7e: {  	_ =	shalt  }
0x7f: {  	_ =	shalt  }
0x80: {  	_ =	shalt  }
0x81: {  	_ =	shalt  }
0x82: {  	_ =	shalt  }
0x83: {  	_ =	shalt  }
0x84: {  	_ =	shalt  }
0x85: {  	_ =	shalt  }
0x86: {  	_ =	shalt  }
0x87: {  	_ =	shalt  }
.Lfunc_end0:
.L_simem_size_0:
called_computation.2_lowered:
.L_overlay_start_0:
0x88: {  	s2 =	sld [smem:$0x3FD9]  }
0x89: {  	s3 =	sld [smem:$0x3FFE];
	_ =	sdelay $0x1  }
0x8a: {  	s1 =	srdreg.scid  }
0x8b: {  	s0 =	sand.u32 $0x1, s1  }
0x8c: {  	s16 =	sshll.u32 s0, $0xA;
	s2 =	sadd.s32 s3, s2  }
0x8d: {  	s2 =	sadd.s32 s2, s16  }
0x8e: {  	[smem:$0x3FB4] =	sst s2  }
0x8f: {  	_ = 	snop  }
0x90: {  	(tm) =	ssettm $0x1  }
0x91: {  	s17 =	sld [smem:$0x3FFB];
	_ =	sdelay $0x3  }
0x92: {  	_ =	strace s17  }
0x93: {  	s2 =	sld [smem:$0x3FFC];
	_ =	sdelay $0x3  }
0x94: {  	_ =	strace s2  }
0x95: {  	s2 =	sld [smem:$0x3FFD];
	_ =	sdelay $0x3  }
0x96: {  	_ =	strace s2  }
0x97: {  	_ =	strace $0x8FFFFFFF  }
0x98: {  	s18 =	sld [smem:$0x3FDB];
	_ =	sdelay $0x1  }
0x99: {  	s19 =	simm.s32 $_scs_section_size  }
0x9a: {  	s4 =	simm.s32 $_size__tile_overlayer_lowered;
	s5 =	simm.s32 $_tile_overlayer_lowered  }
0x9b: {  	s22 =	simm.s32 $0x1BFF;
	s21 =	sshll.u32 s5, $0x1;
	s2 =	sadd.s32 s19, s18  }
0x9c: {  	s6 =	simm.s32 $0x0;
	s20 =	sshll.u32 s4, $0x1;
	s4 =	sadd.s32 s21, s2  }
0x9d: {  	[timem:s6], [sflag:s22] =	dma.local [hbm:s4], s20  }
0x9e: {  	_ =	swait.ge [sflag:s22], s20  }
0x9f: {  	s3 =	ssub.s32 $0x0, s20;
	[sflag:s22] =	ssyncset.done $0x0  }
0xa0: {  	[sflag:s22] =	ssyncadd.s32 s3;
	_ =	sdelay $0x1  }
0xa1: {  	s23 =	simm.s32 $0x1B8B  }
0xa2: {  	_ =	swait.ge [sflag:s23], $0x1  }
0xa3: {  	[sflag:s23] =	ssyncset.done $0x0  }
0xa4: {  	s25 =	simm.s32 $0x1B8E;
	s24 =	sld [smem:$0x3FFE];
	[sflag:s23] =	ssyncadd.s32 $0xFFFFFFFF  }
0xa5: {  	s26 =	simm.s32 $execute0_lowered;
	[smem:$0x3FD2] =	sst s25  }
0xa6: {  	s4 =	sshll.u32 s26, $0x1;
	_ =	strace $0x8000004C;
	[dreg:$0x1] =	wrdreg $0xFFFFFFFF  }
0xa7: {  	s28 =	simm.s32 $_size_execute0_lowered;
	s2 =	sadd.s32 s2, s4;
	[dreg:$0x0] =	wrdreg $0x0  }
0xa8: {  	s4 =	sshll.u32 s28, $0x1;
	[dreg:$0x2] =	wrdreg s2  }
0xa9: {  	[dreg:$0x3] =	wrdreg s4  }
0xaa: {  	[dreg:$0x4] =	wrdreg $0xC0  }
0xab: {  	_ =	task [dreg:s6], $0x5FFFF  }
0xac: {  	[dreg:$0x1] =	wrdreg $0xFFFFFFFF  }
0xad: {  	[dreg:$0x0] =	wrdreg $0x60  }
0xae: {  	[dreg:$0x2] =	wrdreg s24  }
0xaf: {  	[dreg:$0x3] =	wrdreg $0xC0000  }
0xb0: {  	[dreg:$0x4] =	wrdreg $0x9  }
0xb1: {  	_ =	task.clear_ibuf [dreg:s6], $0x5FFFF;
	_ =	strace $0x9000004C  }
0xb2: {  	s29 =	simm.s32 $0x9;
	_ =	strace $0x8000004E  }
0xb3: {  	_ =	swait.ge [sflag:s29], $0x1  }
0xb4: {  	[sflag:s29] =	ssyncadd.s32 $0xFFFFFFFF  }
0xb5: {  	_ =	strace $0x9000004E  }
0xb6: {  	_ =	sfence  }
0xb7: {  	s30 =	sld [smem:$0x0];
	_ =	sdelay $0x2  }
0xb8: {  	s31 =	sshll.u32 s1, $0xD;
	s1 =	sshrl.u32 s1, $0x2  }
0xb9: {  	s3 =	sand.u32 $0x4000, s31;
	s1 =	sadd.s32 s1, s30  }
0xba: {  	s0 =	sor.u32 s3, s0;
	s1 =	sshll.u32 s1, $0x11  }
0xbb: {  	s0 =	sor.u32 s1, s0  }
0xbc: {  	s0 =	sadd.s32 $0x8F2B, s0  }
0xbd: {  	[sflag:s0] =	ssyncadd.remote.s32 $0x1  }
0xbe: {  	_ =	sfence.sel $0xFFFF  }
0xbf: {  	[dreg:$0x0] =	wrdreg $0xFFFFFFFF;
	(pc) =	sbr.abs _section_cstart, $3  }
0xc0: {  	[dreg:$0x1] =	wrdreg $0xFFFFFFFF  }
0xc1: {  	_ =	task.clear_ibuf [dreg:s6], $0x2FFFF;
	_ =	strace $0x9FFFFFFF  }
0xc2: {  	(tm) =	ssettm $0x7FFFFFFF  }
0xc3: {  	_ =	shalt  }
tec
execute0_lowered:
.L_overlay_start_1:
0x0: {  	(tag) =	ssettag $0x1  }
0x1: {  	s5 =	rddreg [dreg:$0x0]  }
0x2: {  	s2 =	rddreg [dreg:$0x1];
	s3 =	srdreg.scid  }
0x3: {  	s0 =	rddreg [dreg:$0x2];
	s1 =	stileid.u32  }
0x4: {  	s11 =	simm.s32 $0x3;
	s12 =	simm.s32 $0x2800;
	s13 =	simm.s32 $0x80  }
0x5: {  	s14 =	simm.s32 $0x5000;
	s15 =	simm.s32 $0x6000;
	s16 =	simm.s32 $0x1  }
0x6: {  	s17 =	simm.s32 $0x2;
	s6 =	sand.u32 $0x1, s3;
	s3 =	simm.s32 $0x0  }
0x7: {  	s7 =	smul.u32 $0x5000, s1;
	s18 =	sshll.u32 s1, $0x6;
	s4 =	sshll.u32 s6, $0x4  }
0x8: {  	[smem:$0x7FF] =	sst s3;
	s8 =	smul.u32 $0x50000, s6;
	s6 =	ssub.s32 $0x2, s6  }
0x9: {  	s18 =	sor.u32 $0x1C03, s18;
	s4 =	sor.u32 s1, s4;
	_ =	strace $0x8000004D  }
0xa: {  	s10 =	sshrl.u32 s6, $0x1;
	s9 =	smul.u32 $0x500, s4;
	s8 =	sadd.s32 s7, s8  }
0xb: {  	s4 =	sadd.s32 $0x17E00, s5;
	s10 =	ssub.s32 s6, s10;
	s8 =	sshrl.u32 s8, $0x3  }
0xc: {  	s9 =	sadd.s32 s9, s5;
	s8 =	sadd.s32 s8, s5;
	s5 =	sadd.s32 s7, s2  }
0xd: {  	s6 =	sadd.s32 $0xDE00, s9;
	s7 =	sadd.s32 $0x3E00, s9;
	s8 =	sadd.s32 $0x21E00, s8  }
0xe: {  	v0 =	vimm.f32 $0.0e+00;
	s9 =	smax.u32 s10, $0x1;
	s10 =	simm.s32 $0x7000;
	s19 =	sshrl.u32 s5, $0x3  }
.LBB2_1:
0xf: {  	s20 =	simm.s32 $0x80;
	s21 =	simm.s32 $0x0  }
.LBB2_2:
0x10: {  	p0 =	sne.s32 s20, $0x13F80;
	[tilespmem:s21+$0x7000] =	vst v0;
	s22 =	smov.u32 s20;
	s20 =	sadd.s32 $0x80, s20  }
.Ltmp0:
0x11: {  	[tilespmem:s21+$0x7010] =	vst v0;
	(pc) =	sbr.rel @p0 .LBB2_2-.Ltmp0, $2  }
0x12: {  	_ =	sdelay $0x2  }
0x13: {  	s21 =	sshra.s32 s22, $0x2  }
0x14: {  	[tilespmem:s21+$0x7000] =	vst v0  }
0x15: {  	[tilespmem:s21+$0x7010] =	vst v0  }
0x16: {  	[spmem:s5] =	stream.linear.scatter [tilespmem:s10], [sflag:$0x3], $0x5000, $0x38;
	[tilespmem:$0x11000] =	vst v63  }
0x17: {  	_ =	swait.ge [sflag:s11], $0x5000  }
0x18: {  	[sflag:s11] =	ssyncset.done $0x0  }
0x19: {  	s20 =	simm.s32 $0x0;
	[sflag:s11] =	ssyncadd.s32 $0xFFFFB000  }
0x1a: {  	[tilespmem:s20], [sflag:$0x3] =	stream.linear.gather [hbm4b:s6+s20], $0x2800, $0x38;
	[tilespmem:$0x11000] =	vst v63  }
0x1b: {  	_ =	swait.ge [sflag:s11], $0x2800  }
0x1c: {  	[sflag:s11] =	ssyncset.done $0x0  }
0x1d: {  	[sflag:s11] =	ssyncadd.s32 $0xFFFFD800  }
0x1e: {  	[tilespmem:s12], [sflag:$0x3] =	stream.linear.gather [hbm4b:s7+s20], $0x2800, $0x38;
	[tilespmem:$0x11000] =	vst v63  }
0x1f: {  	_ =	swait.ge [sflag:s11], $0x2800  }
0x20: {  	[sflag:s11] =	ssyncset.done $0x0  }
0x21: {  	[sflag:s11] =	ssyncadd.s32 $0xFFFFD800  }
0x22: {  	s28 =	simm.s32 $0x0;
	[bflag:$0x0] =	sbarrier.arrive $0xFFFF  }
0x23: {  	[tilespmem:s14], [sflag:$0x1] =	stream.indirect.gather [hbm4b:s4+s13], $0x20, s28, s13, $0xb8;
	[tilespmem:$0x11000] =	vst v63  }
0x24: {  	s29 =	simm.s32 $0x80  }
0x25: {  	[tilespmem:s15], [sflag:$0x2] =	stream.indirect.gather [hbm4b:s4+s13], $0x20, s29, s13, $0xb8;
	[tilespmem:$0x11000] =	vst v63  }
0x26: {  	_ =	swait.ge [sflag:s16], $0x1000  }
0x27: {  	[sflag:s16] =	ssyncset.done $0x0  }
0x28: {  	s30 =	simm.s32 $0x2800;
	[sflag:s16] =	ssyncadd.s32 $0xFFFFF000  }
0x29: {  	[spmem:s2] =	stream.indirect.scatter.add.f32 [tilespmem:s14], [sflag:$0x3], $0x20, s30, s13, $0xb8;
	[tilespmem:$0x11000] =	vst v63  }
0x2a: {  	_ =	swait.ge [sflag:s11], $0x1000  }
0x2b: {  	[sflag:s11] =	ssyncset.done $0x0  }
0x2c: {  	[sflag:s11] =	ssyncadd.s32 $0xFFFFF000  }
0x2d: {  	_ =	swait.ge [sflag:s17], $0x1000  }
0x2e: {  	[sflag:s17] =	ssyncset.done $0x0  }
0x2f: {  	s31 =	simm.s32 $0x2880;
	[sflag:s17] =	ssyncadd.s32 $0xFFFFF000  }
0x30: {  	[spmem:s2] =	stream.indirect.scatter.add.f32 [tilespmem:s15], [sflag:$0x3], $0x20, s31, s13, $0xb8;
	[tilespmem:$0x11000] =	vst v63  }
0x31: {  	_ =	swait.ge [sflag:s11], $0x1000  }
0x32: {  	s21 =	simm.s32 $0x800;
	s20 =	simm.s32 $0x400;
	[sflag:s11] =	ssyncset.done $0x0  }
.LBB2_4:
0x33: {  	s22 =	sshra.s32 s20, $0x2  }
0x34: {  	[sflag:s11] =	ssyncadd.s32 $0xFFFFF000;
	s20 =	smov.u32 s21;
	s23 =	sadd.s32 $0x400, s21  }
0x35: {  	[tilespmem:s14], [sflag:$0x1] =	stream.indirect.gather [hbm4b:s4+s13], $0x20, s22, s13, $0xb8;
	[tilespmem:$0x11000] =	vst v63  }
0x36: {  	p0 =	sne.s32 s21, $0x9C00;
	s21 =	sadd.s32 $0x80, s22  }
0x37: {  	[tilespmem:s15], [sflag:$0x2] =	stream.indirect.gather [hbm4b:s4+s13], $0x20, s21, s13, $0xb8;
	[tilespmem:$0x11000] =	vst v63  }
0x38: {  	_ =	swait.ge [sflag:s16], $0x1000  }
0x39: {  	[sflag:s16] =	ssyncset.done $0x0  }
0x3a: {  	s21 =	sadd.s32 $0x2800, s22;
	[sflag:s16] =	ssyncadd.s32 $0xFFFFF000  }
0x3b: {  	[spmem:s2] =	stream.indirect.scatter.add.f32 [tilespmem:s14], [sflag:$0x3], $0x20, s21, s13, $0xb8;
	[tilespmem:$0x11000] =	vst v63  }
0x3c: {  	_ =	swait.ge [sflag:s11], $0x1000  }
0x3d: {  	[sflag:s11] =	ssyncset.done $0x0  }
0x3e: {  	[sflag:s11] =	ssyncadd.s32 $0xFFFFF000  }
0x3f: {  	_ =	swait.ge [sflag:s17], $0x1000  }
.Ltmp1:
0x40: {  	[sflag:s17] =	ssyncset.done $0x0;
	(pc) =	sbr.rel @p0 .LBB2_4-.Ltmp1, $4  }
0x41: {  	s21 =	sadd.s32 $0x2880, s22;
	[sflag:s17] =	ssyncadd.s32 $0xFFFFF000  }
0x42: {  	[spmem:s2] =	stream.indirect.scatter.add.f32 [tilespmem:s15], [sflag:$0x3], $0x20, s21, s13, $0xb8;
	[tilespmem:$0x11000] =	vst v63  }
0x43: {  	_ =	swait.ge [sflag:s11], $0x1000  }
0x44: {  	s21 =	smov.u32 s23;
	[sflag:s11] =	ssyncset.done $0x0  }
0x45: {  	s20 =	sshra.s32 s20, $0x2;
	[sflag:s11] =	ssyncadd.s32 $0xFFFFF000  }
0x46: {  	[tilespmem:s14], [sflag:$0x1] =	stream.indirect.gather [hbm4b:s4+s13], $0x20, s20, s13, $0xb8;
	[tilespmem:$0x11000] =	vst v63  }
0x47: {  	s21 =	sadd.s32 $0x80, s20  }
0x48: {  	[tilespmem:s15], [sflag:$0x2] =	stream.indirect.gather [hbm4b:s4+s13], $0x20, s21, s13, $0xb8;
	[tilespmem:$0x11000] =	vst v63  }
0x49: {  	_ =	swait.ge [sflag:s16], $0x1000  }
0x4a: {  	[sflag:s16] =	ssyncset.done $0x0  }
0x4b: {  	s31 =	sadd.s32 $0x2800, s20;
	[sflag:s16] =	ssyncadd.s32 $0xFFFFF000  }
0x4c: {  	[spmem:s2] =	stream.indirect.scatter.add.f32 [tilespmem:s14], [sflag:$0x3], $0x20, s31, s13, $0xb8;
	[tilespmem:$0x11000] =	vst v63  }
0x4d: {  	_ =	swait.ge [sflag:s11], $0x1000  }
0x4e: {  	[sflag:s11] =	ssyncset.done $0x0  }
0x4f: {  	[sflag:s11] =	ssyncadd.s32 $0xFFFFF000  }
0x50: {  	_ =	swait.ge [sflag:s17], $0x1000  }
0x51: {  	[sflag:s17] =	ssyncset.done $0x0  }
0x52: {  	s20 =	sadd.s32 $0x2880, s20;
	[sflag:s17] =	ssyncadd.s32 $0xFFFFF000  }
0x53: {  	[spmem:s2] =	stream.indirect.scatter.add.f32 [tilespmem:s15], [sflag:$0x3], $0x20, s20, s13, $0xb8;
	[tilespmem:$0x11000] =	vst v63  }
0x54: {  	_ =	swait.ge [sflag:s11], $0x1000  }
0x55: {  	s3 =	sadd.s32 $0x1, s3;
	[sflag:s11] =	ssyncset.done $0x0  }
0x56: {  	p0 =	sne.s32 s3, s9;
	[sflag:s11] =	ssyncadd.s32 $0xFFFFF000  }
.Ltmp2:
0x57: {  	[bflag:$0x0] =	sbarrier.arrive $0xFFFF;
	(pc) =	sbr.rel @p0 .LBB2_1-.Ltmp2, $4  }
0x58: {  	[hbm:s8], [sflag:s18] =	dma.local [spmem:s19], $0xA00  }
0x59: {  	_ =	swait.ge [sflag:s11], $0xA00  }
0x5a: {  	[sflag:s11] =	ssyncset.done $0x0  }
0x5b: {  	[sflag:s11] =	ssyncadd.s32 $0xFFFFF600  }
0x5c: {  	_ =	sfence.sel $0x180000  }
0x5d: {  	[bflag:$0x0] =	sbarrier.arrive $0xFFFF  }
0x5e: {  	p0 =	sne.s32 s1, $0x0;
	_ =	strace $0x9000004D  }
0x5f: {  	s0 =	sadd.s32 @!p0 $0x100000, s0;
	[bflag:$0x2] =	sbarrier.arrive $0xFFFF  }
0x60: {  	[sflag:s0] =	ssyncadd.tile.s32 @!p0 $0x1;
	_ =	shalt  }
.Lfunc_end2:
_tile_overlayer_lowered:
.L_overlay_start_2:
0x61: {  	(tag) =	ssettag $0x2  }
0x62: {  	s0 =	rddreg [dreg:$0x0];
	s2 =	stileid.u32  }
0x63: {  	s1 =	rddreg [dreg:$0x1];
	p0 =	sne.s32 s2, $0x0  }
0x64: {  	s3 =	rddreg [dreg:$0x2];
	[bflag:$0x3] =	sbarrier.arrive $0xFFFF;
	s2 =	simm.s32 @!p0 $0x1C03  }
0x65: {  	[timem:s3], [sflag:s2] =	dma.local @!p0 [hbm:s0], s1  }
0x66: {  	s0 =	simm.s32 @!p0 $0x3  }
0x67: {  	_ =	swait.ge @!p0 [sflag:s0], s1  }
0x68: {  	s1 =	ssub.s32 @!p0 $0x0, s1;
	[sflag:s0] =	ssyncset.done @!p0 $0x0  }
0x69: {  	[sflag:s0] =	ssyncadd.s32 @!p0 s1  }
0x6a: {  	[bflag:$0x3] =	sbarrier.arrive $0xFFFF  }
0x6b: {  	_ =	shalt  }

// kernel: kernel.24.cloned.1.call-start
scs
__scs_entry_jumppad:
0x0: {  	(pc) =	sbr.rel $0x88, $3  }
0x1: {  	(tag) =	ssettag $0x0;
	lr =	simm.s32 $0x1  }
0x2: {  	[smem:$0x3F8D] =	sst lr;
	_ =	strace $0xD0000000  }
0x3: {  	_ = 	snop  }
0x4: {  	_ = 	snop  }
0x5: {  	_ = 	snop  }
0x6: {  	_ = 	snop  }
0x7: {  	_ = 	snop  }
__scs_overlays_trampoline_lowered:
0x8: {  	[smem:$0x3F9C] =	sst s0  }
0x9: {  	[smem:$0x3F9D] =	sst s1  }
0xa: {  	[smem:$0x3F9E] =	sst s2  }
0xb: {  	[smem:$0x3F9F] =	sst s3  }
0xc: {  	[smem:$0x3FA0] =	sst s4  }
0xd: {  	[smem:$0x3FA1] =	sst s5  }
0xe: {  	[smem:$0x3FA2] =	sst s6  }
0xf: {  	[smem:$0x3FA3] =	sst s7  }
0x10: {  	[smem:$0x3FA4] =	sst s8  }
0x11: {  	[smem:$0x3FA5] =	sst s9;
	s0 =	simm.s32 @!p0 $0x0  }
0x12: {  	s1 =	sld [smem:$0x3F8B];
	s0 =	simm.s32 @p0 $0x1  }
0x13: {  	[smem:$0x3FA6] =	sst s0;
	s0 =	simm.s32 @!p1 $0x0  }
0x14: {  	s2 =	sld [smem:$0x3F8A];
	s0 =	simm.s32 @p1 $0x1  }
0x15: {  	[smem:$0x3FA7] =	sst s0;
	s0 =	simm.s32 @!p2 $0x0  }
0x16: {  	s3 =	sld [smem:$0x3FDB];
	s0 =	simm.s32 @p2 $0x1  }
0x17: {  	s4 =	simm.s32 $0x1BF5;
	[smem:$0x3FA9] =	sst s0  }
0x18: {  	s0 =	sld [smem:$0x3F8C];
	_ =	swait.ge [sflag:s4], $0x0  }
0x19: {  	s7 =	sld [smem:$0x3F8D]  }
0x1a: {  	s8 =	sadd.s32 $0xFFFFE003, lr  }
0x1b: {  	s9 =	sadd.s32 $0xFFFFFEF7, lr;
	s5 =	simm.s32 $0xFFFFFFFF;
	p2 =	slt.u32 s8, $0xFFFFF086  }
0x1c: {  	p1 =	slt.u32 s9, $0xF7A;
	s5 =	simm.s32 @!p2 $0x0  }
0x1d: {  	s5 =	simm.s32 @p1 $0x1;
	p0 =	seq.s32 s7, s2  }
0x1e: {  	s7 =	smul.u32 @!p0 $0xF7A, s2;
	p2 =	seq.s32 @!p0 s5, $0x0  }
0x1f: {  	s9 =	smul.u32 $0xF7A, s1;
	s8 =	simm.s32 @!p0 $0x1BF5;
	p2 =	por !p2, p0  }
0x20: {  	[sflag:s8] =	ssyncset.s32 @!p0 $0xFFFFF086;
	s6 =	sadd.s32 @!p0 s3, s7;
	s7 =	simm.s32 @!p0 $0x108  }
0x21: {  	s3 =	sadd.s32 s3, s9;
	s6 =	sadd.s32 @!p0 $0x88, s6;
	s7 =	simm.s32 @p2 $0x1082  }
0x22: {  	[simem:s7], [sflag:s8] =	dma.local @!p0 [hbm:s6], $0xF7A  }
0x23: {  	s9 =	sor.u32 $0xD0000000, s2;
	s6 =	simm.s32 $0x108;
	_ =	swait.ge @!p0 [sflag:s8], $0x0  }
0x24: {  	s3 =	sadd.s32 $0x88, s3;
	s6 =	simm.s32 @!p1 $0x1082;
	[sflag:s4] =	ssyncset.s32 $0xFFFFF086  }
0x25: {  	[simem:s6], [sflag:s4] =	dma.local [hbm:s3], $0xF7A  }
0x26: {  	[smem:$0x3F8D] =	sst s1;
	(tag) =	ssettag s2;
	_ =	strace s9  }
0x27: {  	s1 =	sld [smem:$0x3F9D]  }
0x28: {  	s2 =	sld [smem:$0x3F9E]  }
0x29: {  	s4 =	sld [smem:$0x3FA0]  }
0x2a: {  	p0 =	seq.s32 s5, $0x0;
	s5 =	sld [smem:$0x3FA1]  }
0x2b: {  	s6 =	sld [smem:$0x3FA2]  }
0x2c: {  	s7 =	sld [smem:$0x3FA3]  }
0x2d: {  	s3 =	simm.s32 $0x108;
	s8 =	sld [smem:$0x3FA4]  }
0x2e: {  	s3 =	simm.s32 @!p0 $0x1082;
	s9 =	sld [smem:$0x3FA5]  }
0x2f: {  	lr =	sadd.s32 s0, s3;
	s0 =	sld [smem:$0x3F9C]  }
0x30: {  	s3 =	sld [smem:$0x3F9F]  }
0x31: {  	[smem:$0x3FA8] =	sst s10  }
0x32: {  	s10 =	sld [smem:$0x3FA6];
	_ =	sdelay $0x3  }
0x33: {  	p0 =	seq.s32 s10, $0x1;
	s10 =	sld [smem:$0x3FA8];
	_ =	sdelay $0x3  }
0x34: {  	[smem:$0x3FA8] =	sst s10  }
0x35: {  	s10 =	sld [smem:$0x3FA7];
	_ =	sdelay $0x3  }
0x36: {  	p1 =	seq.s32 s10, $0x1;
	s10 =	sld [smem:$0x3FA8];
	_ =	sdelay $0x3  }
0x37: {  	[smem:$0x3FA8] =	sst s10  }
0x38: {  	s10 =	sld [smem:$0x3FA9]  }
0x39: {  	_ = 	snop;
	(pc) =	sbr.ind lr, $3  }
0x3a: {  	_ = 	snop  }
0x3b: {  	_ = 	snop  }
0x3c: {  	p2 =	seq.s32 s10, $0x1;
	s10 =	sld [smem:$0x3FA8]  }
0x3d: {  	_ =	shalt  }
0x3e: {  	_ =	shalt  }
0x3f: {  	_ =	shalt  }
0x40: {  	_ =	shalt  }
0x41: {  	_ =	shalt  }
0x42: {  	_ =	shalt  }
0x43: {  	_ =	shalt  }
0x44: {  	_ =	shalt  }
0x45: {  	_ =	shalt  }
0x46: {  	_ =	shalt  }
0x47: {  	_ =	shalt  }
0x48: {  	_ =	shalt  }
0x49: {  	_ =	shalt  }
0x4a: {  	_ =	shalt  }
0x4b: {  	_ =	shalt  }
0x4c: {  	_ =	shalt  }
0x4d: {  	_ =	shalt  }
0x4e: {  	_ =	shalt  }
0x4f: {  	_ =	shalt  }
0x50: {  	_ =	shalt  }
0x51: {  	_ =	shalt  }
0x52: {  	_ =	shalt  }
0x53: {  	_ =	shalt  }
0x54: {  	_ =	shalt  }
0x55: {  	_ =	shalt  }
0x56: {  	_ =	shalt  }
0x57: {  	_ =	shalt  }
0x58: {  	_ =	shalt  }
0x59: {  	_ =	shalt  }
0x5a: {  	_ =	shalt  }
0x5b: {  	_ =	shalt  }
0x5c: {  	_ =	shalt  }
0x5d: {  	_ =	shalt  }
0x5e: {  	_ =	shalt  }
0x5f: {  	_ =	shalt  }
0x60: {  	_ =	shalt  }
0x61: {  	_ =	shalt  }
0x62: {  	_ =	shalt  }
0x63: {  	_ =	shalt  }
0x64: {  	_ =	shalt  }
0x65: {  	_ =	shalt  }
0x66: {  	_ =	shalt  }
0x67: {  	_ =	shalt  }
0x68: {  	_ =	shalt  }
0x69: {  	_ =	shalt  }
0x6a: {  	_ =	shalt  }
0x6b: {  	_ =	shalt  }
0x6c: {  	_ =	shalt  }
0x6d: {  	_ =	shalt  }
0x6e: {  	_ =	shalt  }
0x6f: {  	_ =	shalt  }
0x70: {  	_ =	shalt  }
0x71: {  	_ =	shalt  }
0x72: {  	_ =	shalt  }
0x73: {  	_ =	shalt  }
0x74: {  	_ =	shalt  }
0x75: {  	_ =	shalt  }
0x76: {  	_ =	shalt  }
0x77: {  	_ =	shalt  }
0x78: {  	_ =	shalt  }
0x79: {  	_ =	shalt  }
0x7a: {  	_ =	shalt  }
0x7b: {  	_ =	shalt  }
0x7c: {  	_ =	shalt  }
0x7d: {  	_ =	shalt  }
0x7e: {  	_ =	shalt  }
0x7f: {  	_ =	shalt  }
0x80: {  	_ =	shalt  }
0x81: {  	_ =	shalt  }
0x82: {  	_ =	shalt  }
0x83: {  	_ =	shalt  }
0x84: {  	_ =	shalt  }
0x85: {  	_ =	shalt  }
0x86: {  	_ =	shalt  }
0x87: {  	_ =	shalt  }
.Lfunc_end0:
.L_simem_size_0:
called_computation.3_lowered:
.L_overlay_start_0:
0x88: {  	s2 =	sld [smem:$0x3FD9]  }
0x89: {  	s3 =	sld [smem:$0x3FFE];
	_ =	sdelay $0x1  }
0x8a: {  	s1 =	srdreg.scid  }
0x8b: {  	s0 =	sand.u32 $0x1, s1  }
0x8c: {  	s16 =	sshll.u32 s0, $0xA;
	s2 =	sadd.s32 s3, s2  }
0x8d: {  	s2 =	sadd.s32 s2, s16  }
0x8e: {  	[smem:$0x3FB4] =	sst s2  }
0x8f: {  	_ = 	snop  }
0x90: {  	(tm) =	ssettm $0x1  }
0x91: {  	s17 =	sld [smem:$0x3FFB];
	_ =	sdelay $0x3  }
0x92: {  	_ =	strace s17  }
0x93: {  	s2 =	sld [smem:$0x3FFC];
	_ =	sdelay $0x3  }
0x94: {  	_ =	strace s2  }
0x95: {  	s2 =	sld [smem:$0x3FFD];
	_ =	sdelay $0x3  }
0x96: {  	_ =	strace s2  }
0x97: {  	_ =	strace $0x8FFFFFFF  }
0x98: {  	s18 =	sld [smem:$0x3FDB];
	_ =	sdelay $0x1  }
0x99: {  	s19 =	simm.s32 $_scs_section_size  }
0x9a: {  	s4 =	simm.s32 $_size__tile_overlayer_lowered;
	s5 =	simm.s32 $_tile_overlayer_lowered  }
0x9b: {  	s22 =	simm.s32 $0x1BFF;
	s21 =	sshll.u32 s5, $0x1;
	s2 =	sadd.s32 s19, s18  }
0x9c: {  	s6 =	simm.s32 $0x0;
	s20 =	sshll.u32 s4, $0x1;
	s4 =	sadd.s32 s21, s2  }
0x9d: {  	[timem:s6], [sflag:s22] =	dma.local [hbm:s4], s20  }
0x9e: {  	_ =	swait.ge [sflag:s22], s20  }
0x9f: {  	s3 =	ssub.s32 $0x0, s20;
	[sflag:s22] =	ssyncset.done $0x0  }
0xa0: {  	[sflag:s22] =	ssyncadd.s32 s3;
	_ =	sdelay $0x1  }
0xa1: {  	s23 =	simm.s32 $0x1B8B  }
0xa2: {  	_ =	swait.ge [sflag:s23], $0x1  }
0xa3: {  	[sflag:s23] =	ssyncset.done $0x0  }
0xa4: {  	s25 =	simm.s32 $0x1B8E;
	s24 =	sld [smem:$0x3FFE];
	[sflag:s23] =	ssyncadd.s32 $0xFFFFFFFF  }
0xa5: {  	s26 =	simm.s32 $execute0_lowered;
	[smem:$0x3FD2] =	sst s25  }
0xa6: {  	s4 =	sshll.u32 s26, $0x1;
	_ =	strace $0x8000004F;
	[dreg:$0x1] =	wrdreg $0xFFFFFFFF  }
0xa7: {  	s28 =	simm.s32 $_size_execute0_lowered;
	s2 =	sadd.s32 s2, s4;
	[dreg:$0x0] =	wrdreg $0x0  }
0xa8: {  	s4 =	sshll.u32 s28, $0x1;
	[dreg:$0x2] =	wrdreg s2  }
0xa9: {  	[dreg:$0x3] =	wrdreg s4  }
0xaa: {  	[dreg:$0x4] =	wrdreg $0xC0  }
0xab: {  	_ =	task [dreg:s6], $0x5FFFF  }
0xac: {  	[dreg:$0x1] =	wrdreg $0xFFFFFFFF  }
0xad: {  	[dreg:$0x0] =	wrdreg $0x60  }
0xae: {  	[dreg:$0x2] =	wrdreg s24  }
0xaf: {  	[dreg:$0x3] =	wrdreg $0xC0000  }
0xb0: {  	[dreg:$0x4] =	wrdreg $0x9  }
0xb1: {  	_ =	task.clear_ibuf [dreg:s6], $0x5FFFF;
	_ =	strace $0x9000004F  }
0xb2: {  	s29 =	simm.s32 $0x9;
	_ =	strace $0x80000051  }
0xb3: {  	_ =	swait.ge [sflag:s29], $0x1  }
0xb4: {  	[sflag:s29] =	ssyncadd.s32 $0xFFFFFFFF  }
0xb5: {  	_ =	strace $0x90000051  }
0xb6: {  	_ =	sfence  }
0xb7: {  	s30 =	sld [smem:$0x0];
	_ =	sdelay $0x2  }
0xb8: {  	s31 =	sshll.u32 s1, $0xD;
	s1 =	sshrl.u32 s1, $0x2  }
0xb9: {  	s3 =	sand.u32 $0x4000, s31;
	s1 =	sadd.s32 s1, s30  }
0xba: {  	s0 =	sor.u32 s3, s0;
	s1 =	sshll.u32 s1, $0x11  }
0xbb: {  	s0 =	sor.u32 s1, s0  }
0xbc: {  	s0 =	sadd.s32 $0x8F2B, s0  }
0xbd: {  	[sflag:s0] =	ssyncadd.remote.s32 $0x1  }
0xbe: {  	_ =	sfence.sel $0xFFFF  }
0xbf: {  	[dreg:$0x0] =	wrdreg $0xFFFFFFFF;
	(pc) =	sbr.abs _section_cstart, $3  }
0xc0: {  	[dreg:$0x1] =	wrdreg $0xFFFFFFFF  }
0xc1: {  	_ =	task.clear_ibuf [dreg:s6], $0x2FFFF;
	_ =	strace $0x9FFFFFFF  }
0xc2: {  	(tm) =	ssettm $0x7FFFFFFF  }
0xc3: {  	_ =	shalt  }
tec
execute0_lowered:
.L_overlay_start_1:
0x0: {  	(tag) =	ssettag $0x1  }
0x1: {  	s5 =	rddreg [dreg:$0x0]  }
0x2: {  	s2 =	rddreg [dreg:$0x1];
	s3 =	srdreg.scid  }
0x3: {  	s0 =	rddreg [dreg:$0x2];
	s1 =	stileid.u32  }
0x4: {  	s11 =	simm.s32 $0x3;
	s12 =	simm.s32 $0x2800;
	s13 =	simm.s32 $0x80  }
0x5: {  	s14 =	simm.s32 $0x5000;
	s15 =	simm.s32 $0x6000;
	s16 =	simm.s32 $0x1  }
0x6: {  	s17 =	simm.s32 $0x2;
	s6 =	sand.u32 $0x1, s3;
	s3 =	simm.s32 $0x0  }
0x7: {  	s7 =	smul.u32 $0x5000, s1;
	s18 =	sshll.u32 s1, $0x6;
	s4 =	sshll.u32 s6, $0x4  }
0x8: {  	[smem:$0x7FF] =	sst s3;
	s8 =	smul.u32 $0x50000, s6;
	s6 =	ssub.s32 $0x2, s6  }
0x9: {  	s18 =	sor.u32 $0x1C03, s18;
	s4 =	sor.u32 s1, s4;
	_ =	strace $0x80000050  }
0xa: {  	s10 =	sshrl.u32 s6, $0x1;
	s9 =	smul.u32 $0x500, s4;
	s8 =	sadd.s32 s7, s8  }
0xb: {  	s4 =	sadd.s32 $0x17E00, s5;
	s10 =	ssub.s32 s6, s10;
	s8 =	sshrl.u32 s8, $0x3  }
0xc: {  	s9 =	sadd.s32 s9, s5;
	s8 =	sadd.s32 s8, s5;
	s5 =	sadd.s32 s7, s2  }
0xd: {  	s6 =	sadd.s32 $0xDE00, s9;
	s7 =	sadd.s32 $0x3E00, s9;
	s8 =	sadd.s32 $0x21E00, s8  }
0xe: {  	v0 =	vimm.f32 $0.0e+00;
	s9 =	smax.u32 s10, $0x1;
	s10 =	simm.s32 $0x7000;
	s19 =	sshrl.u32 s5, $0x3  }
.LBB2_1:
0xf: {  	s20 =	simm.s32 $0x80;
	s21 =	simm.s32 $0x0  }
.LBB2_2:
0x10: {  	p0 =	sne.s32 s20, $0x13F80;
	[tilespmem:s21+$0x7000] =	vst v0;
	s22 =	smov.u32 s20;
	s20 =	sadd.s32 $0x80, s20  }
.Ltmp0:
0x11: {  	[tilespmem:s21+$0x7010] =	vst v0;
	(pc) =	sbr.rel @p0 .LBB2_2-.Ltmp0, $2  }
0x12: {  	_ =	sdelay $0x2  }
0x13: {  	s21 =	sshra.s32 s22, $0x2  }
0x14: {  	[tilespmem:s21+$0x7000] =	vst v0  }
0x15: {  	[tilespmem:s21+$0x7010] =	vst v0  }
0x16: {  	[spmem:s5] =	stream.linear.scatter [tilespmem:s10], [sflag:$0x3], $0x5000, $0x38;
	[tilespmem:$0x11000] =	vst v63  }
0x17: {  	_ =	swait.ge [sflag:s11], $0x5000  }
0x18: {  	[sflag:s11] =	ssyncset.done $0x0  }
0x19: {  	s20 =	simm.s32 $0x0;
	[sflag:s11] =	ssyncadd.s32 $0xFFFFB000  }
0x1a: {  	[tilespmem:s20], [sflag:$0x3] =	stream.linear.gather [hbm4b:s6+s20], $0x2800, $0x38;
	[tilespmem:$0x11000] =	vst v63  }
0x1b: {  	_ =	swait.ge [sflag:s11], $0x2800  }
0x1c: {  	[sflag:s11] =	ssyncset.done $0x0  }
0x1d: {  	[sflag:s11] =	ssyncadd.s32 $0xFFFFD800  }
0x1e: {  	[tilespmem:s12], [sflag:$0x3] =	stream.linear.gather [hbm4b:s7+s20], $0x2800, $0x38;
	[tilespmem:$0x11000] =	vst v63  }
0x1f: {  	_ =	swait.ge [sflag:s11], $0x2800  }
0x20: {  	[sflag:s11] =	ssyncset.done $0x0  }
0x21: {  	[sflag:s11] =	ssyncadd.s32 $0xFFFFD800  }
0x22: {  	s28 =	simm.s32 $0x0;
	[bflag:$0x0] =	sbarrier.arrive $0xFFFF  }
0x23: {  	[tilespmem:s14], [sflag:$0x1] =	stream.indirect.gather [hbm4b:s4+s13], $0x20, s28, s13, $0xb8;
	[tilespmem:$0x11000] =	vst v63  }
0x24: {  	s29 =	simm.s32 $0x80  }
0x25: {  	[tilespmem:s15], [sflag:$0x2] =	stream.indirect.gather [hbm4b:s4+s13], $0x20, s29, s13, $0xb8;
	[tilespmem:$0x11000] =	vst v63  }
0x26: {  	_ =	swait.ge [sflag:s16], $0x1000  }
0x27: {  	[sflag:s16] =	ssyncset.done $0x0  }
0x28: {  	s30 =	simm.s32 $0x2800;
	[sflag:s16] =	ssyncadd.s32 $0xFFFFF000  }
0x29: {  	[spmem:s2] =	stream.indirect.scatter.add.f32 [tilespmem:s14], [sflag:$0x3], $0x20, s30, s13, $0xb8;
	[tilespmem:$0x11000] =	vst v63  }
0x2a: {  	_ =	swait.ge [sflag:s11], $0x1000  }
0x2b: {  	[sflag:s11] =	ssyncset.done $0x0  }
0x2c: {  	[sflag:s11] =	ssyncadd.s32 $0xFFFFF000  }
0x2d: {  	_ =	swait.ge [sflag:s17], $0x1000  }
0x2e: {  	[sflag:s17] =	ssyncset.done $0x0  }
0x2f: {  	s31 =	simm.s32 $0x2880;
	[sflag:s17] =	ssyncadd.s32 $0xFFFFF000  }
0x30: {  	[spmem:s2] =	stream.indirect.scatter.add.f32 [tilespmem:s15], [sflag:$0x3], $0x20, s31, s13, $0xb8;
	[tilespmem:$0x11000] =	vst v63  }
0x31: {  	_ =	swait.ge [sflag:s11], $0x1000  }
0x32: {  	s21 =	simm.s32 $0x800;
	s20 =	simm.s32 $0x400;
	[sflag:s11] =	ssyncset.done $0x0  }
.LBB2_4:
0x33: {  	s22 =	sshra.s32 s20, $0x2  }
0x34: {  	[sflag:s11] =	ssyncadd.s32 $0xFFFFF000;
	s20 =	smov.u32 s21;
	s23 =	sadd.s32 $0x400, s21  }
0x35: {  	[tilespmem:s14], [sflag:$0x1] =	stream.indirect.gather [hbm4b:s4+s13], $0x20, s22, s13, $0xb8;
	[tilespmem:$0x11000] =	vst v63  }
0x36: {  	p0 =	sne.s32 s21, $0x9C00;
	s21 =	sadd.s32 $0x80, s22  }
0x37: {  	[tilespmem:s15], [sflag:$0x2] =	stream.indirect.gather [hbm4b:s4+s13], $0x20, s21, s13, $0xb8;
	[tilespmem:$0x11000] =	vst v63  }
0x38: {  	_ =	swait.ge [sflag:s16], $0x1000  }
0x39: {  	[sflag:s16] =	ssyncset.done $0x0  }
0x3a: {  	s21 =	sadd.s32 $0x2800, s22;
	[sflag:s16] =	ssyncadd.s32 $0xFFFFF000  }
0x3b: {  	[spmem:s2] =	stream.indirect.scatter.add.f32 [tilespmem:s14], [sflag:$0x3], $0x20, s21, s13, $0xb8;
	[tilespmem:$0x11000] =	vst v63  }
0x3c: {  	_ =	swait.ge [sflag:s11], $0x1000  }
0x3d: {  	[sflag:s11] =	ssyncset.done $0x0  }
0x3e: {  	[sflag:s11] =	ssyncadd.s32 $0xFFFFF000  }
0x3f: {  	_ =	swait.ge [sflag:s17], $0x1000  }
.Ltmp1:
0x40: {  	[sflag:s17] =	ssyncset.done $0x0;
	(pc) =	sbr.rel @p0 .LBB2_4-.Ltmp1, $4  }
0x41: {  	s21 =	sadd.s32 $0x2880, s22;
	[sflag:s17] =	ssyncadd.s32 $0xFFFFF000  }
0x42: {  	[spmem:s2] =	stream.indirect.scatter.add.f32 [tilespmem:s15], [sflag:$0x3], $0x20, s21, s13, $0xb8;
	[tilespmem:$0x11000] =	vst v63  }
0x43: {  	_ =	swait.ge [sflag:s11], $0x1000  }
0x44: {  	s21 =	smov.u32 s23;
	[sflag:s11] =	ssyncset.done $0x0  }
0x45: {  	s20 =	sshra.s32 s20, $0x2;
	[sflag:s11] =	ssyncadd.s32 $0xFFFFF000  }
0x46: {  	[tilespmem:s14], [sflag:$0x1] =	stream.indirect.gather [hbm4b:s4+s13], $0x20, s20, s13, $0xb8;
	[tilespmem:$0x11000] =	vst v63  }
0x47: {  	s21 =	sadd.s32 $0x80, s20  }
0x48: {  	[tilespmem:s15], [sflag:$0x2] =	stream.indirect.gather [hbm4b:s4+s13], $0x20, s21, s13, $0xb8;
	[tilespmem:$0x11000] =	vst v63  }
0x49: {  	_ =	swait.ge [sflag:s16], $0x1000  }
0x4a: {  	[sflag:s16] =	ssyncset.done $0x0  }
0x4b: {  	s31 =	sadd.s32 $0x2800, s20;
	[sflag:s16] =	ssyncadd.s32 $0xFFFFF000  }
0x4c: {  	[spmem:s2] =	stream.indirect.scatter.add.f32 [tilespmem:s14], [sflag:$0x3], $0x20, s31, s13, $0xb8;
	[tilespmem:$0x11000] =	vst v63  }
0x4d: {  	_ =	swait.ge [sflag:s11], $0x1000  }
0x4e: {  	[sflag:s11] =	ssyncset.done $0x0  }
0x4f: {  	[sflag:s11] =	ssyncadd.s32 $0xFFFFF000  }
0x50: {  	_ =	swait.ge [sflag:s17], $0x1000  }
0x51: {  	[sflag:s17] =	ssyncset.done $0x0  }
0x52: {  	s20 =	sadd.s32 $0x2880, s20;
	[sflag:s17] =	ssyncadd.s32 $0xFFFFF000  }
0x53: {  	[spmem:s2] =	stream.indirect.scatter.add.f32 [tilespmem:s15], [sflag:$0x3], $0x20, s20, s13, $0xb8;
	[tilespmem:$0x11000] =	vst v63  }
0x54: {  	_ =	swait.ge [sflag:s11], $0x1000  }
0x55: {  	s3 =	sadd.s32 $0x1, s3;
	[sflag:s11] =	ssyncset.done $0x0  }
0x56: {  	p0 =	sne.s32 s3, s9;
	[sflag:s11] =	ssyncadd.s32 $0xFFFFF000  }
.Ltmp2:
0x57: {  	[bflag:$0x0] =	sbarrier.arrive $0xFFFF;
	(pc) =	sbr.rel @p0 .LBB2_1-.Ltmp2, $4  }
0x58: {  	[hbm:s8], [sflag:s18] =	dma.local [spmem:s19], $0xA00  }
0x59: {  	_ =	swait.ge [sflag:s11], $0xA00  }
0x5a: {  	[sflag:s11] =	ssyncset.done $0x0  }
0x5b: {  	[sflag:s11] =	ssyncadd.s32 $0xFFFFF600  }
0x5c: {  	_ =	sfence.sel $0x180000  }
0x5d: {  	[bflag:$0x0] =	sbarrier.arrive $0xFFFF  }
0x5e: {  	p0 =	sne.s32 s1, $0x0;
	_ =	strace $0x90000050  }
0x5f: {  	s0 =	sadd.s32 @!p0 $0x100000, s0;
	[bflag:$0x2] =	sbarrier.arrive $0xFFFF  }
0x60: {  	[sflag:s0] =	ssyncadd.tile.s32 @!p0 $0x1;
	_ =	shalt  }
.Lfunc_end2:
_tile_overlayer_lowered:
.L_overlay_start_2:
0x61: {  	(tag) =	ssettag $0x2  }
0x62: {  	s0 =	rddreg [dreg:$0x0];
	s2 =	stileid.u32  }
0x63: {  	s1 =	rddreg [dreg:$0x1];
	p0 =	sne.s32 s2, $0x0  }
0x64: {  	s3 =	rddreg [dreg:$0x2];
	[bflag:$0x3] =	sbarrier.arrive $0xFFFF;
	s2 =	simm.s32 @!p0 $0x1C03  }
0x65: {  	[timem:s3], [sflag:s2] =	dma.local @!p0 [hbm:s0], s1  }
0x66: {  	s0 =	simm.s32 @!p0 $0x3  }
0x67: {  	_ =	swait.ge @!p0 [sflag:s0], s1  }
0x68: {  	s1 =	ssub.s32 @!p0 $0x0, s1;
	[sflag:s0] =	ssyncset.done @!p0 $0x0  }
0x69: {  	[sflag:s0] =	ssyncadd.s32 @!p0 s1  }
0x6a: {  	[bflag:$0x3] =	sbarrier.arrive $0xFFFF  }
0x6b: {  	_ =	shalt  }

// kernel: kernel.27.cloned.1.call-start
scs
__scs_entry_jumppad:
0x0: {  	(pc) =	sbr.rel $0x88, $3  }
0x1: {  	(tag) =	ssettag $0x0;
	lr =	simm.s32 $0x1  }
0x2: {  	[smem:$0x3F8D] =	sst lr;
	_ =	strace $0xD0000000  }
0x3: {  	_ = 	snop  }
0x4: {  	_ = 	snop  }
0x5: {  	_ = 	snop  }
0x6: {  	_ = 	snop  }
0x7: {  	_ = 	snop  }
__scs_overlays_trampoline_lowered:
0x8: {  	[smem:$0x3F9C] =	sst s0  }
0x9: {  	[smem:$0x3F9D] =	sst s1  }
0xa: {  	[smem:$0x3F9E] =	sst s2  }
0xb: {  	[smem:$0x3F9F] =	sst s3  }
0xc: {  	[smem:$0x3FA0] =	sst s4  }
0xd: {  	[smem:$0x3FA1] =	sst s5  }
0xe: {  	[smem:$0x3FA2] =	sst s6  }
0xf: {  	[smem:$0x3FA3] =	sst s7  }
0x10: {  	[smem:$0x3FA4] =	sst s8  }
0x11: {  	[smem:$0x3FA5] =	sst s9;
	s0 =	simm.s32 @!p0 $0x0  }
0x12: {  	s1 =	sld [smem:$0x3F8B];
	s0 =	simm.s32 @p0 $0x1  }
0x13: {  	[smem:$0x3FA6] =	sst s0;
	s0 =	simm.s32 @!p1 $0x0  }
0x14: {  	s2 =	sld [smem:$0x3F8A];
	s0 =	simm.s32 @p1 $0x1  }
0x15: {  	[smem:$0x3FA7] =	sst s0;
	s0 =	simm.s32 @!p2 $0x0  }
0x16: {  	s3 =	sld [smem:$0x3FDB];
	s0 =	simm.s32 @p2 $0x1  }
0x17: {  	s4 =	simm.s32 $0x1BF5;
	[smem:$0x3FA9] =	sst s0  }
0x18: {  	s0 =	sld [smem:$0x3F8C];
	_ =	swait.ge [sflag:s4], $0x0  }
0x19: {  	s7 =	sld [smem:$0x3F8D]  }
0x1a: {  	s8 =	sadd.s32 $0xFFFFE003, lr  }
0x1b: {  	s9 =	sadd.s32 $0xFFFFFEF7, lr;
	s5 =	simm.s32 $0xFFFFFFFF;
	p2 =	slt.u32 s8, $0xFFFFF086  }
0x1c: {  	p1 =	slt.u32 s9, $0xF7A;
	s5 =	simm.s32 @!p2 $0x0  }
0x1d: {  	s5 =	simm.s32 @p1 $0x1;
	p0 =	seq.s32 s7, s2  }
0x1e: {  	s7 =	smul.u32 @!p0 $0xF7A, s2;
	p2 =	seq.s32 @!p0 s5, $0x0  }
0x1f: {  	s9 =	smul.u32 $0xF7A, s1;
	s8 =	simm.s32 @!p0 $0x1BF5;
	p2 =	por !p2, p0  }
0x20: {  	[sflag:s8] =	ssyncset.s32 @!p0 $0xFFFFF086;
	s6 =	sadd.s32 @!p0 s3, s7;
	s7 =	simm.s32 @!p0 $0x108  }
0x21: {  	s3 =	sadd.s32 s3, s9;
	s6 =	sadd.s32 @!p0 $0x88, s6;
	s7 =	simm.s32 @p2 $0x1082  }
0x22: {  	[simem:s7], [sflag:s8] =	dma.local @!p0 [hbm:s6], $0xF7A  }
0x23: {  	s9 =	sor.u32 $0xD0000000, s2;
	s6 =	simm.s32 $0x108;
	_ =	swait.ge @!p0 [sflag:s8], $0x0  }
0x24: {  	s3 =	sadd.s32 $0x88, s3;
	s6 =	simm.s32 @!p1 $0x1082;
	[sflag:s4] =	ssyncset.s32 $0xFFFFF086  }
0x25: {  	[simem:s6], [sflag:s4] =	dma.local [hbm:s3], $0xF7A  }
0x26: {  	[smem:$0x3F8D] =	sst s1;
	(tag) =	ssettag s2;
	_ =	strace s9  }
0x27: {  	s1 =	sld [smem:$0x3F9D]  }
0x28: {  	s2 =	sld [smem:$0x3F9E]  }
0x29: {  	s4 =	sld [smem:$0x3FA0]  }
0x2a: {  	p0 =	seq.s32 s5, $0x0;
	s5 =	sld [smem:$0x3FA1]  }
0x2b: {  	s6 =	sld [smem:$0x3FA2]  }
0x2c: {  	s7 =	sld [smem:$0x3FA3]  }
0x2d: {  	s3 =	simm.s32 $0x108;
	s8 =	sld [smem:$0x3FA4]  }
0x2e: {  	s3 =	simm.s32 @!p0 $0x1082;
	s9 =	sld [smem:$0x3FA5]  }
0x2f: {  	lr =	sadd.s32 s0, s3;
	s0 =	sld [smem:$0x3F9C]  }
0x30: {  	s3 =	sld [smem:$0x3F9F]  }
0x31: {  	[smem:$0x3FA8] =	sst s10  }
0x32: {  	s10 =	sld [smem:$0x3FA6];
	_ =	sdelay $0x3  }
0x33: {  	p0 =	seq.s32 s10, $0x1;
	s10 =	sld [smem:$0x3FA8];
	_ =	sdelay $0x3  }
0x34: {  	[smem:$0x3FA8] =	sst s10  }
0x35: {  	s10 =	sld [smem:$0x3FA7];
	_ =	sdelay $0x3  }
0x36: {  	p1 =	seq.s32 s10, $0x1;
	s10 =	sld [smem:$0x3FA8];
	_ =	sdelay $0x3  }
0x37: {  	[smem:$0x3FA8] =	sst s10  }
0x38: {  	s10 =	sld [smem:$0x3FA9]  }
0x39: {  	_ = 	snop;
	(pc) =	sbr.ind lr, $3  }
0x3a: {  	_ = 	snop  }
0x3b: {  	_ = 	snop  }
0x3c: {  	p2 =	seq.s32 s10, $0x1;
	s10 =	sld [smem:$0x3FA8]  }
0x3d: {  	_ =	shalt  }
0x3e: {  	_ =	shalt  }
0x3f: {  	_ =	shalt  }
0x40: {  	_ =	shalt  }
0x41: {  	_ =	shalt  }
0x42: {  	_ =	shalt  }
0x43: {  	_ =	shalt  }
0x44: {  	_ =	shalt  }
0x45: {  	_ =	shalt  }
0x46: {  	_ =	shalt  }
0x47: {  	_ =	shalt  }
0x48: {  	_ =	shalt  }
0x49: {  	_ =	shalt  }
0x4a: {  	_ =	shalt  }
0x4b: {  	_ =	shalt  }
0x4c: {  	_ =	shalt  }
0x4d: {  	_ =	shalt  }
0x4e: {  	_ =	shalt  }
0x4f: {  	_ =	shalt  }
0x50: {  	_ =	shalt  }
0x51: {  	_ =	shalt  }
0x52: {  	_ =	shalt  }
0x53: {  	_ =	shalt  }
0x54: {  	_ =	shalt  }
0x55: {  	_ =	shalt  }
0x56: {  	_ =	shalt  }
0x57: {  	_ =	shalt  }
0x58: {  	_ =	shalt  }
0x59: {  	_ =	shalt  }
0x5a: {  	_ =	shalt  }
0x5b: {  	_ =	shalt  }
0x5c: {  	_ =	shalt  }
0x5d: {  	_ =	shalt  }
0x5e: {  	_ =	shalt  }
0x5f: {  	_ =	shalt  }
0x60: {  	_ =	shalt  }
0x61: {  	_ =	shalt  }
0x62: {  	_ =	shalt  }
0x63: {  	_ =	shalt  }
0x64: {  	_ =	shalt  }
0x65: {  	_ =	shalt  }
0x66: {  	_ =	shalt  }
0x67: {  	_ =	shalt  }
0x68: {  	_ =	shalt  }
0x69: {  	_ =	shalt  }
0x6a: {  	_ =	shalt  }
0x6b: {  	_ =	shalt  }
0x6c: {  	_ =	shalt  }
0x6d: {  	_ =	shalt  }
0x6e: {  	_ =	shalt  }
0x6f: {  	_ =	shalt  }
0x70: {  	_ =	shalt  }
0x71: {  	_ =	shalt  }
0x72: {  	_ =	shalt  }
0x73: {  	_ =	shalt  }
0x74: {  	_ =	shalt  }
0x75: {  	_ =	shalt  }
0x76: {  	_ =	shalt  }
0x77: {  	_ =	shalt  }
0x78: {  	_ =	shalt  }
0x79: {  	_ =	shalt  }
0x7a: {  	_ =	shalt  }
0x7b: {  	_ =	shalt  }
0x7c: {  	_ =	shalt  }
0x7d: {  	_ =	shalt  }
0x7e: {  	_ =	shalt  }
0x7f: {  	_ =	shalt  }
0x80: {  	_ =	shalt  }
0x81: {  	_ =	shalt  }
0x82: {  	_ =	shalt  }
0x83: {  	_ =	shalt  }
0x84: {  	_ =	shalt  }
0x85: {  	_ =	shalt  }
0x86: {  	_ =	shalt  }
0x87: {  	_ =	shalt  }
.Lfunc_end0:
.L_simem_size_0:
called_computation.4_lowered:
.L_overlay_start_0:
0x88: {  	s2 =	sld [smem:$0x3FD9]  }
0x89: {  	s3 =	sld [smem:$0x3FFE];
	_ =	sdelay $0x1  }
0x8a: {  	s1 =	srdreg.scid  }
0x8b: {  	s0 =	sand.u32 $0x1, s1  }
0x8c: {  	s16 =	sshll.u32 s0, $0xA;
	s2 =	sadd.s32 s3, s2  }
0x8d: {  	s2 =	sadd.s32 s2, s16  }
0x8e: {  	[smem:$0x3FB4] =	sst s2  }
0x8f: {  	_ = 	snop  }
0x90: {  	(tm) =	ssettm $0x1  }
0x91: {  	s17 =	sld [smem:$0x3FFB];
	_ =	sdelay $0x3  }
0x92: {  	_ =	strace s17  }
0x93: {  	s2 =	sld [smem:$0x3FFC];
	_ =	sdelay $0x3  }
0x94: {  	_ =	strace s2  }
0x95: {  	s2 =	sld [smem:$0x3FFD];
	_ =	sdelay $0x3  }
0x96: {  	_ =	strace s2  }
0x97: {  	_ =	strace $0x8FFFFFFF  }
0x98: {  	s18 =	sld [smem:$0x3FDB];
	_ =	sdelay $0x1  }
0x99: {  	s19 =	simm.s32 $_scs_section_size  }
0x9a: {  	s4 =	simm.s32 $_size__tile_overlayer_lowered;
	s5 =	simm.s32 $_tile_overlayer_lowered  }
0x9b: {  	s22 =	simm.s32 $0x1BFF;
	s21 =	sshll.u32 s5, $0x1;
	s2 =	sadd.s32 s19, s18  }
0x9c: {  	s6 =	simm.s32 $0x0;
	s20 =	sshll.u32 s4, $0x1;
	s4 =	sadd.s32 s21, s2  }
0x9d: {  	[timem:s6], [sflag:s22] =	dma.local [hbm:s4], s20  }
0x9e: {  	_ =	swait.ge [sflag:s22], s20  }
0x9f: {  	s3 =	ssub.s32 $0x0, s20;
	[sflag:s22] =	ssyncset.done $0x0  }
0xa0: {  	[sflag:s22] =	ssyncadd.s32 s3;
	_ =	sdelay $0x1  }
0xa1: {  	s23 =	simm.s32 $0x1B8B  }
0xa2: {  	_ =	swait.ge [sflag:s23], $0x1  }
0xa3: {  	[sflag:s23] =	ssyncset.done $0x0  }
0xa4: {  	s25 =	simm.s32 $0x1B8E;
	s24 =	sld [smem:$0x3FFE];
	[sflag:s23] =	ssyncadd.s32 $0xFFFFFFFF  }
0xa5: {  	s26 =	simm.s32 $execute0_lowered;
	[smem:$0x3FD2] =	sst s25  }
0xa6: {  	s4 =	sshll.u32 s26, $0x1;
	_ =	strace $0x80000052;
	[dreg:$0x1] =	wrdreg $0xFFFFFFFF  }
0xa7: {  	s28 =	simm.s32 $_size_execute0_lowered;
	s2 =	sadd.s32 s2, s4;
	[dreg:$0x0] =	wrdreg $0x0  }
0xa8: {  	s4 =	sshll.u32 s28, $0x1;
	[dreg:$0x2] =	wrdreg s2  }
0xa9: {  	[dreg:$0x3] =	wrdreg s4  }
0xaa: {  	[dreg:$0x4] =	wrdreg $0xC0  }
0xab: {  	_ =	task [dreg:s6], $0x5FFFF  }
0xac: {  	[dreg:$0x1] =	wrdreg $0xFFFFFFFF  }
0xad: {  	[dreg:$0x0] =	wrdreg $0x60  }
0xae: {  	[dreg:$0x2] =	wrdreg s24  }
0xaf: {  	[dreg:$0x3] =	wrdreg $0xC0000  }
0xb0: {  	[dreg:$0x4] =	wrdreg $0x9  }
0xb1: {  	_ =	task.clear_ibuf [dreg:s6], $0x5FFFF;
	_ =	strace $0x90000052  }
0xb2: {  	s29 =	simm.s32 $0x9;
	_ =	strace $0x80000054  }
0xb3: {  	_ =	swait.ge [sflag:s29], $0x1  }
0xb4: {  	[sflag:s29] =	ssyncadd.s32 $0xFFFFFFFF  }
0xb5: {  	_ =	strace $0x90000054  }
0xb6: {  	_ =	sfence  }
0xb7: {  	s30 =	sld [smem:$0x0];
	_ =	sdelay $0x2  }
0xb8: {  	s31 =	sshll.u32 s1, $0xD;
	s1 =	sshrl.u32 s1, $0x2  }
0xb9: {  	s3 =	sand.u32 $0x4000, s31;
	s1 =	sadd.s32 s1, s30  }
0xba: {  	s0 =	sor.u32 s3, s0;
	s1 =	sshll.u32 s1, $0x11  }
0xbb: {  	s0 =	sor.u32 s1, s0  }
0xbc: {  	s0 =	sadd.s32 $0x8F2B, s0  }
0xbd: {  	[sflag:s0] =	ssyncadd.remote.s32 $0x1  }
0xbe: {  	_ =	sfence.sel $0xFFFF  }
0xbf: {  	[dreg:$0x0] =	wrdreg $0xFFFFFFFF;
	(pc) =	sbr.abs _section_cstart, $3  }
0xc0: {  	[dreg:$0x1] =	wrdreg $0xFFFFFFFF  }
0xc1: {  	_ =	task.clear_ibuf [dreg:s6], $0x2FFFF;
	_ =	strace $0x9FFFFFFF  }
0xc2: {  	(tm) =	ssettm $0x7FFFFFFF  }
0xc3: {  	_ =	shalt  }
tec
execute0_lowered:
.L_overlay_start_1:
0x0: {  	(tag) =	ssettag $0x1  }
0x1: {  	s5 =	rddreg [dreg:$0x0]  }
0x2: {  	s2 =	rddreg [dreg:$0x1];
	s3 =	srdreg.scid  }
0x3: {  	s0 =	rddreg [dreg:$0x2];
	s1 =	stileid.u32  }
0x4: {  	s11 =	simm.s32 $0x3;
	s12 =	simm.s32 $0x2800;
	s13 =	simm.s32 $0x80  }
0x5: {  	s14 =	simm.s32 $0x5000;
	s15 =	simm.s32 $0x6000;
	s16 =	simm.s32 $0x1  }
0x6: {  	s17 =	simm.s32 $0x2;
	s6 =	sand.u32 $0x1, s3;
	s3 =	simm.s32 $0x0  }
0x7: {  	s7 =	smul.u32 $0x5000, s1;
	s18 =	sshll.u32 s1, $0x6;
	s4 =	sshll.u32 s6, $0x4  }
0x8: {  	[smem:$0x7FF] =	sst s3;
	s8 =	smul.u32 $0x50000, s6;
	s6 =	ssub.s32 $0x2, s6  }
0x9: {  	s18 =	sor.u32 $0x1C03, s18;
	s4 =	sor.u32 s1, s4;
	_ =	strace $0x80000053  }
0xa: {  	s10 =	sshrl.u32 s6, $0x1;
	s9 =	smul.u32 $0x500, s4;
	s8 =	sadd.s32 s7, s8  }
0xb: {  	s4 =	sadd.s32 $0x17E00, s5;
	s10 =	ssub.s32 s6, s10;
	s8 =	sshrl.u32 s8, $0x3  }
0xc: {  	s9 =	sadd.s32 s9, s5;
	s8 =	sadd.s32 s8, s5;
	s5 =	sadd.s32 s7, s2  }
0xd: {  	s6 =	sadd.s32 $0xDE00, s9;
	s7 =	sadd.s32 $0x3E00, s9;
	s8 =	sadd.s32 $0x21E00, s8  }
0xe: {  	v0 =	vimm.f32 $0.0e+00;
	s9 =	smax.u32 s10, $0x1;
	s10 =	simm.s32 $0x7000;
	s19 =	sshrl.u32 s5, $0x3  }
.LBB2_1:
0xf: {  	s20 =	simm.s32 $0x80;
	s21 =	simm.s32 $0x0  }
.LBB2_2:
0x10: {  	p0 =	sne.s32 s20, $0x13F80;
	[tilespmem:s21+$0x7000] =	vst v0;
	s22 =	smov.u32 s20;
	s20 =	sadd.s32 $0x80, s20  }
.Ltmp0:
0x11: {  	[tilespmem:s21+$0x7010] =	vst v0;
	(pc) =	sbr.rel @p0 .LBB2_2-.Ltmp0, $2  }
0x12: {  	_ =	sdelay $0x2  }
0x13: {  	s21 =	sshra.s32 s22, $0x2  }
0x14: {  	[tilespmem:s21+$0x7000] =	vst v0  }
0x15: {  	[tilespmem:s21+$0x7010] =	vst v0  }
0x16: {  	[spmem:s5] =	stream.linear.scatter [tilespmem:s10], [sflag:$0x3], $0x5000, $0x38;
	[tilespmem:$0x11000] =	vst v63  }
0x17: {  	_ =	swait.ge [sflag:s11], $0x5000  }
0x18: {  	[sflag:s11] =	ssyncset.done $0x0  }
0x19: {  	s20 =	simm.s32 $0x0;
	[sflag:s11] =	ssyncadd.s32 $0xFFFFB000  }
0x1a: {  	[tilespmem:s20], [sflag:$0x3] =	stream.linear.gather [hbm4b:s6+s20], $0x2800, $0x38;
	[tilespmem:$0x11000] =	vst v63  }
0x1b: {  	_ =	swait.ge [sflag:s11], $0x2800  }
0x1c: {  	[sflag:s11] =	ssyncset.done $0x0  }
0x1d: {  	[sflag:s11] =	ssyncadd.s32 $0xFFFFD800  }
0x1e: {  	[tilespmem:s12], [sflag:$0x3] =	stream.linear.gather [hbm4b:s7+s20], $0x2800, $0x38;
	[tilespmem:$0x11000] =	vst v63  }
0x1f: {  	_ =	swait.ge [sflag:s11], $0x2800  }
0x20: {  	[sflag:s11] =	ssyncset.done $0x0  }
0x21: {  	[sflag:s11] =	ssyncadd.s32 $0xFFFFD800  }
0x22: {  	s28 =	simm.s32 $0x0;
	[bflag:$0x0] =	sbarrier.arrive $0xFFFF  }
0x23: {  	[tilespmem:s14], [sflag:$0x1] =	stream.indirect.gather [hbm4b:s4+s13], $0x20, s28, s13, $0xb8;
	[tilespmem:$0x11000] =	vst v63  }
0x24: {  	s29 =	simm.s32 $0x80  }
0x25: {  	[tilespmem:s15], [sflag:$0x2] =	stream.indirect.gather [hbm4b:s4+s13], $0x20, s29, s13, $0xb8;
	[tilespmem:$0x11000] =	vst v63  }
0x26: {  	_ =	swait.ge [sflag:s16], $0x1000  }
0x27: {  	[sflag:s16] =	ssyncset.done $0x0  }
0x28: {  	s30 =	simm.s32 $0x2800;
	[sflag:s16] =	ssyncadd.s32 $0xFFFFF000  }
0x29: {  	[spmem:s2] =	stream.indirect.scatter.add.f32 [tilespmem:s14], [sflag:$0x3], $0x20, s30, s13, $0xb8;
	[tilespmem:$0x11000] =	vst v63  }
0x2a: {  	_ =	swait.ge [sflag:s11], $0x1000  }
0x2b: {  	[sflag:s11] =	ssyncset.done $0x0  }
0x2c: {  	[sflag:s11] =	ssyncadd.s32 $0xFFFFF000  }
0x2d: {  	_ =	swait.ge [sflag:s17], $0x1000  }
0x2e: {  	[sflag:s17] =	ssyncset.done $0x0  }
0x2f: {  	s31 =	simm.s32 $0x2880;
	[sflag:s17] =	ssyncadd.s32 $0xFFFFF000  }
0x30: {  	[spmem:s2] =	stream.indirect.scatter.add.f32 [tilespmem:s15], [sflag:$0x3], $0x20, s31, s13, $0xb8;
	[tilespmem:$0x11000] =	vst v63  }
0x31: {  	_ =	swait.ge [sflag:s11], $0x1000  }
0x32: {  	s21 =	simm.s32 $0x800;
	s20 =	simm.s32 $0x400;
	[sflag:s11] =	ssyncset.done $0x0  }
.LBB2_4:
0x33: {  	s22 =	sshra.s32 s20, $0x2  }
0x34: {  	[sflag:s11] =	ssyncadd.s32 $0xFFFFF000;
	s20 =	smov.u32 s21;
	s23 =	sadd.s32 $0x400, s21  }
0x35: {  	[tilespmem:s14], [sflag:$0x1] =	stream.indirect.gather [hbm4b:s4+s13], $0x20, s22, s13, $0xb8;
	[tilespmem:$0x11000] =	vst v63  }
0x36: {  	p0 =	sne.s32 s21, $0x9C00;
	s21 =	sadd.s32 $0x80, s22  }
0x37: {  	[tilespmem:s15], [sflag:$0x2] =	stream.indirect.gather [hbm4b:s4+s13], $0x20, s21, s13, $0xb8;
	[tilespmem:$0x11000] =	vst v63  }
0x38: {  	_ =	swait.ge [sflag:s16], $0x1000  }
0x39: {  	[sflag:s16] =	ssyncset.done $0x0  }
0x3a: {  	s21 =	sadd.s32 $0x2800, s22;
	[sflag:s16] =	ssyncadd.s32 $0xFFFFF000  }
0x3b: {  	[spmem:s2] =	stream.indirect.scatter.add.f32 [tilespmem:s14], [sflag:$0x3], $0x20, s21, s13, $0xb8;
	[tilespmem:$0x11000] =	vst v63  }
0x3c: {  	_ =	swait.ge [sflag:s11], $0x1000  }
0x3d: {  	[sflag:s11] =	ssyncset.done $0x0  }
0x3e: {  	[sflag:s11] =	ssyncadd.s32 $0xFFFFF000  }
0x3f: {  	_ =	swait.ge [sflag:s17], $0x1000  }
.Ltmp1:
0x40: {  	[sflag:s17] =	ssyncset.done $0x0;
	(pc) =	sbr.rel @p0 .LBB2_4-.Ltmp1, $4  }
0x41: {  	s21 =	sadd.s32 $0x2880, s22;
	[sflag:s17] =	ssyncadd.s32 $0xFFFFF000  }
0x42: {  	[spmem:s2] =	stream.indirect.scatter.add.f32 [tilespmem:s15], [sflag:$0x3], $0x20, s21, s13, $0xb8;
	[tilespmem:$0x11000] =	vst v63  }
0x43: {  	_ =	swait.ge [sflag:s11], $0x1000  }
0x44: {  	s21 =	smov.u32 s23;
	[sflag:s11] =	ssyncset.done $0x0  }
0x45: {  	s20 =	sshra.s32 s20, $0x2;
	[sflag:s11] =	ssyncadd.s32 $0xFFFFF000  }
0x46: {  	[tilespmem:s14], [sflag:$0x1] =	stream.indirect.gather [hbm4b:s4+s13], $0x20, s20, s13, $0xb8;
	[tilespmem:$0x11000] =	vst v63  }
0x47: {  	s21 =	sadd.s32 $0x80, s20  }
0x48: {  	[tilespmem:s15], [sflag:$0x2] =	stream.indirect.gather [hbm4b:s4+s13], $0x20, s21, s13, $0xb8;
	[tilespmem:$0x11000] =	vst v63  }
0x49: {  	_ =	swait.ge [sflag:s16], $0x1000  }
0x4a: {  	[sflag:s16] =	ssyncset.done $0x0  }
0x4b: {  	s31 =	sadd.s32 $0x2800, s20;
	[sflag:s16] =	ssyncadd.s32 $0xFFFFF000  }
0x4c: {  	[spmem:s2] =	stream.indirect.scatter.add.f32 [tilespmem:s14], [sflag:$0x3], $0x20, s31, s13, $0xb8;
	[tilespmem:$0x11000] =	vst v63  }
0x4d: {  	_ =	swait.ge [sflag:s11], $0x1000  }
0x4e: {  	[sflag:s11] =	ssyncset.done $0x0  }
0x4f: {  	[sflag:s11] =	ssyncadd.s32 $0xFFFFF000  }
0x50: {  	_ =	swait.ge [sflag:s17], $0x1000  }
0x51: {  	[sflag:s17] =	ssyncset.done $0x0  }
0x52: {  	s20 =	sadd.s32 $0x2880, s20;
	[sflag:s17] =	ssyncadd.s32 $0xFFFFF000  }
0x53: {  	[spmem:s2] =	stream.indirect.scatter.add.f32 [tilespmem:s15], [sflag:$0x3], $0x20, s20, s13, $0xb8;
	[tilespmem:$0x11000] =	vst v63  }
0x54: {  	_ =	swait.ge [sflag:s11], $0x1000  }
0x55: {  	s3 =	sadd.s32 $0x1, s3;
	[sflag:s11] =	ssyncset.done $0x0  }
0x56: {  	p0 =	sne.s32 s3, s9;
	[sflag:s11] =	ssyncadd.s32 $0xFFFFF000  }
.Ltmp2:
0x57: {  	[bflag:$0x0] =	sbarrier.arrive $0xFFFF;
	(pc) =	sbr.rel @p0 .LBB2_1-.Ltmp2, $4  }
0x58: {  	[hbm:s8], [sflag:s18] =	dma.local [spmem:s19], $0xA00  }
0x59: {  	_ =	swait.ge [sflag:s11], $0xA00  }
0x5a: {  	[sflag:s11] =	ssyncset.done $0x0  }
0x5b: {  	[sflag:s11] =	ssyncadd.s32 $0xFFFFF600  }
0x5c: {  	_ =	sfence.sel $0x180000  }
0x5d: {  	[bflag:$0x0] =	sbarrier.arrive $0xFFFF  }
0x5e: {  	p0 =	sne.s32 s1, $0x0;
	_ =	strace $0x90000053  }
0x5f: {  	s0 =	sadd.s32 @!p0 $0x100000, s0;
	[bflag:$0x2] =	sbarrier.arrive $0xFFFF  }
0x60: {  	[sflag:s0] =	ssyncadd.tile.s32 @!p0 $0x1;
	_ =	shalt  }
.Lfunc_end2:
_tile_overlayer_lowered:
.L_overlay_start_2:
0x61: {  	(tag) =	ssettag $0x2  }
0x62: {  	s0 =	rddreg [dreg:$0x0];
	s2 =	stileid.u32  }
0x63: {  	s1 =	rddreg [dreg:$0x1];
	p0 =	sne.s32 s2, $0x0  }
0x64: {  	s3 =	rddreg [dreg:$0x2];
	[bflag:$0x3] =	sbarrier.arrive $0xFFFF;
	s2 =	simm.s32 @!p0 $0x1C03  }
0x65: {  	[timem:s3], [sflag:s2] =	dma.local @!p0 [hbm:s0], s1  }
0x66: {  	s0 =	simm.s32 @!p0 $0x3  }
0x67: {  	_ =	swait.ge @!p0 [sflag:s0], s1  }
0x68: {  	s1 =	ssub.s32 @!p0 $0x0, s1;
	[sflag:s0] =	ssyncset.done @!p0 $0x0  }
0x69: {  	[sflag:s0] =	ssyncadd.s32 @!p0 s1  }
0x6a: {  	[bflag:$0x3] =	sbarrier.arrive $0xFFFF  }
0x6b: {  	_ =	shalt  }

// kernel: kernel.30.cloned.1.call-start
scs
__scs_entry_jumppad:
0x0: {  	(pc) =	sbr.rel $0x88, $3  }
0x1: {  	(tag) =	ssettag $0x0;
	lr =	simm.s32 $0x1  }
0x2: {  	[smem:$0x3F8D] =	sst lr;
	_ =	strace $0xD0000000  }
0x3: {  	_ = 	snop  }
0x4: {  	_ = 	snop  }
0x5: {  	_ = 	snop  }
0x6: {  	_ = 	snop  }
0x7: {  	_ = 	snop  }
__scs_overlays_trampoline_lowered:
0x8: {  	[smem:$0x3F9C] =	sst s0  }
0x9: {  	[smem:$0x3F9D] =	sst s1  }
0xa: {  	[smem:$0x3F9E] =	sst s2  }
0xb: {  	[smem:$0x3F9F] =	sst s3  }
0xc: {  	[smem:$0x3FA0] =	sst s4  }
0xd: {  	[smem:$0x3FA1] =	sst s5  }
0xe: {  	[smem:$0x3FA2] =	sst s6  }
0xf: {  	[smem:$0x3FA3] =	sst s7  }
0x10: {  	[smem:$0x3FA4] =	sst s8  }
0x11: {  	[smem:$0x3FA5] =	sst s9;
	s0 =	simm.s32 @!p0 $0x0  }
0x12: {  	s1 =	sld [smem:$0x3F8B];
	s0 =	simm.s32 @p0 $0x1  }
0x13: {  	[smem:$0x3FA6] =	sst s0;
	s0 =	simm.s32 @!p1 $0x0  }
0x14: {  	s2 =	sld [smem:$0x3F8A];
	s0 =	simm.s32 @p1 $0x1  }
0x15: {  	[smem:$0x3FA7] =	sst s0;
	s0 =	simm.s32 @!p2 $0x0  }
0x16: {  	s3 =	sld [smem:$0x3FDB];
	s0 =	simm.s32 @p2 $0x1  }
0x17: {  	s4 =	simm.s32 $0x1BF5;
	[smem:$0x3FA9] =	sst s0  }
0x18: {  	s0 =	sld [smem:$0x3F8C];
	_ =	swait.ge [sflag:s4], $0x0  }
0x19: {  	s7 =	sld [smem:$0x3F8D]  }
0x1a: {  	s8 =	sadd.s32 $0xFFFFE003, lr  }
0x1b: {  	s9 =	sadd.s32 $0xFFFFFEF7, lr;
	s5 =	simm.s32 $0xFFFFFFFF;
	p2 =	slt.u32 s8, $0xFFFFF086  }
0x1c: {  	p1 =	slt.u32 s9, $0xF7A;
	s5 =	simm.s32 @!p2 $0x0  }
0x1d: {  	s5 =	simm.s32 @p1 $0x1;
	p0 =	seq.s32 s7, s2  }
0x1e: {  	s7 =	smul.u32 @!p0 $0xF7A, s2;
	p2 =	seq.s32 @!p0 s5, $0x0  }
0x1f: {  	s9 =	smul.u32 $0xF7A, s1;
	s8 =	simm.s32 @!p0 $0x1BF5;
	p2 =	por !p2, p0  }
0x20: {  	[sflag:s8] =	ssyncset.s32 @!p0 $0xFFFFF086;
	s6 =	sadd.s32 @!p0 s3, s7;
	s7 =	simm.s32 @!p0 $0x108  }
0x21: {  	s3 =	sadd.s32 s3, s9;
	s6 =	sadd.s32 @!p0 $0x88, s6;
	s7 =	simm.s32 @p2 $0x1082  }
0x22: {  	[simem:s7], [sflag:s8] =	dma.local @!p0 [hbm:s6], $0xF7A  }
0x23: {  	s9 =	sor.u32 $0xD0000000, s2;
	s6 =	simm.s32 $0x108;
	_ =	swait.ge @!p0 [sflag:s8], $0x0  }
0x24: {  	s3 =	sadd.s32 $0x88, s3;
	s6 =	simm.s32 @!p1 $0x1082;
	[sflag:s4] =	ssyncset.s32 $0xFFFFF086  }
0x25: {  	[simem:s6], [sflag:s4] =	dma.local [hbm:s3], $0xF7A  }
0x26: {  	[smem:$0x3F8D] =	sst s1;
	(tag) =	ssettag s2;
	_ =	strace s9  }
0x27: {  	s1 =	sld [smem:$0x3F9D]  }
0x28: {  	s2 =	sld [smem:$0x3F9E]  }
0x29: {  	s4 =	sld [smem:$0x3FA0]  }
0x2a: {  	p0 =	seq.s32 s5, $0x0;
	s5 =	sld [smem:$0x3FA1]  }
0x2b: {  	s6 =	sld [smem:$0x3FA2]  }
0x2c: {  	s7 =	sld [smem:$0x3FA3]  }
0x2d: {  	s3 =	simm.s32 $0x108;
	s8 =	sld [smem:$0x3FA4]  }
0x2e: {  	s3 =	simm.s32 @!p0 $0x1082;
	s9 =	sld [smem:$0x3FA5]  }
0x2f: {  	lr =	sadd.s32 s0, s3;
	s0 =	sld [smem:$0x3F9C]  }
0x30: {  	s3 =	sld [smem:$0x3F9F]  }
0x31: {  	[smem:$0x3FA8] =	sst s10  }
0x32: {  	s10 =	sld [smem:$0x3FA6];
	_ =	sdelay $0x3  }
0x33: {  	p0 =	seq.s32 s10, $0x1;
	s10 =	sld [smem:$0x3FA8];
	_ =	sdelay $0x3  }
0x34: {  	[smem:$0x3FA8] =	sst s10  }
0x35: {  	s10 =	sld [smem:$0x3FA7];
	_ =	sdelay $0x3  }
0x36: {  	p1 =	seq.s32 s10, $0x1;
	s10 =	sld [smem:$0x3FA8];
	_ =	sdelay $0x3  }
0x37: {  	[smem:$0x3FA8] =	sst s10  }
0x38: {  	s10 =	sld [smem:$0x3FA9]  }
0x39: {  	_ = 	snop;
	(pc) =	sbr.ind lr, $3  }
0x3a: {  	_ = 	snop  }
0x3b: {  	_ = 	snop  }
0x3c: {  	p2 =	seq.s32 s10, $0x1;
	s10 =	sld [smem:$0x3FA8]  }
0x3d: {  	_ =	shalt  }
0x3e: {  	_ =	shalt  }
0x3f: {  	_ =	shalt  }
0x40: {  	_ =	shalt  }
0x41: {  	_ =	shalt  }
0x42: {  	_ =	shalt  }
0x43: {  	_ =	shalt  }
0x44: {  	_ =	shalt  }
0x45: {  	_ =	shalt  }
0x46: {  	_ =	shalt  }
0x47: {  	_ =	shalt  }
0x48: {  	_ =	shalt  }
0x49: {  	_ =	shalt  }
0x4a: {  	_ =	shalt  }
0x4b: {  	_ =	shalt  }
0x4c: {  	_ =	shalt  }
0x4d: {  	_ =	shalt  }
0x4e: {  	_ =	shalt  }
0x4f: {  	_ =	shalt  }
0x50: {  	_ =	shalt  }
0x51: {  	_ =	shalt  }
0x52: {  	_ =	shalt  }
0x53: {  	_ =	shalt  }
0x54: {  	_ =	shalt  }
0x55: {  	_ =	shalt  }
0x56: {  	_ =	shalt  }
0x57: {  	_ =	shalt  }
0x58: {  	_ =	shalt  }
0x59: {  	_ =	shalt  }
0x5a: {  	_ =	shalt  }
0x5b: {  	_ =	shalt  }
0x5c: {  	_ =	shalt  }
0x5d: {  	_ =	shalt  }
0x5e: {  	_ =	shalt  }
0x5f: {  	_ =	shalt  }
0x60: {  	_ =	shalt  }
0x61: {  	_ =	shalt  }
0x62: {  	_ =	shalt  }
0x63: {  	_ =	shalt  }
0x64: {  	_ =	shalt  }
0x65: {  	_ =	shalt  }
0x66: {  	_ =	shalt  }
0x67: {  	_ =	shalt  }
0x68: {  	_ =	shalt  }
0x69: {  	_ =	shalt  }
0x6a: {  	_ =	shalt  }
0x6b: {  	_ =	shalt  }
0x6c: {  	_ =	shalt  }
0x6d: {  	_ =	shalt  }
0x6e: {  	_ =	shalt  }
0x6f: {  	_ =	shalt  }
0x70: {  	_ =	shalt  }
0x71: {  	_ =	shalt  }
0x72: {  	_ =	shalt  }
0x73: {  	_ =	shalt  }
0x74: {  	_ =	shalt  }
0x75: {  	_ =	shalt  }
0x76: {  	_ =	shalt  }
0x77: {  	_ =	shalt  }
0x78: {  	_ =	shalt  }
0x79: {  	_ =	shalt  }
0x7a: {  	_ =	shalt  }
0x7b: {  	_ =	shalt  }
0x7c: {  	_ =	shalt  }
0x7d: {  	_ =	shalt  }
0x7e: {  	_ =	shalt  }
0x7f: {  	_ =	shalt  }
0x80: {  	_ =	shalt  }
0x81: {  	_ =	shalt  }
0x82: {  	_ =	shalt  }
0x83: {  	_ =	shalt  }
0x84: {  	_ =	shalt  }
0x85: {  	_ =	shalt  }
0x86: {  	_ =	shalt  }
0x87: {  	_ =	shalt  }
.Lfunc_end0:
.L_simem_size_0:
called_computation.5_lowered:
.L_overlay_start_0:
0x88: {  	s2 =	sld [smem:$0x3FD9]  }
0x89: {  	s3 =	sld [smem:$0x3FFE];
	_ =	sdelay $0x1  }
0x8a: {  	s1 =	srdreg.scid  }
0x8b: {  	s0 =	sand.u32 $0x1, s1  }
0x8c: {  	s16 =	sshll.u32 s0, $0xA;
	s2 =	sadd.s32 s3, s2  }
0x8d: {  	s2 =	sadd.s32 s2, s16  }
0x8e: {  	[smem:$0x3FB4] =	sst s2  }
0x8f: {  	_ = 	snop  }
0x90: {  	(tm) =	ssettm $0x1  }
0x91: {  	s17 =	sld [smem:$0x3FFB];
	_ =	sdelay $0x3  }
0x92: {  	_ =	strace s17  }
0x93: {  	s2 =	sld [smem:$0x3FFC];
	_ =	sdelay $0x3  }
0x94: {  	_ =	strace s2  }
0x95: {  	s2 =	sld [smem:$0x3FFD];
	_ =	sdelay $0x3  }
0x96: {  	_ =	strace s2  }
0x97: {  	_ =	strace $0x8FFFFFFF  }
0x98: {  	s18 =	sld [smem:$0x3FDB];
	_ =	sdelay $0x1  }
0x99: {  	s19 =	simm.s32 $_scs_section_size  }
0x9a: {  	s4 =	simm.s32 $_size__tile_overlayer_lowered;
	s5 =	simm.s32 $_tile_overlayer_lowered  }
0x9b: {  	s22 =	simm.s32 $0x1BFF;
	s21 =	sshll.u32 s5, $0x1;
	s2 =	sadd.s32 s19, s18  }
0x9c: {  	s6 =	simm.s32 $0x0;
	s20 =	sshll.u32 s4, $0x1;
	s4 =	sadd.s32 s21, s2  }
0x9d: {  	[timem:s6], [sflag:s22] =	dma.local [hbm:s4], s20  }
0x9e: {  	_ =	swait.ge [sflag:s22], s20  }
0x9f: {  	s3 =	ssub.s32 $0x0, s20;
	[sflag:s22] =	ssyncset.done $0x0  }
0xa0: {  	[sflag:s22] =	ssyncadd.s32 s3;
	_ =	sdelay $0x1  }
0xa1: {  	s23 =	simm.s32 $0x1B8B  }
0xa2: {  	_ =	swait.ge [sflag:s23], $0x1  }
0xa3: {  	[sflag:s23] =	ssyncset.done $0x0  }
0xa4: {  	s25 =	simm.s32 $0x1B8E;
	s24 =	sld [smem:$0x3FFE];
	[sflag:s23] =	ssyncadd.s32 $0xFFFFFFFF  }
0xa5: {  	s26 =	simm.s32 $execute0_lowered;
	[smem:$0x3FD2] =	sst s25  }
0xa6: {  	s4 =	sshll.u32 s26, $0x1;
	_ =	strace $0x80000055;
	[dreg:$0x1] =	wrdreg $0xFFFFFFFF  }
0xa7: {  	s28 =	simm.s32 $_size_execute0_lowered;
	s2 =	sadd.s32 s2, s4;
	[dreg:$0x0] =	wrdreg $0x0  }
0xa8: {  	s4 =	sshll.u32 s28, $0x1;
	[dreg:$0x2] =	wrdreg s2  }
0xa9: {  	[dreg:$0x3] =	wrdreg s4  }
0xaa: {  	[dreg:$0x4] =	wrdreg $0xC0  }
0xab: {  	_ =	task [dreg:s6], $0x5FFFF  }
0xac: {  	[dreg:$0x1] =	wrdreg $0xFFFFFFFF  }
0xad: {  	[dreg:$0x0] =	wrdreg $0x60  }
0xae: {  	[dreg:$0x2] =	wrdreg s24  }
0xaf: {  	[dreg:$0x3] =	wrdreg $0xC0000  }
0xb0: {  	[dreg:$0x4] =	wrdreg $0x9  }
0xb1: {  	_ =	task.clear_ibuf [dreg:s6], $0x5FFFF;
	_ =	strace $0x90000055  }
0xb2: {  	s29 =	simm.s32 $0x9;
	_ =	strace $0x80000057  }
0xb3: {  	_ =	swait.ge [sflag:s29], $0x1  }
0xb4: {  	[sflag:s29] =	ssyncadd.s32 $0xFFFFFFFF  }
0xb5: {  	_ =	strace $0x90000057  }
0xb6: {  	_ =	sfence  }
0xb7: {  	s30 =	sld [smem:$0x0];
	_ =	sdelay $0x2  }
0xb8: {  	s31 =	sshll.u32 s1, $0xD;
	s1 =	sshrl.u32 s1, $0x2  }
0xb9: {  	s3 =	sand.u32 $0x4000, s31;
	s1 =	sadd.s32 s1, s30  }
0xba: {  	s0 =	sor.u32 s3, s0;
	s1 =	sshll.u32 s1, $0x11  }
0xbb: {  	s0 =	sor.u32 s1, s0  }
0xbc: {  	s0 =	sadd.s32 $0x8F2B, s0  }
0xbd: {  	[sflag:s0] =	ssyncadd.remote.s32 $0x1  }
0xbe: {  	_ =	sfence.sel $0xFFFF  }
0xbf: {  	[dreg:$0x0] =	wrdreg $0xFFFFFFFF;
	(pc) =	sbr.abs _section_cstart, $3  }
0xc0: {  	[dreg:$0x1] =	wrdreg $0xFFFFFFFF  }
0xc1: {  	_ =	task.clear_ibuf [dreg:s6], $0x2FFFF;
	_ =	strace $0x9FFFFFFF  }
0xc2: {  	(tm) =	ssettm $0x7FFFFFFF  }
0xc3: {  	_ =	shalt  }
tec
execute0_lowered:
.L_overlay_start_1:
0x0: {  	(tag) =	ssettag $0x1  }
0x1: {  	s5 =	rddreg [dreg:$0x0]  }
0x2: {  	s2 =	rddreg [dreg:$0x1];
	s3 =	srdreg.scid  }
0x3: {  	s0 =	rddreg [dreg:$0x2];
	s1 =	stileid.u32  }
0x4: {  	s11 =	simm.s32 $0x3;
	s12 =	simm.s32 $0x2800;
	s13 =	simm.s32 $0x80  }
0x5: {  	s14 =	simm.s32 $0x5000;
	s15 =	simm.s32 $0x6000;
	s16 =	simm.s32 $0x1  }
0x6: {  	s17 =	simm.s32 $0x2;
	s6 =	sand.u32 $0x1, s3;
	s3 =	simm.s32 $0x0  }
0x7: {  	s7 =	smul.u32 $0x5000, s1;
	s18 =	sshll.u32 s1, $0x6;
	s4 =	sshll.u32 s6, $0x4  }
0x8: {  	[smem:$0x7FF] =	sst s3;
	s8 =	smul.u32 $0x50000, s6;
	s6 =	ssub.s32 $0x2, s6  }
0x9: {  	s18 =	sor.u32 $0x1C03, s18;
	s4 =	sor.u32 s1, s4;
	_ =	strace $0x80000056  }
0xa: {  	s10 =	sshrl.u32 s6, $0x1;
	s9 =	smul.u32 $0x500, s4;
	s8 =	sadd.s32 s7, s8  }
0xb: {  	s4 =	sadd.s32 $0x17E00, s5;
	s10 =	ssub.s32 s6, s10;
	s8 =	sshrl.u32 s8, $0x3  }
0xc: {  	s9 =	sadd.s32 s9, s5;
	s8 =	sadd.s32 s8, s5;
	s5 =	sadd.s32 s7, s2  }
0xd: {  	s6 =	sadd.s32 $0xDE00, s9;
	s7 =	sadd.s32 $0x3E00, s9;
	s8 =	sadd.s32 $0x21E00, s8  }
0xe: {  	v0 =	vimm.f32 $0.0e+00;
	s9 =	smax.u32 s10, $0x1;
	s10 =	simm.s32 $0x7000;
	s19 =	sshrl.u32 s5, $0x3  }
.LBB2_1:
0xf: {  	s20 =	simm.s32 $0x80;
	s21 =	simm.s32 $0x0  }
.LBB2_2:
0x10: {  	p0 =	sne.s32 s20, $0x13F80;
	[tilespmem:s21+$0x7000] =	vst v0;
	s22 =	smov.u32 s20;
	s20 =	sadd.s32 $0x80, s20  }
.Ltmp0:
0x11: {  	[tilespmem:s21+$0x7010] =	vst v0;
	(pc) =	sbr.rel @p0 .LBB2_2-.Ltmp0, $2  }
0x12: {  	_ =	sdelay $0x2  }
0x13: {  	s21 =	sshra.s32 s22, $0x2  }
0x14: {  	[tilespmem:s21+$0x7000] =	vst v0  }
0x15: {  	[tilespmem:s21+$0x7010] =	vst v0  }
0x16: {  	[spmem:s5] =	stream.linear.scatter [tilespmem:s10], [sflag:$0x3], $0x5000, $0x38;
	[tilespmem:$0x11000] =	vst v63  }
0x17: {  	_ =	swait.ge [sflag:s11], $0x5000  }
0x18: {  	[sflag:s11] =	ssyncset.done $0x0  }
0x19: {  	s20 =	simm.s32 $0x0;
	[sflag:s11] =	ssyncadd.s32 $0xFFFFB000  }
0x1a: {  	[tilespmem:s20], [sflag:$0x3] =	stream.linear.gather [hbm4b:s6+s20], $0x2800, $0x38;
	[tilespmem:$0x11000] =	vst v63  }
0x1b: {  	_ =	swait.ge [sflag:s11], $0x2800  }
0x1c: {  	[sflag:s11] =	ssyncset.done $0x0  }
0x1d: {  	[sflag:s11] =	ssyncadd.s32 $0xFFFFD800  }
0x1e: {  	[tilespmem:s12], [sflag:$0x3] =	stream.linear.gather [hbm4b:s7+s20], $0x2800, $0x38;
	[tilespmem:$0x11000] =	vst v63  }
0x1f: {  	_ =	swait.ge [sflag:s11], $0x2800  }
0x20: {  	[sflag:s11] =	ssyncset.done $0x0  }
0x21: {  	[sflag:s11] =	ssyncadd.s32 $0xFFFFD800  }
0x22: {  	s28 =	simm.s32 $0x0;
	[bflag:$0x0] =	sbarrier.arrive $0xFFFF  }
0x23: {  	[tilespmem:s14], [sflag:$0x1] =	stream.indirect.gather [hbm4b:s4+s13], $0x20, s28, s13, $0xb8;
	[tilespmem:$0x11000] =	vst v63  }
0x24: {  	s29 =	simm.s32 $0x80  }
0x25: {  	[tilespmem:s15], [sflag:$0x2] =	stream.indirect.gather [hbm4b:s4+s13], $0x20, s29, s13, $0xb8;
	[tilespmem:$0x11000] =	vst v63  }
0x26: {  	_ =	swait.ge [sflag:s16], $0x1000  }
0x27: {  	[sflag:s16] =	ssyncset.done $0x0  }
0x28: {  	s30 =	simm.s32 $0x2800;
	[sflag:s16] =	ssyncadd.s32 $0xFFFFF000  }
0x29: {  	[spmem:s2] =	stream.indirect.scatter.add.f32 [tilespmem:s14], [sflag:$0x3], $0x20, s30, s13, $0xb8;
	[tilespmem:$0x11000] =	vst v63  }
0x2a: {  	_ =	swait.ge [sflag:s11], $0x1000  }
0x2b: {  	[sflag:s11] =	ssyncset.done $0x0  }
0x2c: {  	[sflag:s11] =	ssyncadd.s32 $0xFFFFF000  }
0x2d: {  	_ =	swait.ge [sflag:s17], $0x1000  }
0x2e: {  	[sflag:s17] =	ssyncset.done $0x0  }
0x2f: {  	s31 =	simm.s32 $0x2880;
	[sflag:s17] =	ssyncadd.s32 $0xFFFFF000  }
0x30: {  	[spmem:s2] =	stream.indirect.scatter.add.f32 [tilespmem:s15], [sflag:$0x3], $0x20, s31, s13, $0xb8;
	[tilespmem:$0x11000] =	vst v63  }
0x31: {  	_ =	swait.ge [sflag:s11], $0x1000  }
0x32: {  	s21 =	simm.s32 $0x800;
	s20 =	simm.s32 $0x400;
	[sflag:s11] =	ssyncset.done $0x0  }
.LBB2_4:
0x33: {  	s22 =	sshra.s32 s20, $0x2  }
0x34: {  	[sflag:s11] =	ssyncadd.s32 $0xFFFFF000;
	s20 =	smov.u32 s21;
	s23 =	sadd.s32 $0x400, s21  }
0x35: {  	[tilespmem:s14], [sflag:$0x1] =	stream.indirect.gather [hbm4b:s4+s13], $0x20, s22, s13, $0xb8;
	[tilespmem:$0x11000] =	vst v63  }
0x36: {  	p0 =	sne.s32 s21, $0x9C00;
	s21 =	sadd.s32 $0x80, s22  }
0x37: {  	[tilespmem:s15], [sflag:$0x2] =	stream.indirect.gather [hbm4b:s4+s13], $0x20, s21, s13, $0xb8;
	[tilespmem:$0x11000] =	vst v63  }
0x38: {  	_ =	swait.ge [sflag:s16], $0x1000  }
0x39: {  	[sflag:s16] =	ssyncset.done $0x0  }
0x3a: {  	s21 =	sadd.s32 $0x2800, s22;
	[sflag:s16] =	ssyncadd.s32 $0xFFFFF000  }
0x3b: {  	[spmem:s2] =	stream.indirect.scatter.add.f32 [tilespmem:s14], [sflag:$0x3], $0x20, s21, s13, $0xb8;
	[tilespmem:$0x11000] =	vst v63  }
0x3c: {  	_ =	swait.ge [sflag:s11], $0x1000  }
0x3d: {  	[sflag:s11] =	ssyncset.done $0x0  }
0x3e: {  	[sflag:s11] =	ssyncadd.s32 $0xFFFFF000  }
0x3f: {  	_ =	swait.ge [sflag:s17], $0x1000  }
.Ltmp1:
0x40: {  	[sflag:s17] =	ssyncset.done $0x0;
	(pc) =	sbr.rel @p0 .LBB2_4-.Ltmp1, $4  }
0x41: {  	s21 =	sadd.s32 $0x2880, s22;
	[sflag:s17] =	ssyncadd.s32 $0xFFFFF000  }
0x42: {  	[spmem:s2] =	stream.indirect.scatter.add.f32 [tilespmem:s15], [sflag:$0x3], $0x20, s21, s13, $0xb8;
	[tilespmem:$0x11000] =	vst v63  }
0x43: {  	_ =	swait.ge [sflag:s11], $0x1000  }
0x44: {  	s21 =	smov.u32 s23;
	[sflag:s11] =	ssyncset.done $0x0  }
0x45: {  	s20 =	sshra.s32 s20, $0x2;
	[sflag:s11] =	ssyncadd.s32 $0xFFFFF000  }
0x46: {  	[tilespmem:s14], [sflag:$0x1] =	stream.indirect.gather [hbm4b:s4+s13], $0x20, s20, s13, $0xb8;
	[tilespmem:$0x11000] =	vst v63  }
0x47: {  	s21 =	sadd.s32 $0x80, s20  }
0x48: {  	[tilespmem:s15], [sflag:$0x2] =	stream.indirect.gather [hbm4b:s4+s13], $0x20, s21, s13, $0xb8;
	[tilespmem:$0x11000] =	vst v63  }
0x49: {  	_ =	swait.ge [sflag:s16], $0x1000  }
0x4a: {  	[sflag:s16] =	ssyncset.done $0x0  }
0x4b: {  	s31 =	sadd.s32 $0x2800, s20;
	[sflag:s16] =	ssyncadd.s32 $0xFFFFF000  }
0x4c: {  	[spmem:s2] =	stream.indirect.scatter.add.f32 [tilespmem:s14], [sflag:$0x3], $0x20, s31, s13, $0xb8;
	[tilespmem:$0x11000] =	vst v63  }
0x4d: {  	_ =	swait.ge [sflag:s11], $0x1000  }
0x4e: {  	[sflag:s11] =	ssyncset.done $0x0  }
0x4f: {  	[sflag:s11] =	ssyncadd.s32 $0xFFFFF000  }
0x50: {  	_ =	swait.ge [sflag:s17], $0x1000  }
0x51: {  	[sflag:s17] =	ssyncset.done $0x0  }
0x52: {  	s20 =	sadd.s32 $0x2880, s20;
	[sflag:s17] =	ssyncadd.s32 $0xFFFFF000  }
0x53: {  	[spmem:s2] =	stream.indirect.scatter.add.f32 [tilespmem:s15], [sflag:$0x3], $0x20, s20, s13, $0xb8;
	[tilespmem:$0x11000] =	vst v63  }
0x54: {  	_ =	swait.ge [sflag:s11], $0x1000  }
0x55: {  	s3 =	sadd.s32 $0x1, s3;
	[sflag:s11] =	ssyncset.done $0x0  }
0x56: {  	p0 =	sne.s32 s3, s9;
	[sflag:s11] =	ssyncadd.s32 $0xFFFFF000  }
.Ltmp2:
0x57: {  	[bflag:$0x0] =	sbarrier.arrive $0xFFFF;
	(pc) =	sbr.rel @p0 .LBB2_1-.Ltmp2, $4  }
0x58: {  	[hbm:s8], [sflag:s18] =	dma.local [spmem:s19], $0xA00  }
0x59: {  	_ =	swait.ge [sflag:s11], $0xA00  }
0x5a: {  	[sflag:s11] =	ssyncset.done $0x0  }
0x5b: {  	[sflag:s11] =	ssyncadd.s32 $0xFFFFF600  }
0x5c: {  	_ =	sfence.sel $0x180000  }
0x5d: {  	[bflag:$0x0] =	sbarrier.arrive $0xFFFF  }
0x5e: {  	p0 =	sne.s32 s1, $0x0;
	_ =	strace $0x90000056  }
0x5f: {  	s0 =	sadd.s32 @!p0 $0x100000, s0;
	[bflag:$0x2] =	sbarrier.arrive $0xFFFF  }
0x60: {  	[sflag:s0] =	ssyncadd.tile.s32 @!p0 $0x1;
	_ =	shalt  }
.Lfunc_end2:
_tile_overlayer_lowered:
.L_overlay_start_2:
0x61: {  	(tag) =	ssettag $0x2  }
0x62: {  	s0 =	rddreg [dreg:$0x0];
	s2 =	stileid.u32  }
0x63: {  	s1 =	rddreg [dreg:$0x1];
	p0 =	sne.s32 s2, $0x0  }
0x64: {  	s3 =	rddreg [dreg:$0x2];
	[bflag:$0x3] =	sbarrier.arrive $0xFFFF;
	s2 =	simm.s32 @!p0 $0x1C03  }
0x65: {  	[timem:s3], [sflag:s2] =	dma.local @!p0 [hbm:s0], s1  }
0x66: {  	s0 =	simm.s32 @!p0 $0x3  }
0x67: {  	_ =	swait.ge @!p0 [sflag:s0], s1  }
0x68: {  	s1 =	ssub.s32 @!p0 $0x0, s1;
	[sflag:s0] =	ssyncset.done @!p0 $0x0  }
0x69: {  	[sflag:s0] =	ssyncadd.s32 @!p0 s1  }
0x6a: {  	[bflag:$0x3] =	sbarrier.arrive $0xFFFF  }
0x6b: {  	_ =	shalt  }

</sc_bundles>
